<compile_context>
chip_gen: v7x
topology: tpu7x:2x2x1
jax: 0.10.2.dev20260603
libtpu: 0.0.44.dev20260713+nightly
codegen_flags: <defaults>
</compile_context>

<pallas_src>
import functools

import jax
import jax.numpy as jnp
from jax import lax
from jax.experimental import pallas as pl
from jax.experimental.pallas import tpu as pltpu
from jax.experimental.pallas import tpu_sc as plsc

N = 10000
N_PAD = 10240
F_IN = 128
HID = 128
C_OUT = 17
C_PAD = 128
E = 320000
E_PAD = 327680
NW = 32
ROWS_W = E_PAD // NW // 128
BLK = 8
ROWS_TOT = E_PAD // 128
ROWS_C0 = 2304
ROWS_C1 = ROWS_TOT - ROWS_C0
RPS = N_PAD // 16
R_TC = 1280
G_TC = N_PAD // R_TC


def _sc_mesh():
    return plsc.VectorSubcoreMesh(core_axis_name="c", subcore_axis_name="s",
                                  num_cores=2, num_subcores=16)



def _make_deg():
    @functools.partial(
        pl.kernel,
        out_type=jax.ShapeDtypeStruct((2, N_PAD, 128), jnp.float32),
        mesh=_sc_mesh(),
        scratch_types=[
            pltpu.VMEM((BLK, 128), jnp.int32),
            pltpu.VMEM((128, 128), jnp.float32),
            pltpu.VMEM_SHARED((N_PAD, 128), jnp.float32),
            pltpu.SemaphoreType.DMA,
        ],
    )
    def deg_kernel(dst_hbm, zeros_hbm, ones_hbm, out_hbm, dst_v, ones_v, acc_sh,
                   sem):
        c = lax.axis_index("c")
        s = lax.axis_index("s")
        wid = c * 16 + s
        pltpu.sync_copy(zeros_hbm.at[pl.ds(s * RPS, RPS)],
                        acc_sh.at[pl.ds(s * RPS, RPS)])
        pltpu.sync_copy(ones_hbm, ones_v)
        plsc.subcore_barrier()
        row0 = wid * ROWS_W

        def outer(g, carry):
            pltpu.sync_copy(dst_hbm.at[pl.ds(row0 + g * BLK, BLK)], dst_v)
            cps = [pltpu.async_copy(ones_v, acc_sh.at[dst_v.at[j]], sem, add=True)
                   for j in range(BLK)]
            for cp in cps:
                cp.wait()
            return carry

        lax.fori_loop(0, ROWS_W // BLK, outer, 0)
        plsc.subcore_barrier()
        pltpu.sync_copy(acc_sh.at[pl.ds(s * RPS, RPS)],
                        out_hbm.at[c, pl.ds(s * RPS, RPS)])

    return deg_kernel


def _make_agg():
    @functools.partial(
        pl.kernel,
        out_type=jax.ShapeDtypeStruct((2, N_PAD, 128), jnp.float32),
        mesh=_sc_mesh(),
        scratch_types=[
            pltpu.VMEM((BLK, 128), jnp.int32),
            pltpu.VMEM((BLK, 128), jnp.int32),
            pltpu.VMEM((128, 128), jnp.float32),
            pltpu.VMEM((128, 128), jnp.float32),
            pltpu.VMEM_SHARED((N_PAD, 128), jnp.float32),
            pltpu.SemaphoreType.DMA,
            pltpu.SemaphoreType.DMA,
        ],
    )
    def agg_kernel(y_hbm, src_hbm, dst_hbm, zeros_hbm, out_hbm,
                   src_v, dst_v, rows_a, rows_b, acc_sh, sem_a, sem_b):
        c = lax.axis_index("c")
        s = lax.axis_index("s")
        wid = c * 16 + s
        sl = pl.ds(s * RPS, RPS)
        pltpu.sync_copy(zeros_hbm.at[sl], acc_sh.at[sl])
        plsc.subcore_barrier()
        is0 = c == 0
        row0 = jnp.where(is0, s * (ROWS_C0 // 16), ROWS_C0 + s * (ROWS_C1 // 16))
        nblk = jnp.where(is0, ROWS_C0 // 16 // BLK, ROWS_C1 // 16 // BLK)
        bufs = ((rows_a, sem_a), (rows_b, sem_b))

        def outer(g, carry):
            pltpu.sync_copy(src_hbm.at[pl.ds(row0 + g * BLK, BLK)], src_v)
            pltpu.sync_copy(dst_hbm.at[pl.ds(row0 + g * BLK, BLK)], dst_v)
            pltpu.async_copy(y_hbm.at[src_v.at[0]], rows_a, sem_a)
            for j in range(BLK):
                buf, sem = bufs[j % 2]
                pltpu.make_async_copy(y_hbm.at[src_v.at[j]], buf, sem).wait()
                if j + 1 < BLK:
                    nbuf, nsem = bufs[(j + 1) % 2]
                    pltpu.async_copy(y_hbm.at[src_v.at[j + 1]], nbuf, nsem)
                pltpu.sync_copy(buf, acc_sh.at[dst_v.at[j]], add=True)
            return carry

        lax.fori_loop(0, nblk, outer, 0)
        plsc.subcore_barrier()
        pltpu.sync_copy(acc_sh.at[sl], out_hbm.at[c, sl])

    return agg_kernel


_make_deg = functools.lru_cache(maxsize=None)(_make_deg)
_make_agg = functools.lru_cache(maxsize=None)(_make_agg)



def _dis_invdeg(deg_ref):
    deg = 1.0 + deg_ref[0][:, 0:1] + deg_ref[1][:, 0:1]
    return lax.rsqrt(deg), 1.0 / deg


def _stage1_body(x_ref, w_ref, deg_ref, y_ref, xw_ref):
    xw = jnp.dot(x_ref[...], w_ref[...], preferred_element_type=jnp.float32)
    dis, _ = _dis_invdeg(deg_ref)
    xw_ref[...] = xw
    y_ref[...] = xw * dis


def _stage2_body(a_ref, xw_ref, deg_ref, b1_ref, w2_ref, y2_ref, xw2_ref):
    dis, inv_deg = _dis_invdeg(deg_ref)
    o1 = (a_ref[0] + a_ref[1]) * dis + xw_ref[...] * inv_deg + b1_ref[...]
    h = jnp.maximum(o1, 0.0)
    xw2 = jnp.dot(h, w2_ref[...], preferred_element_type=jnp.float32)
    xw2_ref[...] = xw2
    y2_ref[...] = xw2 * dis


def _stage3_body(a_ref, xw2_ref, deg_ref, b2_ref, out_ref):
    dis, inv_deg = _dis_invdeg(deg_ref)
    o = (a_ref[0] + a_ref[1]) * dis + xw2_ref[...] * inv_deg + b2_ref[...]
    logits = o[:, :C_OUT]
    m = jnp.max(logits, axis=1, keepdims=True)
    lse = m + jnp.log(jnp.sum(jnp.exp(logits - m), axis=1, keepdims=True))
    out_ref[...] = logits - lse


def _row_spec(w):
    return pl.BlockSpec((R_TC, w), lambda i: (i, 0))


def _part_spec(w):
    return pl.BlockSpec((2, R_TC, w), lambda i: (0, i, 0))


def _full_spec(r, w):
    return pl.BlockSpec((r, w), lambda i: (0, 0))


def _stage1(x_p, w1, degp):
    return pl.pallas_call(
        _stage1_body,
        grid=(G_TC,),
        in_specs=[_row_spec(F_IN), _full_spec(F_IN, HID), _part_spec(128)],
        out_specs=[_row_spec(HID), _row_spec(HID)],
        out_shape=[jax.ShapeDtypeStruct((N_PAD, HID), jnp.float32),
                   jax.ShapeDtypeStruct((N_PAD, HID), jnp.float32)],
    )(x_p, w1, degp)


def _stage2(acc1, xw1, degp, b1, w2p):
    return pl.pallas_call(
        _stage2_body,
        grid=(G_TC,),
        in_specs=[_part_spec(HID), _row_spec(HID), _part_spec(128),
                  _full_spec(1, HID), _full_spec(HID, C_PAD)],
        out_specs=[_row_spec(C_PAD), _row_spec(C_PAD)],
        out_shape=[jax.ShapeDtypeStruct((N_PAD, C_PAD), jnp.float32),
                   jax.ShapeDtypeStruct((N_PAD, C_PAD), jnp.float32)],
    )(acc1, xw1, degp, b1, w2p)


def _stage3(acc2, xw2, degp, b2p):
    return pl.pallas_call(
        _stage3_body,
        grid=(G_TC,),
        in_specs=[_part_spec(C_PAD), _row_spec(C_PAD), _part_spec(128),
                  _full_spec(1, C_PAD)],
        out_specs=_row_spec(C_OUT),
        out_shape=jax.ShapeDtypeStruct((N_PAD, C_OUT), jnp.float32),
    )(acc2, xw2, degp, b2p)



def kernel(x, edge_index, W1, b1, W2, b2):
    idt = edge_index.dtype
    pad_idx = jnp.full((E_PAD - E,), N, dtype=idt)
    srcp = jnp.concatenate([edge_index[0], pad_idx]).reshape(E_PAD // 128, 128)
    dstp = jnp.concatenate([edge_index[1], pad_idx]).reshape(E_PAD // 128, 128)
    srcp = srcp.astype(jnp.int32)
    dstp = dstp.astype(jnp.int32)

    x_p = jnp.pad(x, ((0, N_PAD - N), (0, 0)))
    w2p = jnp.pad(W2, ((0, 0), (0, C_PAD - C_OUT)))
    b1r = b1.reshape(1, HID)
    b2p = jnp.pad(b2, (0, C_PAD - C_OUT)).reshape(1, C_PAD)
    zeros128 = jnp.zeros((N_PAD, HID), jnp.float32)
    ones128 = jnp.ones((128, 128), jnp.float32)

    degp = _make_deg()(dstp, zeros128, ones128)
    y1, xw1 = _stage1(x_p, W1, degp)
    acc1 = _make_agg()(y1, srcp, dstp, zeros128)
    y2, xw2 = _stage2(acc1, xw1, degp, b1r, w2p)
    acc2 = _make_agg()(y2, srcp, dstp, zeros128)
    outp = _stage3(acc2, xw2, degp, b2p)
    return outp[:N]

# --- scband reference (transcript-rebuilt; emitter-appended) ---
"""Pipeline reference for scband-gnn-44908178047439 (READ-ONLY COPY).

The authoritative reference and input builder live on the scoring server;
editing this copy changes nothing except your own understanding.
"""

import jax, jax.numpy as jnp
import numpy as np

N = 10000
E = 320000
F_IN = 128
HID = 128
NUM_CLASSES = 16
C_OUT = NUM_CLASSES + 1  # conv2 outputs num_classes + 1 per original module


def setup_inputs(seed: int = 0):
    key = jax.random.key(seed)
    k1, k2, k3, k4 = jax.random.split(key, 4)
    x = jax.random.normal(k1, (N, F_IN), dtype=jnp.float32)
    edge_index = jax.random.randint(k2, (2, E), 0, N)
    W1 = jax.random.normal(k3, (F_IN, HID), dtype=jnp.float32) * (1.0 / np.sqrt(F_IN))
    b1 = jnp.zeros((HID,), dtype=jnp.float32)
    W2 = jax.random.normal(k4, (HID, C_OUT), dtype=jnp.float32) * (1.0 / np.sqrt(HID))
    b2 = jnp.zeros((C_OUT,), dtype=jnp.float32)
    return {"x": x, "edge_index": edge_index, "W1": W1, "b1": b1, "W2": W2, "b2": b2}


def gcn_conv(x, edge_index, W, b):
    # Faithful GCNConv: add self-loops, symmetric normalization D^-1/2 A_hat D^-1/2, then XW + b
    num_nodes = x.shape[0]
    src = edge_index[0]
    dst = edge_index[1]
    loop = jnp.arange(num_nodes, dtype=src.dtype)
    src = jnp.concatenate([src, loop])
    dst = jnp.concatenate([dst, loop])
    deg = jnp.zeros((num_nodes,), dtype=x.dtype).at[dst].add(1.0)
    deg_inv_sqrt = jnp.where(deg > 0, 1.0 / jnp.sqrt(deg), 0.0)
    norm = deg_inv_sqrt[src] * deg_inv_sqrt[dst]
    xw = x @ W
    msg = xw[src] * norm[:, None]
    out = jnp.zeros((num_nodes, W.shape[1]), dtype=x.dtype).at[dst].add(msg)
    return out + b


def reference(x, edge_index, W1, b1, W2, b2):
    h = gcn_conv(x, edge_index, W1, b1)
    h = jax.nn.relu(h)
    # F.dropout with training=self.training -> identity in eval mode
    out = gcn_conv(h, edge_index, W2, b2)
    return jax.nn.log_softmax(out, axis=1)

if __name__ == "__main__":
    import jax
    _d = setup_inputs()
    print(jax.jit(kernel)(*tuple(_d.values())))

</pallas_src>

<mosaic_0001>
#map = affine_map<(d0, d1) -> (0, 0)>
#map1 = affine_map<(d0, d1) -> (0, 0, 0)>
module attributes {stable_mosaic.version = 14 : i64} {
  func.func @deg_kernel(%arg0: i32, %arg1: i32, %arg2: memref<2560x128xi32, #tpu.memory_space<hbm>>, %arg3: memref<10240x128xf32, #tpu.memory_space<hbm>>, %arg4: memref<128x128xf32, #tpu.memory_space<hbm>>, %arg5: memref<2x10240x128xf32, #tpu.memory_space<hbm>>, %arg6: memref<8x128xi32, #tpu.memory_space<vmem>>, %arg7: memref<128x128xf32, #tpu.memory_space<vmem>>, %arg8: memref<10240x128xf32, #tpu.memory_space<vmem_shared>>, %arg9: memref<!tpu.dma_semaphore, #tpu.memory_space<semaphore_mem>>) attributes {dimension_semantics = [#tpu.dimension_semantics<core_parallel>, #tpu.dimension_semantics<subcore_parallel>], iteration_bounds = array<i64: 2, 16>, scalar_prefetch = 0 : i64, scratch_operands = 4 : i64, tpu.core_type = #tpu.core_type<sc_vector_subcore>, window_params = [{transform_indices = #map}, {transform_indices = #map}, {transform_indices = #map}, {transform_indices = #map1}]} {
    %mul3A = arith.constant 16 : i32
    %mul3A_0 = arith.muli %arg0, %mul3A : i32
    %add3A = arith.addi %mul3A_0, %arg1 : i32
    %mul3A_1 = arith.constant 640 : i32
    %mul3A_2 = arith.muli %arg1, %mul3A_1 : i32
    %mul3A_3 = arith.constant 640 : i32
    %mul3A_4 = arith.muli %arg1, %mul3A_3 : i32
    "tpu.region"() ({
      %run_scoped3A = tpu.sem_alloc : memref<!tpu.dma_semaphore, #tpu.memory_space<semaphore_mem>>
      %dma_start3A = arith.constant 0 : i32
      %dma_start3A_17 = tpu.memref_slice %arg8[%mul3A_4, %dma_start3A] : memref<10240x128xf32, #tpu.memory_space<vmem_shared>> -> memref<640x128xf32, #tpu.memory_space<vmem_shared>>
      %dma_start3A_18 = arith.constant 0 : i32
      %dma_start3A_19 = tpu.memref_slice %arg3[%mul3A_2, %dma_start3A_18] : memref<10240x128xf32, #tpu.memory_space<hbm>> -> memref<640x128xf32, #tpu.memory_space<hbm>>
      tpu.enqueue_dma source(%dma_start3A_19 : memref<640x128xf32, #tpu.memory_space<hbm>>) target(%dma_start3A_17 : memref<640x128xf32, #tpu.memory_space<vmem_shared>>) target_semaphore(%run_scoped3A : memref<!tpu.dma_semaphore, #tpu.memory_space<semaphore_mem>>)
      %dma_wait3A = arith.constant 0 : i32
      %dma_wait3A_20 = tpu.memref_slice %arg8[%mul3A_4, %dma_wait3A] : memref<10240x128xf32, #tpu.memory_space<vmem_shared>> -> memref<640x128xf32, #tpu.memory_space<vmem_shared>>
      %dma_wait3A_21 = arith.constant 0 : i32
      %dma_wait3A_22 = tpu.memref_slice %arg3[%mul3A_2, %dma_wait3A_21] : memref<10240x128xf32, #tpu.memory_space<hbm>> -> memref<640x128xf32, #tpu.memory_space<hbm>>
      tpu.wait_dma2 semaphore(%run_scoped3A : memref<!tpu.dma_semaphore, #tpu.memory_space<semaphore_mem>>) src(%dma_wait3A_22 : memref<640x128xf32, #tpu.memory_space<hbm>>) dst(%dma_wait3A_20 : memref<640x128xf32, #tpu.memory_space<vmem_shared>>)
      tpu.yield
    }) : () -> ()
    "tpu.region"() ({
      %run_scoped3A = tpu.sem_alloc : memref<!tpu.dma_semaphore, #tpu.memory_space<semaphore_mem>>
      tpu.enqueue_dma source(%arg4 : memref<128x128xf32, #tpu.memory_space<hbm>>) target(%arg7 : memref<128x128xf32, #tpu.memory_space<vmem>>) target_semaphore(%run_scoped3A : memref<!tpu.dma_semaphore, #tpu.memory_space<semaphore_mem>>)
      tpu.wait_dma2 semaphore(%run_scoped3A : memref<!tpu.dma_semaphore, #tpu.memory_space<semaphore_mem>>) src(%arg4 : memref<128x128xf32, #tpu.memory_space<hbm>>) dst(%arg7 : memref<128x128xf32, #tpu.memory_space<vmem>>)
      tpu.yield
    }) : () -> ()
    %barrier3A = arith.constant 0 : index
    tpu.barrier barrier_id(%barrier3A)
    %mul3A_5 = arith.constant 80 : i32
    %mul3A_6 = arith.muli %add3A, %mul3A_5 : i32
    %scan3A = arith.constant 0 : i32
    %scan3A_7 = arith.constant 0 : i32
    %scan3A_8 = arith.constant 10 : i32
    %scan3A_9 = arith.addi %scan3A_7, %scan3A_8 : i32
    %scan3A_10 = arith.constant 1 : i32
    scf.for %scan3A_17 = %scan3A_7 to %scan3A_9 step %scan3A_10  : i32 {
      %mul3A_18 = arith.constant 8 : i32
      %mul3A_19 = arith.muli %scan3A_17, %mul3A_18 : i32
      %add3A_20 = arith.addi %mul3A_6, %mul3A_19 : i32
      "tpu.region"() ({
        %run_scoped3A = tpu.sem_alloc : memref<!tpu.dma_semaphore, #tpu.memory_space<semaphore_mem>>
        %dma_start3A_131 = arith.constant 0 : i32
        %dma_start3A_132 = tpu.memref_slice %arg2[%add3A_20, %dma_start3A_131] : memref<2560x128xi32, #tpu.memory_space<hbm>> -> memref<8x128xi32, #tpu.memory_space<hbm>>
        %dma_start3A_133 = arith.constant 0 : i32
        %dma_start3A_134 = tpu.memref_slice %arg2[%add3A_20, %dma_start3A_133] : memref<2560x128xi32, #tpu.memory_space<hbm>> -> memref<8x128xi32, #tpu.memory_space<hbm>>
        tpu.enqueue_dma source(%dma_start3A_134 : memref<8x128xi32, #tpu.memory_space<hbm>>) target(%arg6 : memref<8x128xi32, #tpu.memory_space<vmem>>) target_semaphore(%run_scoped3A : memref<!tpu.dma_semaphore, #tpu.memory_space<semaphore_mem>>)
        %dma_wait3A_135 = arith.constant 0 : i32
        %dma_wait3A_136 = tpu.memref_slice %arg2[%add3A_20, %dma_wait3A_135] : memref<2560x128xi32, #tpu.memory_space<hbm>> -> memref<8x128xi32, #tpu.memory_space<hbm>>
        %dma_wait3A_137 = arith.constant 0 : i32
        %dma_wait3A_138 = tpu.memref_slice %arg2[%add3A_20, %dma_wait3A_137] : memref<2560x128xi32, #tpu.memory_space<hbm>> -> memref<8x128xi32, #tpu.memory_space<hbm>>
        tpu.wait_dma2 semaphore(%run_scoped3A : memref<!tpu.dma_semaphore, #tpu.memory_space<semaphore_mem>>) src(%dma_wait3A_138 : memref<8x128xi32, #tpu.memory_space<hbm>>) dst(%arg6 : memref<8x128xi32, #tpu.memory_space<vmem>>)
        tpu.yield
      }) : () -> ()
      %dma_start3A = arith.constant 0 : i32
      %dma_start3A_21 = arith.constant 0 : i32
      %dma_start3A_22 = tpu.memref_slice %arg6[%dma_start3A, %dma_start3A_21] : memref<8x128xi32, #tpu.memory_space<vmem>> -> memref<1x128xi32, #tpu.memory_space<vmem>>
      %dma_start3A_23 = tpu.memref_squeeze %dma_start3A_22 : memref<1x128xi32, #tpu.memory_space<vmem>> -> memref<128xi32, #tpu.memory_space<vmem>>
      %dma_start3A_24 = arith.constant 0 : i32
      %dma_start3A_25 = arith.constant 0 : i32
      %dma_start3A_26 = tpu.memref_slice %arg8[%dma_start3A_24, %dma_start3A_25] : memref<10240x128xf32, #tpu.memory_space<vmem_shared>> -> memref<10240x128xf32, #tpu.memory_space<vmem_shared>>
      tpu.enqueue_indirect_dma source(%arg7 : memref<128x128xf32, #tpu.memory_space<vmem>>) target(%dma_start3A_26 : memref<10240x128xf32, #tpu.memory_space<vmem_shared>>) offsets(%dma_start3A_23 : memref<128xi32, #tpu.memory_space<vmem>>) semaphore(%arg9 : memref<!tpu.dma_semaphore, #tpu.memory_space<semaphore_mem>>) {add = true}
      %dma_start3A_27 = arith.constant 1 : i32
      %dma_start3A_28 = arith.constant 0 : i32
      %dma_start3A_29 = tpu.memref_slice %arg6[%dma_start3A_27, %dma_start3A_28] : memref<8x128xi32, #tpu.memory_space<vmem>> -> memref<1x128xi32, #tpu.memory_space<vmem>>
      %dma_start3A_30 = tpu.memref_squeeze %dma_start3A_29 : memref<1x128xi32, #tpu.memory_space<vmem>> -> memref<128xi32, #tpu.memory_space<vmem>>
      %dma_start3A_31 = arith.constant 0 : i32
      %dma_start3A_32 = arith.constant 0 : i32
      %dma_start3A_33 = tpu.memref_slice %arg8[%dma_start3A_31, %dma_start3A_32] : memref<10240x128xf32, #tpu.memory_space<vmem_shared>> -> memref<10240x128xf32, #tpu.memory_space<vmem_shared>>
      tpu.enqueue_indirect_dma source(%arg7 : memref<128x128xf32, #tpu.memory_space<vmem>>) target(%dma_start3A_33 : memref<10240x128xf32, #tpu.memory_space<vmem_shared>>) offsets(%dma_start3A_30 : memref<128xi32, #tpu.memory_space<vmem>>) semaphore(%arg9 : memref<!tpu.dma_semaphore, #tpu.memory_space<semaphore_mem>>) {add = true}
      %dma_start3A_34 = arith.constant 2 : i32
      %dma_start3A_35 = arith.constant 0 : i32
      %dma_start3A_36 = tpu.memref_slice %arg6[%dma_start3A_34, %dma_start3A_35] : memref<8x128xi32, #tpu.memory_space<vmem>> -> memref<1x128xi32, #tpu.memory_space<vmem>>
      %dma_start3A_37 = tpu.memref_squeeze %dma_start3A_36 : memref<1x128xi32, #tpu.memory_space<vmem>> -> memref<128xi32, #tpu.memory_space<vmem>>
      %dma_start3A_38 = arith.constant 0 : i32
      %dma_start3A_39 = arith.constant 0 : i32
      %dma_start3A_40 = tpu.memref_slice %arg8[%dma_start3A_38, %dma_start3A_39] : memref<10240x128xf32, #tpu.memory_space<vmem_shared>> -> memref<10240x128xf32, #tpu.memory_space<vmem_shared>>
      tpu.enqueue_indirect_dma source(%arg7 : memref<128x128xf32, #tpu.memory_space<vmem>>) target(%dma_start3A_40 : memref<10240x128xf32, #tpu.memory_space<vmem_shared>>) offsets(%dma_start3A_37 : memref<128xi32, #tpu.memory_space<vmem>>) semaphore(%arg9 : memref<!tpu.dma_semaphore, #tpu.memory_space<semaphore_mem>>) {add = true}
      %dma_start3A_41 = arith.constant 3 : i32
      %dma_start3A_42 = arith.constant 0 : i32
      %dma_start3A_43 = tpu.memref_slice %arg6[%dma_start3A_41, %dma_start3A_42] : memref<8x128xi32, #tpu.memory_space<vmem>> -> memref<1x128xi32, #tpu.memory_space<vmem>>
      %dma_start3A_44 = tpu.memref_squeeze %dma_start3A_43 : memref<1x128xi32, #tpu.memory_space<vmem>> -> memref<128xi32, #tpu.memory_space<vmem>>
      %dma_start3A_45 = arith.constant 0 : i32
      %dma_start3A_46 = arith.constant 0 : i32
      %dma_start3A_47 = tpu.memref_slice %arg8[%dma_start3A_45, %dma_start3A_46] : memref<10240x128xf32, #tpu.memory_space<vmem_shared>> -> memref<10240x128xf32, #tpu.memory_space<vmem_shared>>
      tpu.enqueue_indirect_dma source(%arg7 : memref<128x128xf32, #tpu.memory_space<vmem>>) target(%dma_start3A_47 : memref<10240x128xf32, #tpu.memory_space<vmem_shared>>) offsets(%dma_start3A_44 : memref<128xi32, #tpu.memory_space<vmem>>) semaphore(%arg9 : memref<!tpu.dma_semaphore, #tpu.memory_space<semaphore_mem>>) {add = true}
      %dma_start3A_48 = arith.constant 4 : i32
      %dma_start3A_49 = arith.constant 0 : i32
      %dma_start3A_50 = tpu.memref_slice %arg6[%dma_start3A_48, %dma_start3A_49] : memref<8x128xi32, #tpu.memory_space<vmem>> -> memref<1x128xi32, #tpu.memory_space<vmem>>
      %dma_start3A_51 = tpu.memref_squeeze %dma_start3A_50 : memref<1x128xi32, #tpu.memory_space<vmem>> -> memref<128xi32, #tpu.memory_space<vmem>>
      %dma_start3A_52 = arith.constant 0 : i32
      %dma_start3A_53 = arith.constant 0 : i32
      %dma_start3A_54 = tpu.memref_slice %arg8[%dma_start3A_52, %dma_start3A_53] : memref<10240x128xf32, #tpu.memory_space<vmem_shared>> -> memref<10240x128xf32, #tpu.memory_space<vmem_shared>>
      tpu.enqueue_indirect_dma source(%arg7 : memref<128x128xf32, #tpu.memory_space<vmem>>) target(%dma_start3A_54 : memref<10240x128xf32, #tpu.memory_space<vmem_shared>>) offsets(%dma_start3A_51 : memref<128xi32, #tpu.memory_space<vmem>>) semaphore(%arg9 : memref<!tpu.dma_semaphore, #tpu.memory_space<semaphore_mem>>) {add = true}
      %dma_start3A_55 = arith.constant 5 : i32
      %dma_start3A_56 = arith.constant 0 : i32
      %dma_start3A_57 = tpu.memref_slice %arg6[%dma_start3A_55, %dma_start3A_56] : memref<8x128xi32, #tpu.memory_space<vmem>> -> memref<1x128xi32, #tpu.memory_space<vmem>>
      %dma_start3A_58 = tpu.memref_squeeze %dma_start3A_57 : memref<1x128xi32, #tpu.memory_space<vmem>> -> memref<128xi32, #tpu.memory_space<vmem>>
      %dma_start3A_59 = arith.constant 0 : i32
      %dma_start3A_60 = arith.constant 0 : i32
      %dma_start3A_61 = tpu.memref_slice %arg8[%dma_start3A_59, %dma_start3A_60] : memref<10240x128xf32, #tpu.memory_space<vmem_shared>> -> memref<10240x128xf32, #tpu.memory_space<vmem_shared>>
      tpu.enqueue_indirect_dma source(%arg7 : memref<128x128xf32, #tpu.memory_space<vmem>>) target(%dma_start3A_61 : memref<10240x128xf32, #tpu.memory_space<vmem_shared>>) offsets(%dma_start3A_58 : memref<128xi32, #tpu.memory_space<vmem>>) semaphore(%arg9 : memref<!tpu.dma_semaphore, #tpu.memory_space<semaphore_mem>>) {add = true}
      %dma_start3A_62 = arith.constant 6 : i32
      %dma_start3A_63 = arith.constant 0 : i32
      %dma_start3A_64 = tpu.memref_slice %arg6[%dma_start3A_62, %dma_start3A_63] : memref<8x128xi32, #tpu.memory_space<vmem>> -> memref<1x128xi32, #tpu.memory_space<vmem>>
      %dma_start3A_65 = tpu.memref_squeeze %dma_start3A_64 : memref<1x128xi32, #tpu.memory_space<vmem>> -> memref<128xi32, #tpu.memory_space<vmem>>
      %dma_start3A_66 = arith.constant 0 : i32
      %dma_start3A_67 = arith.constant 0 : i32
      %dma_start3A_68 = tpu.memref_slice %arg8[%dma_start3A_66, %dma_start3A_67] : memref<10240x128xf32, #tpu.memory_space<vmem_shared>> -> memref<10240x128xf32, #tpu.memory_space<vmem_shared>>
      tpu.enqueue_indirect_dma source(%arg7 : memref<128x128xf32, #tpu.memory_space<vmem>>) target(%dma_start3A_68 : memref<10240x128xf32, #tpu.memory_space<vmem_shared>>) offsets(%dma_start3A_65 : memref<128xi32, #tpu.memory_space<vmem>>) semaphore(%arg9 : memref<!tpu.dma_semaphore, #tpu.memory_space<semaphore_mem>>) {add = true}
      %dma_start3A_69 = arith.constant 7 : i32
      %dma_start3A_70 = arith.constant 0 : i32
      %dma_start3A_71 = tpu.memref_slice %arg6[%dma_start3A_69, %dma_start3A_70] : memref<8x128xi32, #tpu.memory_space<vmem>> -> memref<1x128xi32, #tpu.memory_space<vmem>>
      %dma_start3A_72 = tpu.memref_squeeze %dma_start3A_71 : memref<1x128xi32, #tpu.memory_space<vmem>> -> memref<128xi32, #tpu.memory_space<vmem>>
      %dma_start3A_73 = arith.constant 0 : i32
      %dma_start3A_74 = arith.constant 0 : i32
      %dma_start3A_75 = tpu.memref_slice %arg8[%dma_start3A_73, %dma_start3A_74] : memref<10240x128xf32, #tpu.memory_space<vmem_shared>> -> memref<10240x128xf32, #tpu.memory_space<vmem_shared>>
      tpu.enqueue_indirect_dma source(%arg7 : memref<128x128xf32, #tpu.memory_space<vmem>>) target(%dma_start3A_75 : memref<10240x128xf32, #tpu.memory_space<vmem_shared>>) offsets(%dma_start3A_72 : memref<128xi32, #tpu.memory_space<vmem>>) semaphore(%arg9 : memref<!tpu.dma_semaphore, #tpu.memory_space<semaphore_mem>>) {add = true}
      %dma_wait3A = arith.constant 0 : i32
      %dma_wait3A_76 = arith.constant 0 : i32
      %dma_wait3A_77 = tpu.memref_slice %arg6[%dma_wait3A, %dma_wait3A_76] : memref<8x128xi32, #tpu.memory_space<vmem>> -> memref<1x128xi32, #tpu.memory_space<vmem>>
      %dma_wait3A_78 = tpu.memref_squeeze %dma_wait3A_77 : memref<1x128xi32, #tpu.memory_space<vmem>> -> memref<128xi32, #tpu.memory_space<vmem>>
      %dma_wait3A_79 = arith.constant 0 : i32
      %dma_wait3A_80 = arith.constant 0 : i32
      %dma_wait3A_81 = tpu.memref_slice %arg8[%dma_wait3A_79, %dma_wait3A_80] : memref<10240x128xf32, #tpu.memory_space<vmem_shared>> -> memref<10240x128xf32, #tpu.memory_space<vmem_shared>>
      tpu.wait_indirect_dma semaphore(%arg9 : memref<!tpu.dma_semaphore, #tpu.memory_space<semaphore_mem>>) src(%arg7 : memref<128x128xf32, #tpu.memory_space<vmem>>) dst(%dma_wait3A_81 : memref<10240x128xf32, #tpu.memory_space<vmem_shared>>)
      %dma_wait3A_82 = arith.constant 1 : i32
      %dma_wait3A_83 = arith.constant 0 : i32
      %dma_wait3A_84 = tpu.memref_slice %arg6[%dma_wait3A_82, %dma_wait3A_83] : memref<8x128xi32, #tpu.memory_space<vmem>> -> memref<1x128xi32, #tpu.memory_space<vmem>>
      %dma_wait3A_85 = tpu.memref_squeeze %dma_wait3A_84 : memref<1x128xi32, #tpu.memory_space<vmem>> -> memref<128xi32, #tpu.memory_space<vmem>>
      %dma_wait3A_86 = arith.constant 0 : i32
      %dma_wait3A_87 = arith.constant 0 : i32
      %dma_wait3A_88 = tpu.memref_slice %arg8[%dma_wait3A_86, %dma_wait3A_87] : memref<10240x128xf32, #tpu.memory_space<vmem_shared>> -> memref<10240x128xf32, #tpu.memory_space<vmem_shared>>
      tpu.wait_indirect_dma semaphore(%arg9 : memref<!tpu.dma_semaphore, #tpu.memory_space<semaphore_mem>>) src(%arg7 : memref<128x128xf32, #tpu.memory_space<vmem>>) dst(%dma_wait3A_88 : memref<10240x128xf32, #tpu.memory_space<vmem_shared>>)
      %dma_wait3A_89 = arith.constant 2 : i32
      %dma_wait3A_90 = arith.constant 0 : i32
      %dma_wait3A_91 = tpu.memref_slice %arg6[%dma_wait3A_89, %dma_wait3A_90] : memref<8x128xi32, #tpu.memory_space<vmem>> -> memref<1x128xi32, #tpu.memory_space<vmem>>
      %dma_wait3A_92 = tpu.memref_squeeze %dma_wait3A_91 : memref<1x128xi32, #tpu.memory_space<vmem>> -> memref<128xi32, #tpu.memory_space<vmem>>
      %dma_wait3A_93 = arith.constant 0 : i32
      %dma_wait3A_94 = arith.constant 0 : i32
      %dma_wait3A_95 = tpu.memref_slice %arg8[%dma_wait3A_93, %dma_wait3A_94] : memref<10240x128xf32, #tpu.memory_space<vmem_shared>> -> memref<10240x128xf32, #tpu.memory_space<vmem_shared>>
      tpu.wait_indirect_dma semaphore(%arg9 : memref<!tpu.dma_semaphore, #tpu.memory_space<semaphore_mem>>) src(%arg7 : memref<128x128xf32, #tpu.memory_space<vmem>>) dst(%dma_wait3A_95 : memref<10240x128xf32, #tpu.memory_space<vmem_shared>>)
      %dma_wait3A_96 = arith.constant 3 : i32
      %dma_wait3A_97 = arith.constant 0 : i32
      %dma_wait3A_98 = tpu.memref_slice %arg6[%dma_wait3A_96, %dma_wait3A_97] : memref<8x128xi32, #tpu.memory_space<vmem>> -> memref<1x128xi32, #tpu.memory_space<vmem>>
      %dma_wait3A_99 = tpu.memref_squeeze %dma_wait3A_98 : memref<1x128xi32, #tpu.memory_space<vmem>> -> memref<128xi32, #tpu.memory_space<vmem>>
      %dma_wait3A_100 = arith.constant 0 : i32
      %dma_wait3A_101 = arith.constant 0 : i32
      %dma_wait3A_102 = tpu.memref_slice %arg8[%dma_wait3A_100, %dma_wait3A_101] : memref<10240x128xf32, #tpu.memory_space<vmem_shared>> -> memref<10240x128xf32, #tpu.memory_space<vmem_shared>>
      tpu.wait_indirect_dma semaphore(%arg9 : memref<!tpu.dma_semaphore, #tpu.memory_space<semaphore_mem>>) src(%arg7 : memref<128x128xf32, #tpu.memory_space<vmem>>) dst(%dma_wait3A_102 : memref<10240x128xf32, #tpu.memory_space<vmem_shared>>)
      %dma_wait3A_103 = arith.constant 4 : i32
      %dma_wait3A_104 = arith.constant 0 : i32
      %dma_wait3A_105 = tpu.memref_slice %arg6[%dma_wait3A_103, %dma_wait3A_104] : memref<8x128xi32, #tpu.memory_space<vmem>> -> memref<1x128xi32, #tpu.memory_space<vmem>>
      %dma_wait3A_106 = tpu.memref_squeeze %dma_wait3A_105 : memref<1x128xi32, #tpu.memory_space<vmem>> -> memref<128xi32, #tpu.memory_space<vmem>>
      %dma_wait3A_107 = arith.constant 0 : i32
      %dma_wait3A_108 = arith.constant 0 : i32
      %dma_wait3A_109 = tpu.memref_slice %arg8[%dma_wait3A_107, %dma_wait3A_108] : memref<10240x128xf32, #tpu.memory_space<vmem_shared>> -> memref<10240x128xf32, #tpu.memory_space<vmem_shared>>
      tpu.wait_indirect_dma semaphore(%arg9 : memref<!tpu.dma_semaphore, #tpu.memory_space<semaphore_mem>>) src(%arg7 : memref<128x128xf32, #tpu.memory_space<vmem>>) dst(%dma_wait3A_109 : memref<10240x128xf32, #tpu.memory_space<vmem_shared>>)
      %dma_wait3A_110 = arith.constant 5 : i32
      %dma_wait3A_111 = arith.constant 0 : i32
      %dma_wait3A_112 = tpu.memref_slice %arg6[%dma_wait3A_110, %dma_wait3A_111] : memref<8x128xi32, #tpu.memory_space<vmem>> -> memref<1x128xi32, #tpu.memory_space<vmem>>
      %dma_wait3A_113 = tpu.memref_squeeze %dma_wait3A_112 : memref<1x128xi32, #tpu.memory_space<vmem>> -> memref<128xi32, #tpu.memory_space<vmem>>
      %dma_wait3A_114 = arith.constant 0 : i32
      %dma_wait3A_115 = arith.constant 0 : i32
      %dma_wait3A_116 = tpu.memref_slice %arg8[%dma_wait3A_114, %dma_wait3A_115] : memref<10240x128xf32, #tpu.memory_space<vmem_shared>> -> memref<10240x128xf32, #tpu.memory_space<vmem_shared>>
      tpu.wait_indirect_dma semaphore(%arg9 : memref<!tpu.dma_semaphore, #tpu.memory_space<semaphore_mem>>) src(%arg7 : memref<128x128xf32, #tpu.memory_space<vmem>>) dst(%dma_wait3A_116 : memref<10240x128xf32, #tpu.memory_space<vmem_shared>>)
      %dma_wait3A_117 = arith.constant 6 : i32
      %dma_wait3A_118 = arith.constant 0 : i32
      %dma_wait3A_119 = tpu.memref_slice %arg6[%dma_wait3A_117, %dma_wait3A_118] : memref<8x128xi32, #tpu.memory_space<vmem>> -> memref<1x128xi32, #tpu.memory_space<vmem>>
      %dma_wait3A_120 = tpu.memref_squeeze %dma_wait3A_119 : memref<1x128xi32, #tpu.memory_space<vmem>> -> memref<128xi32, #tpu.memory_space<vmem>>
      %dma_wait3A_121 = arith.constant 0 : i32
      %dma_wait3A_122 = arith.constant 0 : i32
      %dma_wait3A_123 = tpu.memref_slice %arg8[%dma_wait3A_121, %dma_wait3A_122] : memref<10240x128xf32, #tpu.memory_space<vmem_shared>> -> memref<10240x128xf32, #tpu.memory_space<vmem_shared>>
      tpu.wait_indirect_dma semaphore(%arg9 : memref<!tpu.dma_semaphore, #tpu.memory_space<semaphore_mem>>) src(%arg7 : memref<128x128xf32, #tpu.memory_space<vmem>>) dst(%dma_wait3A_123 : memref<10240x128xf32, #tpu.memory_space<vmem_shared>>)
      %dma_wait3A_124 = arith.constant 7 : i32
      %dma_wait3A_125 = arith.constant 0 : i32
      %dma_wait3A_126 = tpu.memref_slice %arg6[%dma_wait3A_124, %dma_wait3A_125] : memref<8x128xi32, #tpu.memory_space<vmem>> -> memref<1x128xi32, #tpu.memory_space<vmem>>
      %dma_wait3A_127 = tpu.memref_squeeze %dma_wait3A_126 : memref<1x128xi32, #tpu.memory_space<vmem>> -> memref<128xi32, #tpu.memory_space<vmem>>
      %dma_wait3A_128 = arith.constant 0 : i32
      %dma_wait3A_129 = arith.constant 0 : i32
      %dma_wait3A_130 = tpu.memref_slice %arg8[%dma_wait3A_128, %dma_wait3A_129] : memref<10240x128xf32, #tpu.memory_space<vmem_shared>> -> memref<10240x128xf32, #tpu.memory_space<vmem_shared>>
      tpu.wait_indirect_dma semaphore(%arg9 : memref<!tpu.dma_semaphore, #tpu.memory_space<semaphore_mem>>) src(%arg7 : memref<128x128xf32, #tpu.memory_space<vmem>>) dst(%dma_wait3A_130 : memref<10240x128xf32, #tpu.memory_space<vmem_shared>>)
    }
    %scan3A_11 = arith.constant 10 : i32
    %barrier3A_12 = arith.constant 0 : index
    tpu.barrier barrier_id(%barrier3A_12)
    %mul3A_13 = arith.constant 640 : i32
    %mul3A_14 = arith.muli %arg1, %mul3A_13 : i32
    %mul3A_15 = arith.constant 640 : i32
    %mul3A_16 = arith.muli %arg1, %mul3A_15 : i32
    "tpu.region"() ({
      %run_scoped3A = tpu.sem_alloc : memref<!tpu.dma_semaphore, #tpu.memory_space<semaphore_mem>>
      %dma_start3A = arith.constant 0 : i32
      %dma_start3A_17 = tpu.memref_slice %arg5[%arg0, %mul3A_16, %dma_start3A] : memref<2x10240x128xf32, #tpu.memory_space<hbm>> -> memref<1x640x128xf32, #tpu.memory_space<hbm>>
      %dma_start3A_18 = tpu.memref_squeeze %dma_start3A_17 : memref<1x640x128xf32, #tpu.memory_space<hbm>> -> memref<640x128xf32, #tpu.memory_space<hbm>>
      %dma_start3A_19 = arith.constant 0 : i32
      %dma_start3A_20 = tpu.memref_slice %arg8[%mul3A_14, %dma_start3A_19] : memref<10240x128xf32, #tpu.memory_space<vmem_shared>> -> memref<640x128xf32, #tpu.memory_space<vmem_shared>>
      tpu.enqueue_dma source(%dma_start3A_20 : memref<640x128xf32, #tpu.memory_space<vmem_shared>>) target(%dma_start3A_18 : memref<640x128xf32, #tpu.memory_space<hbm>>) target_semaphore(%run_scoped3A : memref<!tpu.dma_semaphore, #tpu.memory_space<semaphore_mem>>)
      %dma_wait3A = arith.constant 0 : i32
      %dma_wait3A_21 = tpu.memref_slice %arg5[%arg0, %mul3A_16, %dma_wait3A] : memref<2x10240x128xf32, #tpu.memory_space<hbm>> -> memref<1x640x128xf32, #tpu.memory_space<hbm>>
      %dma_wait3A_22 = tpu.memref_squeeze %dma_wait3A_21 : memref<1x640x128xf32, #tpu.memory_space<hbm>> -> memref<640x128xf32, #tpu.memory_space<hbm>>
      %dma_wait3A_23 = arith.constant 0 : i32
      %dma_wait3A_24 = tpu.memref_slice %arg8[%mul3A_14, %dma_wait3A_23] : memref<10240x128xf32, #tpu.memory_space<vmem_shared>> -> memref<640x128xf32, #tpu.memory_space<vmem_shared>>
      tpu.wait_dma2 semaphore(%run_scoped3A : memref<!tpu.dma_semaphore, #tpu.memory_space<semaphore_mem>>) src(%dma_wait3A_24 : memref<640x128xf32, #tpu.memory_space<vmem_shared>>) dst(%dma_wait3A_22 : memref<640x128xf32, #tpu.memory_space<hbm>>)
      tpu.yield
    }) : () -> ()
    return
  }
}

#map = affine_map<(d0, d1) -> (0, 0)>
#map1 = affine_map<(d0, d1) -> (0, 0, 0)>
module attributes {stable_mosaic.version = 14 : i64} {
  func.func @agg_kernel(%arg0: i32, %arg1: i32, %arg2: memref<10240x128xf32, #tpu.memory_space<hbm>>, %arg3: memref<2560x128xi32, #tpu.memory_space<hbm>>, %arg4: memref<2560x128xi32, #tpu.memory_space<hbm>>, %arg5: memref<10240x128xf32, #tpu.memory_space<hbm>>, %arg6: memref<2x10240x128xf32, #tpu.memory_space<hbm>>, %arg7: memref<8x128xi32, #tpu.memory_space<vmem>>, %arg8: memref<8x128xi32, #tpu.memory_space<vmem>>, %arg9: memref<128x128xf32, #tpu.memory_space<vmem>>, %arg10: memref<128x128xf32, #tpu.memory_space<vmem>>, %arg11: memref<10240x128xf32, #tpu.memory_space<vmem_shared>>, %arg12: memref<!tpu.dma_semaphore, #tpu.memory_space<semaphore_mem>>, %arg13: memref<!tpu.dma_semaphore, #tpu.memory_space<semaphore_mem>>) attributes {dimension_semantics = [#tpu.dimension_semantics<core_parallel>, #tpu.dimension_semantics<subcore_parallel>], iteration_bounds = array<i64: 2, 16>, scalar_prefetch = 0 : i64, scratch_operands = 7 : i64, tpu.core_type = #tpu.core_type<sc_vector_subcore>, window_params = [{transform_indices = #map}, {transform_indices = #map}, {transform_indices = #map}, {transform_indices = #map}, {transform_indices = #map1}]} {
    %mul3A = arith.constant 16 : i32
    %mul3A_0 = arith.muli %arg0, %mul3A : i32
    %add3A = arith.addi %mul3A_0, %arg1 : i32
    %mul3A_1 = arith.constant 640 : i32
    %mul3A_2 = arith.muli %arg1, %mul3A_1 : i32
    "tpu.region"() ({
      %run_scoped3A = tpu.sem_alloc : memref<!tpu.dma_semaphore, #tpu.memory_space<semaphore_mem>>
      %dma_start3A = arith.constant 0 : i32
      %dma_start3A_22 = tpu.memref_slice %arg11[%mul3A_2, %dma_start3A] : memref<10240x128xf32, #tpu.memory_space<vmem_shared>> -> memref<640x128xf32, #tpu.memory_space<vmem_shared>>
      %dma_start3A_23 = arith.constant 0 : i32
      %dma_start3A_24 = tpu.memref_slice %arg5[%mul3A_2, %dma_start3A_23] : memref<10240x128xf32, #tpu.memory_space<hbm>> -> memref<640x128xf32, #tpu.memory_space<hbm>>
      tpu.enqueue_dma source(%dma_start3A_24 : memref<640x128xf32, #tpu.memory_space<hbm>>) target(%dma_start3A_22 : memref<640x128xf32, #tpu.memory_space<vmem_shared>>) target_semaphore(%run_scoped3A : memref<!tpu.dma_semaphore, #tpu.memory_space<semaphore_mem>>)
      %dma_wait3A = arith.constant 0 : i32
      %dma_wait3A_25 = tpu.memref_slice %arg11[%mul3A_2, %dma_wait3A] : memref<10240x128xf32, #tpu.memory_space<vmem_shared>> -> memref<640x128xf32, #tpu.memory_space<vmem_shared>>
      %dma_wait3A_26 = arith.constant 0 : i32
      %dma_wait3A_27 = tpu.memref_slice %arg5[%mul3A_2, %dma_wait3A_26] : memref<10240x128xf32, #tpu.memory_space<hbm>> -> memref<640x128xf32, #tpu.memory_space<hbm>>
      tpu.wait_dma2 semaphore(%run_scoped3A : memref<!tpu.dma_semaphore, #tpu.memory_space<semaphore_mem>>) src(%dma_wait3A_27 : memref<640x128xf32, #tpu.memory_space<hbm>>) dst(%dma_wait3A_25 : memref<640x128xf32, #tpu.memory_space<vmem_shared>>)
      tpu.yield
    }) : () -> ()
    %barrier3A = arith.constant 0 : index
    tpu.barrier barrier_id(%barrier3A)
    %eq3A = arith.constant 0 : i32
    %eq3A_3 = arith.cmpi eq, %arg0, %eq3A : i32
    %mul3A_4 = arith.constant 144 : i32
    %mul3A_5 = arith.muli %arg1, %mul3A_4 : i32
    %mul3A_6 = arith.constant 16 : i32
    %mul3A_7 = arith.muli %arg1, %mul3A_6 : i32
    %add3A_8 = arith.constant 2304 : i32
    %add3A_9 = arith.addi %add3A_8, %mul3A_7 : i32
    %select_n3A = arith.select %eq3A_3, %mul3A_5, %add3A_9 : i32
    %jit3A = arith.constant 18 : i32
    %jit3A_10 = arith.constant 2 : i32
    %select_n3A_11 = arith.select %eq3A_3, %jit3A, %jit3A_10 : i32
    %while3A = arith.constant 0 : i32
    %while3A_12 = arith.constant 0 : i32
    %while3A_13 = arith.subi %select_n3A_11, %while3A_12 : i32
    %while3A_14 = arith.addi %while3A_12, %while3A_13 : i32
    %while3A_15 = arith.constant 1 : i32
    %while3A_16 = arith.divsi %while3A_13, %while3A_15 : i32
    %while3A_17 = arith.muli %while3A_16, %while3A_15 : i32
    %while3A_18 = arith.addi %while3A_12, %while3A_17 : i32
    %while3A_19 = arith.constant 1 : i32
    scf.for %while3A_22 = %while3A_12 to %while3A_18 step %while3A_19  : i32 {
      %mul3A_23 = arith.constant 8 : i32
      %mul3A_24 = arith.muli %while3A_22, %mul3A_23 : i32
      %add3A_25 = arith.addi %select_n3A, %mul3A_24 : i32
      "tpu.region"() ({
        %run_scoped3A_146 = tpu.sem_alloc : memref<!tpu.dma_semaphore, #tpu.memory_space<semaphore_mem>>
        %dma_start3A_147 = arith.constant 0 : i32
        %dma_start3A_148 = tpu.memref_slice %arg3[%add3A_25, %dma_start3A_147] : memref<2560x128xi32, #tpu.memory_space<hbm>> -> memref<8x128xi32, #tpu.memory_space<hbm>>
        %dma_start3A_149 = arith.constant 0 : i32
        %dma_start3A_150 = tpu.memref_slice %arg3[%add3A_25, %dma_start3A_149] : memref<2560x128xi32, #tpu.memory_space<hbm>> -> memref<8x128xi32, #tpu.memory_space<hbm>>
        tpu.enqueue_dma source(%dma_start3A_150 : memref<8x128xi32, #tpu.memory_space<hbm>>) target(%arg7 : memref<8x128xi32, #tpu.memory_space<vmem>>) target_semaphore(%run_scoped3A_146 : memref<!tpu.dma_semaphore, #tpu.memory_space<semaphore_mem>>)
        %dma_wait3A_151 = arith.constant 0 : i32
        %dma_wait3A_152 = tpu.memref_slice %arg3[%add3A_25, %dma_wait3A_151] : memref<2560x128xi32, #tpu.memory_space<hbm>> -> memref<8x128xi32, #tpu.memory_space<hbm>>
        %dma_wait3A_153 = arith.constant 0 : i32
        %dma_wait3A_154 = tpu.memref_slice %arg3[%add3A_25, %dma_wait3A_153] : memref<2560x128xi32, #tpu.memory_space<hbm>> -> memref<8x128xi32, #tpu.memory_space<hbm>>
        tpu.wait_dma2 semaphore(%run_scoped3A_146 : memref<!tpu.dma_semaphore, #tpu.memory_space<semaphore_mem>>) src(%dma_wait3A_154 : memref<8x128xi32, #tpu.memory_space<hbm>>) dst(%arg7 : memref<8x128xi32, #tpu.memory_space<vmem>>)
        tpu.yield
      }) : () -> ()
      %mul3A_26 = arith.constant 8 : i32
      %mul3A_27 = arith.muli %while3A_22, %mul3A_26 : i32
      %add3A_28 = arith.addi %select_n3A, %mul3A_27 : i32
      "tpu.region"() ({
        %run_scoped3A_146 = tpu.sem_alloc : memref<!tpu.dma_semaphore, #tpu.memory_space<semaphore_mem>>
        %dma_start3A_147 = arith.constant 0 : i32
        %dma_start3A_148 = tpu.memref_slice %arg4[%add3A_28, %dma_start3A_147] : memref<2560x128xi32, #tpu.memory_space<hbm>> -> memref<8x128xi32, #tpu.memory_space<hbm>>
        %dma_start3A_149 = arith.constant 0 : i32
        %dma_start3A_150 = tpu.memref_slice %arg4[%add3A_28, %dma_start3A_149] : memref<2560x128xi32, #tpu.memory_space<hbm>> -> memref<8x128xi32, #tpu.memory_space<hbm>>
        tpu.enqueue_dma source(%dma_start3A_150 : memref<8x128xi32, #tpu.memory_space<hbm>>) target(%arg8 : memref<8x128xi32, #tpu.memory_space<vmem>>) target_semaphore(%run_scoped3A_146 : memref<!tpu.dma_semaphore, #tpu.memory_space<semaphore_mem>>)
        %dma_wait3A_151 = arith.constant 0 : i32
        %dma_wait3A_152 = tpu.memref_slice %arg4[%add3A_28, %dma_wait3A_151] : memref<2560x128xi32, #tpu.memory_space<hbm>> -> memref<8x128xi32, #tpu.memory_space<hbm>>
        %dma_wait3A_153 = arith.constant 0 : i32
        %dma_wait3A_154 = tpu.memref_slice %arg4[%add3A_28, %dma_wait3A_153] : memref<2560x128xi32, #tpu.memory_space<hbm>> -> memref<8x128xi32, #tpu.memory_space<hbm>>
        tpu.wait_dma2 semaphore(%run_scoped3A_146 : memref<!tpu.dma_semaphore, #tpu.memory_space<semaphore_mem>>) src(%dma_wait3A_154 : memref<8x128xi32, #tpu.memory_space<hbm>>) dst(%arg8 : memref<8x128xi32, #tpu.memory_space<vmem>>)
        tpu.yield
      }) : () -> ()
      %dma_start3A = arith.constant 0 : i32
      %dma_start3A_29 = arith.constant 0 : i32
      %dma_start3A_30 = tpu.memref_slice %arg7[%dma_start3A, %dma_start3A_29] : memref<8x128xi32, #tpu.memory_space<vmem>> -> memref<1x128xi32, #tpu.memory_space<vmem>>
      %dma_start3A_31 = tpu.memref_squeeze %dma_start3A_30 : memref<1x128xi32, #tpu.memory_space<vmem>> -> memref<128xi32, #tpu.memory_space<vmem>>
      %dma_start3A_32 = arith.constant 0 : i32
      %dma_start3A_33 = arith.constant 0 : i32
      %dma_start3A_34 = tpu.memref_slice %arg2[%dma_start3A_32, %dma_start3A_33] : memref<10240x128xf32, #tpu.memory_space<hbm>> -> memref<10240x128xf32, #tpu.memory_space<hbm>>
      tpu.enqueue_indirect_dma source(%dma_start3A_34 : memref<10240x128xf32, #tpu.memory_space<hbm>>) target(%arg9 : memref<128x128xf32, #tpu.memory_space<vmem>>) offsets(%dma_start3A_31 : memref<128xi32, #tpu.memory_space<vmem>>) semaphore(%arg12 : memref<!tpu.dma_semaphore, #tpu.memory_space<semaphore_mem>>)
      %dma_wait3A = arith.constant 0 : i32
      %dma_wait3A_35 = arith.constant 0 : i32
      %dma_wait3A_36 = tpu.memref_slice %arg7[%dma_wait3A, %dma_wait3A_35] : memref<8x128xi32, #tpu.memory_space<vmem>> -> memref<1x128xi32, #tpu.memory_space<vmem>>
      %dma_wait3A_37 = tpu.memref_squeeze %dma_wait3A_36 : memref<1x128xi32, #tpu.memory_space<vmem>> -> memref<128xi32, #tpu.memory_space<vmem>>
      %dma_wait3A_38 = arith.constant 0 : i32
      %dma_wait3A_39 = arith.constant 0 : i32
      %dma_wait3A_40 = tpu.memref_slice %arg2[%dma_wait3A_38, %dma_wait3A_39] : memref<10240x128xf32, #tpu.memory_space<hbm>> -> memref<10240x128xf32, #tpu.memory_space<hbm>>
      tpu.wait_indirect_dma semaphore(%arg12 : memref<!tpu.dma_semaphore, #tpu.memory_space<semaphore_mem>>) src(%dma_wait3A_40 : memref<10240x128xf32, #tpu.memory_space<hbm>>) dst(%arg9 : memref<128x128xf32, #tpu.memory_space<vmem>>)
      %dma_start3A_41 = arith.constant 1 : i32
      %dma_start3A_42 = arith.constant 0 : i32
      %dma_start3A_43 = tpu.memref_slice %arg7[%dma_start3A_41, %dma_start3A_42] : memref<8x128xi32, #tpu.memory_space<vmem>> -> memref<1x128xi32, #tpu.memory_space<vmem>>
      %dma_start3A_44 = tpu.memref_squeeze %dma_start3A_43 : memref<1x128xi32, #tpu.memory_space<vmem>> -> memref<128xi32, #tpu.memory_space<vmem>>
      %dma_start3A_45 = arith.constant 0 : i32
      %dma_start3A_46 = arith.constant 0 : i32
      %dma_start3A_47 = tpu.memref_slice %arg2[%dma_start3A_45, %dma_start3A_46] : memref<10240x128xf32, #tpu.memory_space<hbm>> -> memref<10240x128xf32, #tpu.memory_space<hbm>>
      tpu.enqueue_indirect_dma source(%dma_start3A_47 : memref<10240x128xf32, #tpu.memory_space<hbm>>) target(%arg10 : memref<128x128xf32, #tpu.memory_space<vmem>>) offsets(%dma_start3A_44 : memref<128xi32, #tpu.memory_space<vmem>>) semaphore(%arg13 : memref<!tpu.dma_semaphore, #tpu.memory_space<semaphore_mem>>)
      %run_scoped3A = arith.constant 0 : i32
      "tpu.region"() ({
        %run_scoped3A_146 = tpu.sem_alloc : memref<!tpu.dma_semaphore, #tpu.memory_space<semaphore_mem>>
        %dma_start3A_147 = arith.constant 0 : i32
        %dma_start3A_148 = tpu.memref_slice %arg8[%run_scoped3A, %dma_start3A_147] : memref<8x128xi32, #tpu.memory_space<vmem>> -> memref<1x128xi32, #tpu.memory_space<vmem>>
        %dma_start3A_149 = tpu.memref_squeeze %dma_start3A_148 : memref<1x128xi32, #tpu.memory_space<vmem>> -> memref<128xi32, #tpu.memory_space<vmem>>
        %dma_start3A_150 = arith.constant 0 : i32
        %dma_start3A_151 = arith.constant 0 : i32
        %dma_start3A_152 = tpu.memref_slice %arg11[%dma_start3A_150, %dma_start3A_151] : memref<10240x128xf32, #tpu.memory_space<vmem_shared>> -> memref<10240x128xf32, #tpu.memory_space<vmem_shared>>
        tpu.enqueue_indirect_dma source(%arg9 : memref<128x128xf32, #tpu.memory_space<vmem>>) target(%dma_start3A_152 : memref<10240x128xf32, #tpu.memory_space<vmem_shared>>) offsets(%dma_start3A_149 : memref<128xi32, #tpu.memory_space<vmem>>) semaphore(%run_scoped3A_146 : memref<!tpu.dma_semaphore, #tpu.memory_space<semaphore_mem>>) {add = true}
        %dma_wait3A_153 = arith.constant 0 : i32
        %dma_wait3A_154 = tpu.memref_slice %arg8[%run_scoped3A, %dma_wait3A_153] : memref<8x128xi32, #tpu.memory_space<vmem>> -> memref<1x128xi32, #tpu.memory_space<vmem>>
        %dma_wait3A_155 = tpu.memref_squeeze %dma_wait3A_154 : memref<1x128xi32, #tpu.memory_space<vmem>> -> memref<128xi32, #tpu.memory_space<vmem>>
        %dma_wait3A_156 = arith.constant 0 : i32
        %dma_wait3A_157 = arith.constant 0 : i32
        %dma_wait3A_158 = tpu.memref_slice %arg11[%dma_wait3A_156, %dma_wait3A_157] : memref<10240x128xf32, #tpu.memory_space<vmem_shared>> -> memref<10240x128xf32, #tpu.memory_space<vmem_shared>>
        tpu.wait_indirect_dma semaphore(%run_scoped3A_146 : memref<!tpu.dma_semaphore, #tpu.memory_space<semaphore_mem>>) src(%arg9 : memref<128x128xf32, #tpu.memory_space<vmem>>) dst(%dma_wait3A_158 : memref<10240x128xf32, #tpu.memory_space<vmem_shared>>)
        tpu.yield
      }) : () -> ()
      %dma_wait3A_48 = arith.constant 1 : i32
      %dma_wait3A_49 = arith.constant 0 : i32
      %dma_wait3A_50 = tpu.memref_slice %arg7[%dma_wait3A_48, %dma_wait3A_49] : memref<8x128xi32, #tpu.memory_space<vmem>> -> memref<1x128xi32, #tpu.memory_space<vmem>>
      %dma_wait3A_51 = tpu.memref_squeeze %dma_wait3A_50 : memref<1x128xi32, #tpu.memory_space<vmem>> -> memref<128xi32, #tpu.memory_space<vmem>>
      %dma_wait3A_52 = arith.constant 0 : i32
      %dma_wait3A_53 = arith.constant 0 : i32
      %dma_wait3A_54 = tpu.memref_slice %arg2[%dma_wait3A_52, %dma_wait3A_53] : memref<10240x128xf32, #tpu.memory_space<hbm>> -> memref<10240x128xf32, #tpu.memory_space<hbm>>
      tpu.wait_indirect_dma semaphore(%arg13 : memref<!tpu.dma_semaphore, #tpu.memory_space<semaphore_mem>>) src(%dma_wait3A_54 : memref<10240x128xf32, #tpu.memory_space<hbm>>) dst(%arg10 : memref<128x128xf32, #tpu.memory_space<vmem>>)
      %dma_start3A_55 = arith.constant 2 : i32
      %dma_start3A_56 = arith.constant 0 : i32
      %dma_start3A_57 = tpu.memref_slice %arg7[%dma_start3A_55, %dma_start3A_56] : memref<8x128xi32, #tpu.memory_space<vmem>> -> memref<1x128xi32, #tpu.memory_space<vmem>>
      %dma_start3A_58 = tpu.memref_squeeze %dma_start3A_57 : memref<1x128xi32, #tpu.memory_space<vmem>> -> memref<128xi32, #tpu.memory_space<vmem>>
      %dma_start3A_59 = arith.constant 0 : i32
      %dma_start3A_60 = arith.constant 0 : i32
      %dma_start3A_61 = tpu.memref_slice %arg2[%dma_start3A_59, %dma_start3A_60] : memref<10240x128xf32, #tpu.memory_space<hbm>> -> memref<10240x128xf32, #tpu.memory_space<hbm>>
      tpu.enqueue_indirect_dma source(%dma_start3A_61 : memref<10240x128xf32, #tpu.memory_space<hbm>>) target(%arg9 : memref<128x128xf32, #tpu.memory_space<vmem>>) offsets(%dma_start3A_58 : memref<128xi32, #tpu.memory_space<vmem>>) semaphore(%arg12 : memref<!tpu.dma_semaphore, #tpu.memory_space<semaphore_mem>>)
      %run_scoped3A_62 = arith.constant 1 : i32
      "tpu.region"() ({
        %run_scoped3A_146 = tpu.sem_alloc : memref<!tpu.dma_semaphore, #tpu.memory_space<semaphore_mem>>
        %dma_start3A_147 = arith.constant 0 : i32
        %dma_start3A_148 = tpu.memref_slice %arg8[%run_scoped3A_62, %dma_start3A_147] : memref<8x128xi32, #tpu.memory_space<vmem>> -> memref<1x128xi32, #tpu.memory_space<vmem>>
        %dma_start3A_149 = tpu.memref_squeeze %dma_start3A_148 : memref<1x128xi32, #tpu.memory_space<vmem>> -> memref<128xi32, #tpu.memory_space<vmem>>
        %dma_start3A_150 = arith.constant 0 : i32
        %dma_start3A_151 = arith.constant 0 : i32
        %dma_start3A_152 = tpu.memref_slice %arg11[%dma_start3A_150, %dma_start3A_151] : memref<10240x128xf32, #tpu.memory_space<vmem_shared>> -> memref<10240x128xf32, #tpu.memory_space<vmem_shared>>
        tpu.enqueue_indirect_dma source(%arg10 : memref<128x128xf32, #tpu.memory_space<vmem>>) target(%dma_start3A_152 : memref<10240x128xf32, #tpu.memory_space<vmem_shared>>) offsets(%dma_start3A_149 : memref<128xi32, #tpu.memory_space<vmem>>) semaphore(%run_scoped3A_146 : memref<!tpu.dma_semaphore, #tpu.memory_space<semaphore_mem>>) {add = true}
        %dma_wait3A_153 = arith.constant 0 : i32
        %dma_wait3A_154 = tpu.memref_slice %arg8[%run_scoped3A_62, %dma_wait3A_153] : memref<8x128xi32, #tpu.memory_space<vmem>> -> memref<1x128xi32, #tpu.memory_space<vmem>>
        %dma_wait3A_155 = tpu.memref_squeeze %dma_wait3A_154 : memref<1x128xi32, #tpu.memory_space<vmem>> -> memref<128xi32, #tpu.memory_space<vmem>>
        %dma_wait3A_156 = arith.constant 0 : i32
        %dma_wait3A_157 = arith.constant 0 : i32
        %dma_wait3A_158 = tpu.memref_slice %arg11[%dma_wait3A_156, %dma_wait3A_157] : memref<10240x128xf32, #tpu.memory_space<vmem_shared>> -> memref<10240x128xf32, #tpu.memory_space<vmem_shared>>
        tpu.wait_indirect_dma semaphore(%run_scoped3A_146 : memref<!tpu.dma_semaphore, #tpu.memory_space<semaphore_mem>>) src(%arg10 : memref<128x128xf32, #tpu.memory_space<vmem>>) dst(%dma_wait3A_158 : memref<10240x128xf32, #tpu.memory_space<vmem_shared>>)
        tpu.yield
      }) : () -> ()
      %dma_wait3A_63 = arith.constant 2 : i32
      %dma_wait3A_64 = arith.constant 0 : i32
      %dma_wait3A_65 = tpu.memref_slice %arg7[%dma_wait3A_63, %dma_wait3A_64] : memref<8x128xi32, #tpu.memory_space<vmem>> -> memref<1x128xi32, #tpu.memory_space<vmem>>
      %dma_wait3A_66 = tpu.memref_squeeze %dma_wait3A_65 : memref<1x128xi32, #tpu.memory_space<vmem>> -> memref<128xi32, #tpu.memory_space<vmem>>
      %dma_wait3A_67 = arith.constant 0 : i32
      %dma_wait3A_68 = arith.constant 0 : i32
      %dma_wait3A_69 = tpu.memref_slice %arg2[%dma_wait3A_67, %dma_wait3A_68] : memref<10240x128xf32, #tpu.memory_space<hbm>> -> memref<10240x128xf32, #tpu.memory_space<hbm>>
      tpu.wait_indirect_dma semaphore(%arg12 : memref<!tpu.dma_semaphore, #tpu.memory_space<semaphore_mem>>) src(%dma_wait3A_69 : memref<10240x128xf32, #tpu.memory_space<hbm>>) dst(%arg9 : memref<128x128xf32, #tpu.memory_space<vmem>>)
      %dma_start3A_70 = arith.constant 3 : i32
      %dma_start3A_71 = arith.constant 0 : i32
      %dma_start3A_72 = tpu.memref_slice %arg7[%dma_start3A_70, %dma_start3A_71] : memref<8x128xi32, #tpu.memory_space<vmem>> -> memref<1x128xi32, #tpu.memory_space<vmem>>
      %dma_start3A_73 = tpu.memref_squeeze %dma_start3A_72 : memref<1x128xi32, #tpu.memory_space<vmem>> -> memref<128xi32, #tpu.memory_space<vmem>>
      %dma_start3A_74 = arith.constant 0 : i32
      %dma_start3A_75 = arith.constant 0 : i32
      %dma_start3A_76 = tpu.memref_slice %arg2[%dma_start3A_74, %dma_start3A_75] : memref<10240x128xf32, #tpu.memory_space<hbm>> -> memref<10240x128xf32, #tpu.memory_space<hbm>>
      tpu.enqueue_indirect_dma source(%dma_start3A_76 : memref<10240x128xf32, #tpu.memory_space<hbm>>) target(%arg10 : memref<128x128xf32, #tpu.memory_space<vmem>>) offsets(%dma_start3A_73 : memref<128xi32, #tpu.memory_space<vmem>>) semaphore(%arg13 : memref<!tpu.dma_semaphore, #tpu.memory_space<semaphore_mem>>)
      %run_scoped3A_77 = arith.constant 2 : i32
      "tpu.region"() ({
        %run_scoped3A_146 = tpu.sem_alloc : memref<!tpu.dma_semaphore, #tpu.memory_space<semaphore_mem>>
        %dma_start3A_147 = arith.constant 0 : i32
        %dma_start3A_148 = tpu.memref_slice %arg8[%run_scoped3A_77, %dma_start3A_147] : memref<8x128xi32, #tpu.memory_space<vmem>> -> memref<1x128xi32, #tpu.memory_space<vmem>>
        %dma_start3A_149 = tpu.memref_squeeze %dma_start3A_148 : memref<1x128xi32, #tpu.memory_space<vmem>> -> memref<128xi32, #tpu.memory_space<vmem>>
        %dma_start3A_150 = arith.constant 0 : i32
        %dma_start3A_151 = arith.constant 0 : i32
        %dma_start3A_152 = tpu.memref_slice %arg11[%dma_start3A_150, %dma_start3A_151] : memref<10240x128xf32, #tpu.memory_space<vmem_shared>> -> memref<10240x128xf32, #tpu.memory_space<vmem_shared>>
        tpu.enqueue_indirect_dma source(%arg9 : memref<128x128xf32, #tpu.memory_space<vmem>>) target(%dma_start3A_152 : memref<10240x128xf32, #tpu.memory_space<vmem_shared>>) offsets(%dma_start3A_149 : memref<128xi32, #tpu.memory_space<vmem>>) semaphore(%run_scoped3A_146 : memref<!tpu.dma_semaphore, #tpu.memory_space<semaphore_mem>>) {add = true}
        %dma_wait3A_153 = arith.constant 0 : i32
        %dma_wait3A_154 = tpu.memref_slice %arg8[%run_scoped3A_77, %dma_wait3A_153] : memref<8x128xi32, #tpu.memory_space<vmem>> -> memref<1x128xi32, #tpu.memory_space<vmem>>
        %dma_wait3A_155 = tpu.memref_squeeze %dma_wait3A_154 : memref<1x128xi32, #tpu.memory_space<vmem>> -> memref<128xi32, #tpu.memory_space<vmem>>
        %dma_wait3A_156 = arith.constant 0 : i32
        %dma_wait3A_157 = arith.constant 0 : i32
        %dma_wait3A_158 = tpu.memref_slice %arg11[%dma_wait3A_156, %dma_wait3A_157] : memref<10240x128xf32, #tpu.memory_space<vmem_shared>> -> memref<10240x128xf32, #tpu.memory_space<vmem_shared>>
        tpu.wait_indirect_dma semaphore(%run_scoped3A_146 : memref<!tpu.dma_semaphore, #tpu.memory_space<semaphore_mem>>) src(%arg9 : memref<128x128xf32, #tpu.memory_space<vmem>>) dst(%dma_wait3A_158 : memref<10240x128xf32, #tpu.memory_space<vmem_shared>>)
        tpu.yield
      }) : () -> ()
      %dma_wait3A_78 = arith.constant 3 : i32
      %dma_wait3A_79 = arith.constant 0 : i32
      %dma_wait3A_80 = tpu.memref_slice %arg7[%dma_wait3A_78, %dma_wait3A_79] : memref<8x128xi32, #tpu.memory_space<vmem>> -> memref<1x128xi32, #tpu.memory_space<vmem>>
      %dma_wait3A_81 = tpu.memref_squeeze %dma_wait3A_80 : memref<1x128xi32, #tpu.memory_space<vmem>> -> memref<128xi32, #tpu.memory_space<vmem>>
      %dma_wait3A_82 = arith.constant 0 : i32
      %dma_wait3A_83 = arith.constant 0 : i32
      %dma_wait3A_84 = tpu.memref_slice %arg2[%dma_wait3A_82, %dma_wait3A_83] : memref<10240x128xf32, #tpu.memory_space<hbm>> -> memref<10240x128xf32, #tpu.memory_space<hbm>>
      tpu.wait_indirect_dma semaphore(%arg13 : memref<!tpu.dma_semaphore, #tpu.memory_space<semaphore_mem>>) src(%dma_wait3A_84 : memref<10240x128xf32, #tpu.memory_space<hbm>>) dst(%arg10 : memref<128x128xf32, #tpu.memory_space<vmem>>)
      %dma_start3A_85 = arith.constant 4 : i32
      %dma_start3A_86 = arith.constant 0 : i32
      %dma_start3A_87 = tpu.memref_slice %arg7[%dma_start3A_85, %dma_start3A_86] : memref<8x128xi32, #tpu.memory_space<vmem>> -> memref<1x128xi32, #tpu.memory_space<vmem>>
      %dma_start3A_88 = tpu.memref_squeeze %dma_start3A_87 : memref<1x128xi32, #tpu.memory_space<vmem>> -> memref<128xi32, #tpu.memory_space<vmem>>
      %dma_start3A_89 = arith.constant 0 : i32
      %dma_start3A_90 = arith.constant 0 : i32
      %dma_start3A_91 = tpu.memref_slice %arg2[%dma_start3A_89, %dma_start3A_90] : memref<10240x128xf32, #tpu.memory_space<hbm>> -> memref<10240x128xf32, #tpu.memory_space<hbm>>
      tpu.enqueue_indirect_dma source(%dma_start3A_91 : memref<10240x128xf32, #tpu.memory_space<hbm>>) target(%arg9 : memref<128x128xf32, #tpu.memory_space<vmem>>) offsets(%dma_start3A_88 : memref<128xi32, #tpu.memory_space<vmem>>) semaphore(%arg12 : memref<!tpu.dma_semaphore, #tpu.memory_space<semaphore_mem>>)
      %run_scoped3A_92 = arith.constant 3 : i32
      "tpu.region"() ({
        %run_scoped3A_146 = tpu.sem_alloc : memref<!tpu.dma_semaphore, #tpu.memory_space<semaphore_mem>>
        %dma_start3A_147 = arith.constant 0 : i32
        %dma_start3A_148 = tpu.memref_slice %arg8[%run_scoped3A_92, %dma_start3A_147] : memref<8x128xi32, #tpu.memory_space<vmem>> -> memref<1x128xi32, #tpu.memory_space<vmem>>
        %dma_start3A_149 = tpu.memref_squeeze %dma_start3A_148 : memref<1x128xi32, #tpu.memory_space<vmem>> -> memref<128xi32, #tpu.memory_space<vmem>>
        %dma_start3A_150 = arith.constant 0 : i32
        %dma_start3A_151 = arith.constant 0 : i32
        %dma_start3A_152 = tpu.memref_slice %arg11[%dma_start3A_150, %dma_start3A_151] : memref<10240x128xf32, #tpu.memory_space<vmem_shared>> -> memref<10240x128xf32, #tpu.memory_space<vmem_shared>>
        tpu.enqueue_indirect_dma source(%arg10 : memref<128x128xf32, #tpu.memory_space<vmem>>) target(%dma_start3A_152 : memref<10240x128xf32, #tpu.memory_space<vmem_shared>>) offsets(%dma_start3A_149 : memref<128xi32, #tpu.memory_space<vmem>>) semaphore(%run_scoped3A_146 : memref<!tpu.dma_semaphore, #tpu.memory_space<semaphore_mem>>) {add = true}
        %dma_wait3A_153 = arith.constant 0 : i32
        %dma_wait3A_154 = tpu.memref_slice %arg8[%run_scoped3A_92, %dma_wait3A_153] : memref<8x128xi32, #tpu.memory_space<vmem>> -> memref<1x128xi32, #tpu.memory_space<vmem>>
        %dma_wait3A_155 = tpu.memref_squeeze %dma_wait3A_154 : memref<1x128xi32, #tpu.memory_space<vmem>> -> memref<128xi32, #tpu.memory_space<vmem>>
        %dma_wait3A_156 = arith.constant 0 : i32
        %dma_wait3A_157 = arith.constant 0 : i32
        %dma_wait3A_158 = tpu.memref_slice %arg11[%dma_wait3A_156, %dma_wait3A_157] : memref<10240x128xf32, #tpu.memory_space<vmem_shared>> -> memref<10240x128xf32, #tpu.memory_space<vmem_shared>>
        tpu.wait_indirect_dma semaphore(%run_scoped3A_146 : memref<!tpu.dma_semaphore, #tpu.memory_space<semaphore_mem>>) src(%arg10 : memref<128x128xf32, #tpu.memory_space<vmem>>) dst(%dma_wait3A_158 : memref<10240x128xf32, #tpu.memory_space<vmem_shared>>)
        tpu.yield
      }) : () -> ()
      %dma_wait3A_93 = arith.constant 4 : i32
      %dma_wait3A_94 = arith.constant 0 : i32
      %dma_wait3A_95 = tpu.memref_slice %arg7[%dma_wait3A_93, %dma_wait3A_94] : memref<8x128xi32, #tpu.memory_space<vmem>> -> memref<1x128xi32, #tpu.memory_space<vmem>>
      %dma_wait3A_96 = tpu.memref_squeeze %dma_wait3A_95 : memref<1x128xi32, #tpu.memory_space<vmem>> -> memref<128xi32, #tpu.memory_space<vmem>>
      %dma_wait3A_97 = arith.constant 0 : i32
      %dma_wait3A_98 = arith.constant 0 : i32
      %dma_wait3A_99 = tpu.memref_slice %arg2[%dma_wait3A_97, %dma_wait3A_98] : memref<10240x128xf32, #tpu.memory_space<hbm>> -> memref<10240x128xf32, #tpu.memory_space<hbm>>
      tpu.wait_indirect_dma semaphore(%arg12 : memref<!tpu.dma_semaphore, #tpu.memory_space<semaphore_mem>>) src(%dma_wait3A_99 : memref<10240x128xf32, #tpu.memory_space<hbm>>) dst(%arg9 : memref<128x128xf32, #tpu.memory_space<vmem>>)
      %dma_start3A_100 = arith.constant 5 : i32
      %dma_start3A_101 = arith.constant 0 : i32
      %dma_start3A_102 = tpu.memref_slice %arg7[%dma_start3A_100, %dma_start3A_101] : memref<8x128xi32, #tpu.memory_space<vmem>> -> memref<1x128xi32, #tpu.memory_space<vmem>>
      %dma_start3A_103 = tpu.memref_squeeze %dma_start3A_102 : memref<1x128xi32, #tpu.memory_space<vmem>> -> memref<128xi32, #tpu.memory_space<vmem>>
      %dma_start3A_104 = arith.constant 0 : i32
      %dma_start3A_105 = arith.constant 0 : i32
      %dma_start3A_106 = tpu.memref_slice %arg2[%dma_start3A_104, %dma_start3A_105] : memref<10240x128xf32, #tpu.memory_space<hbm>> -> memref<10240x128xf32, #tpu.memory_space<hbm>>
      tpu.enqueue_indirect_dma source(%dma_start3A_106 : memref<10240x128xf32, #tpu.memory_space<hbm>>) target(%arg10 : memref<128x128xf32, #tpu.memory_space<vmem>>) offsets(%dma_start3A_103 : memref<128xi32, #tpu.memory_space<vmem>>) semaphore(%arg13 : memref<!tpu.dma_semaphore, #tpu.memory_space<semaphore_mem>>)
      %run_scoped3A_107 = arith.constant 4 : i32
      "tpu.region"() ({
        %run_scoped3A_146 = tpu.sem_alloc : memref<!tpu.dma_semaphore, #tpu.memory_space<semaphore_mem>>
        %dma_start3A_147 = arith.constant 0 : i32
        %dma_start3A_148 = tpu.memref_slice %arg8[%run_scoped3A_107, %dma_start3A_147] : memref<8x128xi32, #tpu.memory_space<vmem>> -> memref<1x128xi32, #tpu.memory_space<vmem>>
        %dma_start3A_149 = tpu.memref_squeeze %dma_start3A_148 : memref<1x128xi32, #tpu.memory_space<vmem>> -> memref<128xi32, #tpu.memory_space<vmem>>
        %dma_start3A_150 = arith.constant 0 : i32
        %dma_start3A_151 = arith.constant 0 : i32
        %dma_start3A_152 = tpu.memref_slice %arg11[%dma_start3A_150, %dma_start3A_151] : memref<10240x128xf32, #tpu.memory_space<vmem_shared>> -> memref<10240x128xf32, #tpu.memory_space<vmem_shared>>
        tpu.enqueue_indirect_dma source(%arg9 : memref<128x128xf32, #tpu.memory_space<vmem>>) target(%dma_start3A_152 : memref<10240x128xf32, #tpu.memory_space<vmem_shared>>) offsets(%dma_start3A_149 : memref<128xi32, #tpu.memory_space<vmem>>) semaphore(%run_scoped3A_146 : memref<!tpu.dma_semaphore, #tpu.memory_space<semaphore_mem>>) {add = true}
        %dma_wait3A_153 = arith.constant 0 : i32
        %dma_wait3A_154 = tpu.memref_slice %arg8[%run_scoped3A_107, %dma_wait3A_153] : memref<8x128xi32, #tpu.memory_space<vmem>> -> memref<1x128xi32, #tpu.memory_space<vmem>>
        %dma_wait3A_155 = tpu.memref_squeeze %dma_wait3A_154 : memref<1x128xi32, #tpu.memory_space<vmem>> -> memref<128xi32, #tpu.memory_space<vmem>>
        %dma_wait3A_156 = arith.constant 0 : i32
        %dma_wait3A_157 = arith.constant 0 : i32
        %dma_wait3A_158 = tpu.memref_slice %arg11[%dma_wait3A_156, %dma_wait3A_157] : memref<10240x128xf32, #tpu.memory_space<vmem_shared>> -> memref<10240x128xf32, #tpu.memory_space<vmem_shared>>
        tpu.wait_indirect_dma semaphore(%run_scoped3A_146 : memref<!tpu.dma_semaphore, #tpu.memory_space<semaphore_mem>>) src(%arg9 : memref<128x128xf32, #tpu.memory_space<vmem>>) dst(%dma_wait3A_158 : memref<10240x128xf32, #tpu.memory_space<vmem_shared>>)
        tpu.yield
      }) : () -> ()
      %dma_wait3A_108 = arith.constant 5 : i32
      %dma_wait3A_109 = arith.constant 0 : i32
      %dma_wait3A_110 = tpu.memref_slice %arg7[%dma_wait3A_108, %dma_wait3A_109] : memref<8x128xi32, #tpu.memory_space<vmem>> -> memref<1x128xi32, #tpu.memory_space<vmem>>
      %dma_wait3A_111 = tpu.memref_squeeze %dma_wait3A_110 : memref<1x128xi32, #tpu.memory_space<vmem>> -> memref<128xi32, #tpu.memory_space<vmem>>
      %dma_wait3A_112 = arith.constant 0 : i32
      %dma_wait3A_113 = arith.constant 0 : i32
      %dma_wait3A_114 = tpu.memref_slice %arg2[%dma_wait3A_112, %dma_wait3A_113] : memref<10240x128xf32, #tpu.memory_space<hbm>> -> memref<10240x128xf32, #tpu.memory_space<hbm>>
      tpu.wait_indirect_dma semaphore(%arg13 : memref<!tpu.dma_semaphore, #tpu.memory_space<semaphore_mem>>) src(%dma_wait3A_114 : memref<10240x128xf32, #tpu.memory_space<hbm>>) dst(%arg10 : memref<128x128xf32, #tpu.memory_space<vmem>>)
      %dma_start3A_115 = arith.constant 6 : i32
      %dma_start3A_116 = arith.constant 0 : i32
      %dma_start3A_117 = tpu.memref_slice %arg7[%dma_start3A_115, %dma_start3A_116] : memref<8x128xi32, #tpu.memory_space<vmem>> -> memref<1x128xi32, #tpu.memory_space<vmem>>
      %dma_start3A_118 = tpu.memref_squeeze %dma_start3A_117 : memref<1x128xi32, #tpu.memory_space<vmem>> -> memref<128xi32, #tpu.memory_space<vmem>>
      %dma_start3A_119 = arith.constant 0 : i32
      %dma_start3A_120 = arith.constant 0 : i32
      %dma_start3A_121 = tpu.memref_slice %arg2[%dma_start3A_119, %dma_start3A_120] : memref<10240x128xf32, #tpu.memory_space<hbm>> -> memref<10240x128xf32, #tpu.memory_space<hbm>>
      tpu.enqueue_indirect_dma source(%dma_start3A_121 : memref<10240x128xf32, #tpu.memory_space<hbm>>) target(%arg9 : memref<128x128xf32, #tpu.memory_space<vmem>>) offsets(%dma_start3A_118 : memref<128xi32, #tpu.memory_space<vmem>>) semaphore(%arg12 : memref<!tpu.dma_semaphore, #tpu.memory_space<semaphore_mem>>)
      %run_scoped3A_122 = arith.constant 5 : i32
      "tpu.region"() ({
        %run_scoped3A_146 = tpu.sem_alloc : memref<!tpu.dma_semaphore, #tpu.memory_space<semaphore_mem>>
        %dma_start3A_147 = arith.constant 0 : i32
        %dma_start3A_148 = tpu.memref_slice %arg8[%run_scoped3A_122, %dma_start3A_147] : memref<8x128xi32, #tpu.memory_space<vmem>> -> memref<1x128xi32, #tpu.memory_space<vmem>>
        %dma_start3A_149 = tpu.memref_squeeze %dma_start3A_148 : memref<1x128xi32, #tpu.memory_space<vmem>> -> memref<128xi32, #tpu.memory_space<vmem>>
        %dma_start3A_150 = arith.constant 0 : i32
        %dma_start3A_151 = arith.constant 0 : i32
        %dma_start3A_152 = tpu.memref_slice %arg11[%dma_start3A_150, %dma_start3A_151] : memref<10240x128xf32, #tpu.memory_space<vmem_shared>> -> memref<10240x128xf32, #tpu.memory_space<vmem_shared>>
        tpu.enqueue_indirect_dma source(%arg10 : memref<128x128xf32, #tpu.memory_space<vmem>>) target(%dma_start3A_152 : memref<10240x128xf32, #tpu.memory_space<vmem_shared>>) offsets(%dma_start3A_149 : memref<128xi32, #tpu.memory_space<vmem>>) semaphore(%run_scoped3A_146 : memref<!tpu.dma_semaphore, #tpu.memory_space<semaphore_mem>>) {add = true}
        %dma_wait3A_153 = arith.constant 0 : i32
        %dma_wait3A_154 = tpu.memref_slice %arg8[%run_scoped3A_122, %dma_wait3A_153] : memref<8x128xi32, #tpu.memory_space<vmem>> -> memref<1x128xi32, #tpu.memory_space<vmem>>
        %dma_wait3A_155 = tpu.memref_squeeze %dma_wait3A_154 : memref<1x128xi32, #tpu.memory_space<vmem>> -> memref<128xi32, #tpu.memory_space<vmem>>
        %dma_wait3A_156 = arith.constant 0 : i32
        %dma_wait3A_157 = arith.constant 0 : i32
        %dma_wait3A_158 = tpu.memref_slice %arg11[%dma_wait3A_156, %dma_wait3A_157] : memref<10240x128xf32, #tpu.memory_space<vmem_shared>> -> memref<10240x128xf32, #tpu.memory_space<vmem_shared>>
        tpu.wait_indirect_dma semaphore(%run_scoped3A_146 : memref<!tpu.dma_semaphore, #tpu.memory_space<semaphore_mem>>) src(%arg10 : memref<128x128xf32, #tpu.memory_space<vmem>>) dst(%dma_wait3A_158 : memref<10240x128xf32, #tpu.memory_space<vmem_shared>>)
        tpu.yield
      }) : () -> ()
      %dma_wait3A_123 = arith.constant 6 : i32
      %dma_wait3A_124 = arith.constant 0 : i32
      %dma_wait3A_125 = tpu.memref_slice %arg7[%dma_wait3A_123, %dma_wait3A_124] : memref<8x128xi32, #tpu.memory_space<vmem>> -> memref<1x128xi32, #tpu.memory_space<vmem>>
      %dma_wait3A_126 = tpu.memref_squeeze %dma_wait3A_125 : memref<1x128xi32, #tpu.memory_space<vmem>> -> memref<128xi32, #tpu.memory_space<vmem>>
      %dma_wait3A_127 = arith.constant 0 : i32
      %dma_wait3A_128 = arith.constant 0 : i32
      %dma_wait3A_129 = tpu.memref_slice %arg2[%dma_wait3A_127, %dma_wait3A_128] : memref<10240x128xf32, #tpu.memory_space<hbm>> -> memref<10240x128xf32, #tpu.memory_space<hbm>>
      tpu.wait_indirect_dma semaphore(%arg12 : memref<!tpu.dma_semaphore, #tpu.memory_space<semaphore_mem>>) src(%dma_wait3A_129 : memref<10240x128xf32, #tpu.memory_space<hbm>>) dst(%arg9 : memref<128x128xf32, #tpu.memory_space<vmem>>)
      %dma_start3A_130 = arith.constant 7 : i32
      %dma_start3A_131 = arith.constant 0 : i32
      %dma_start3A_132 = tpu.memref_slice %arg7[%dma_start3A_130, %dma_start3A_131] : memref<8x128xi32, #tpu.memory_space<vmem>> -> memref<1x128xi32, #tpu.memory_space<vmem>>
      %dma_start3A_133 = tpu.memref_squeeze %dma_start3A_132 : memref<1x128xi32, #tpu.memory_space<vmem>> -> memref<128xi32, #tpu.memory_space<vmem>>
      %dma_start3A_134 = arith.constant 0 : i32
      %dma_start3A_135 = arith.constant 0 : i32
      %dma_start3A_136 = tpu.memref_slice %arg2[%dma_start3A_134, %dma_start3A_135] : memref<10240x128xf32, #tpu.memory_space<hbm>> -> memref<10240x128xf32, #tpu.memory_space<hbm>>
      tpu.enqueue_indirect_dma source(%dma_start3A_136 : memref<10240x128xf32, #tpu.memory_space<hbm>>) target(%arg10 : memref<128x128xf32, #tpu.memory_space<vmem>>) offsets(%dma_start3A_133 : memref<128xi32, #tpu.memory_space<vmem>>) semaphore(%arg13 : memref<!tpu.dma_semaphore, #tpu.memory_space<semaphore_mem>>)
      %run_scoped3A_137 = arith.constant 6 : i32
      "tpu.region"() ({
        %run_scoped3A_146 = tpu.sem_alloc : memref<!tpu.dma_semaphore, #tpu.memory_space<semaphore_mem>>
        %dma_start3A_147 = arith.constant 0 : i32
        %dma_start3A_148 = tpu.memref_slice %arg8[%run_scoped3A_137, %dma_start3A_147] : memref<8x128xi32, #tpu.memory_space<vmem>> -> memref<1x128xi32, #tpu.memory_space<vmem>>
        %dma_start3A_149 = tpu.memref_squeeze %dma_start3A_148 : memref<1x128xi32, #tpu.memory_space<vmem>> -> memref<128xi32, #tpu.memory_space<vmem>>
        %dma_start3A_150 = arith.constant 0 : i32
        %dma_start3A_151 = arith.constant 0 : i32
        %dma_start3A_152 = tpu.memref_slice %arg11[%dma_start3A_150, %dma_start3A_151] : memref<10240x128xf32, #tpu.memory_space<vmem_shared>> -> memref<10240x128xf32, #tpu.memory_space<vmem_shared>>
        tpu.enqueue_indirect_dma source(%arg9 : memref<128x128xf32, #tpu.memory_space<vmem>>) target(%dma_start3A_152 : memref<10240x128xf32, #tpu.memory_space<vmem_shared>>) offsets(%dma_start3A_149 : memref<128xi32, #tpu.memory_space<vmem>>) semaphore(%run_scoped3A_146 : memref<!tpu.dma_semaphore, #tpu.memory_space<semaphore_mem>>) {add = true}
        %dma_wait3A_153 = arith.constant 0 : i32
        %dma_wait3A_154 = tpu.memref_slice %arg8[%run_scoped3A_137, %dma_wait3A_153] : memref<8x128xi32, #tpu.memory_space<vmem>> -> memref<1x128xi32, #tpu.memory_space<vmem>>
        %dma_wait3A_155 = tpu.memref_squeeze %dma_wait3A_154 : memref<1x128xi32, #tpu.memory_space<vmem>> -> memref<128xi32, #tpu.memory_space<vmem>>
        %dma_wait3A_156 = arith.constant 0 : i32
        %dma_wait3A_157 = arith.constant 0 : i32
        %dma_wait3A_158 = tpu.memref_slice %arg11[%dma_wait3A_156, %dma_wait3A_157] : memref<10240x128xf32, #tpu.memory_space<vmem_shared>> -> memref<10240x128xf32, #tpu.memory_space<vmem_shared>>
        tpu.wait_indirect_dma semaphore(%run_scoped3A_146 : memref<!tpu.dma_semaphore, #tpu.memory_space<semaphore_mem>>) src(%arg9 : memref<128x128xf32, #tpu.memory_space<vmem>>) dst(%dma_wait3A_158 : memref<10240x128xf32, #tpu.memory_space<vmem_shared>>)
        tpu.yield
      }) : () -> ()
      %dma_wait3A_138 = arith.constant 7 : i32
      %dma_wait3A_139 = arith.constant 0 : i32
      %dma_wait3A_140 = tpu.memref_slice %arg7[%dma_wait3A_138, %dma_wait3A_139] : memref<8x128xi32, #tpu.memory_space<vmem>> -> memref<1x128xi32, #tpu.memory_space<vmem>>
      %dma_wait3A_141 = tpu.memref_squeeze %dma_wait3A_140 : memref<1x128xi32, #tpu.memory_space<vmem>> -> memref<128xi32, #tpu.memory_space<vmem>>
      %dma_wait3A_142 = arith.constant 0 : i32
      %dma_wait3A_143 = arith.constant 0 : i32
      %dma_wait3A_144 = tpu.memref_slice %arg2[%dma_wait3A_142, %dma_wait3A_143] : memref<10240x128xf32, #tpu.memory_space<hbm>> -> memref<10240x128xf32, #tpu.memory_space<hbm>>
      tpu.wait_indirect_dma semaphore(%arg13 : memref<!tpu.dma_semaphore, #tpu.memory_space<semaphore_mem>>) src(%dma_wait3A_144 : memref<10240x128xf32, #tpu.memory_space<hbm>>) dst(%arg10 : memref<128x128xf32, #tpu.memory_space<vmem>>)
      %run_scoped3A_145 = arith.constant 7 : i32
      "tpu.region"() ({
        %run_scoped3A_146 = tpu.sem_alloc : memref<!tpu.dma_semaphore, #tpu.memory_space<semaphore_mem>>
        %dma_start3A_147 = arith.constant 0 : i32
        %dma_start3A_148 = tpu.memref_slice %arg8[%run_scoped3A_145, %dma_start3A_147] : memref<8x128xi32, #tpu.memory_space<vmem>> -> memref<1x128xi32, #tpu.memory_space<vmem>>
        %dma_start3A_149 = tpu.memref_squeeze %dma_start3A_148 : memref<1x128xi32, #tpu.memory_space<vmem>> -> memref<128xi32, #tpu.memory_space<vmem>>
        %dma_start3A_150 = arith.constant 0 : i32
        %dma_start3A_151 = arith.constant 0 : i32
        %dma_start3A_152 = tpu.memref_slice %arg11[%dma_start3A_150, %dma_start3A_151] : memref<10240x128xf32, #tpu.memory_space<vmem_shared>> -> memref<10240x128xf32, #tpu.memory_space<vmem_shared>>
        tpu.enqueue_indirect_dma source(%arg10 : memref<128x128xf32, #tpu.memory_space<vmem>>) target(%dma_start3A_152 : memref<10240x128xf32, #tpu.memory_space<vmem_shared>>) offsets(%dma_start3A_149 : memref<128xi32, #tpu.memory_space<vmem>>) semaphore(%run_scoped3A_146 : memref<!tpu.dma_semaphore, #tpu.memory_space<semaphore_mem>>) {add = true}
        %dma_wait3A_153 = arith.constant 0 : i32
        %dma_wait3A_154 = tpu.memref_slice %arg8[%run_scoped3A_145, %dma_wait3A_153] : memref<8x128xi32, #tpu.memory_space<vmem>> -> memref<1x128xi32, #tpu.memory_space<vmem>>
        %dma_wait3A_155 = tpu.memref_squeeze %dma_wait3A_154 : memref<1x128xi32, #tpu.memory_space<vmem>> -> memref<128xi32, #tpu.memory_space<vmem>>
        %dma_wait3A_156 = arith.constant 0 : i32
        %dma_wait3A_157 = arith.constant 0 : i32
        %dma_wait3A_158 = tpu.memref_slice %arg11[%dma_wait3A_156, %dma_wait3A_157] : memref<10240x128xf32, #tpu.memory_space<vmem_shared>> -> memref<10240x128xf32, #tpu.memory_space<vmem_shared>>
        tpu.wait_indirect_dma semaphore(%run_scoped3A_146 : memref<!tpu.dma_semaphore, #tpu.memory_space<semaphore_mem>>) src(%arg10 : memref<128x128xf32, #tpu.memory_space<vmem>>) dst(%dma_wait3A_158 : memref<10240x128xf32, #tpu.memory_space<vmem_shared>>)
        tpu.yield
      }) : () -> ()
    }
    %while3A_20 = arith.constant 1 : i32
    scf.for %while3A_22 = %while3A_18 to %while3A_14 step %while3A_20  : i32 {
      %mul3A_23 = arith.constant 8 : i32
      %mul3A_24 = arith.muli %while3A_22, %mul3A_23 : i32
      %add3A_25 = arith.addi %select_n3A, %mul3A_24 : i32
      "tpu.region"() ({
        %run_scoped3A_146 = tpu.sem_alloc : memref<!tpu.dma_semaphore, #tpu.memory_space<semaphore_mem>>
        %dma_start3A_147 = arith.constant 0 : i32
        %dma_start3A_148 = tpu.memref_slice %arg3[%add3A_25, %dma_start3A_147] : memref<2560x128xi32, #tpu.memory_space<hbm>> -> memref<8x128xi32, #tpu.memory_space<hbm>>
        %dma_start3A_149 = arith.constant 0 : i32
        %dma_start3A_150 = tpu.memref_slice %arg3[%add3A_25, %dma_start3A_149] : memref<2560x128xi32, #tpu.memory_space<hbm>> -> memref<8x128xi32, #tpu.memory_space<hbm>>
        tpu.enqueue_dma source(%dma_start3A_150 : memref<8x128xi32, #tpu.memory_space<hbm>>) target(%arg7 : memref<8x128xi32, #tpu.memory_space<vmem>>) target_semaphore(%run_scoped3A_146 : memref<!tpu.dma_semaphore, #tpu.memory_space<semaphore_mem>>)
        %dma_wait3A_151 = arith.constant 0 : i32
        %dma_wait3A_152 = tpu.memref_slice %arg3[%add3A_25, %dma_wait3A_151] : memref<2560x128xi32, #tpu.memory_space<hbm>> -> memref<8x128xi32, #tpu.memory_space<hbm>>
        %dma_wait3A_153 = arith.constant 0 : i32
        %dma_wait3A_154 = tpu.memref_slice %arg3[%add3A_25, %dma_wait3A_153] : memref<2560x128xi32, #tpu.memory_space<hbm>> -> memref<8x128xi32, #tpu.memory_space<hbm>>
        tpu.wait_dma2 semaphore(%run_scoped3A_146 : memref<!tpu.dma_semaphore, #tpu.memory_space<semaphore_mem>>) src(%dma_wait3A_154 : memref<8x128xi32, #tpu.memory_space<hbm>>) dst(%arg7 : memref<8x128xi32, #tpu.memory_space<vmem>>)
        tpu.yield
      }) : () -> ()
      %mul3A_26 = arith.constant 8 : i32
      %mul3A_27 = arith.muli %while3A_22, %mul3A_26 : i32
      %add3A_28 = arith.addi %select_n3A, %mul3A_27 : i32
      "tpu.region"() ({
        %run_scoped3A_146 = tpu.sem_alloc : memref<!tpu.dma_semaphore, #tpu.memory_space<semaphore_mem>>
        %dma_start3A_147 = arith.constant 0 : i32
        %dma_start3A_148 = tpu.memref_slice %arg4[%add3A_28, %dma_start3A_147] : memref<2560x128xi32, #tpu.memory_space<hbm>> -> memref<8x128xi32, #tpu.memory_space<hbm>>
        %dma_start3A_149 = arith.constant 0 : i32
        %dma_start3A_150 = tpu.memref_slice %arg4[%add3A_28, %dma_start3A_149] : memref<2560x128xi32, #tpu.memory_space<hbm>> -> memref<8x128xi32, #tpu.memory_space<hbm>>
        tpu.enqueue_dma source(%dma_start3A_150 : memref<8x128xi32, #tpu.memory_space<hbm>>) target(%arg8 : memref<8x128xi32, #tpu.memory_space<vmem>>) target_semaphore(%run_scoped3A_146 : memref<!tpu.dma_semaphore, #tpu.memory_space<semaphore_mem>>)
        %dma_wait3A_151 = arith.constant 0 : i32
        %dma_wait3A_152 = tpu.memref_slice %arg4[%add3A_28, %dma_wait3A_151] : memref<2560x128xi32, #tpu.memory_space<hbm>> -> memref<8x128xi32, #tpu.memory_space<hbm>>
        %dma_wait3A_153 = arith.constant 0 : i32
        %dma_wait3A_154 = tpu.memref_slice %arg4[%add3A_28, %dma_wait3A_153] : memref<2560x128xi32, #tpu.memory_space<hbm>> -> memref<8x128xi32, #tpu.memory_space<hbm>>
        tpu.wait_dma2 semaphore(%run_scoped3A_146 : memref<!tpu.dma_semaphore, #tpu.memory_space<semaphore_mem>>) src(%dma_wait3A_154 : memref<8x128xi32, #tpu.memory_space<hbm>>) dst(%arg8 : memref<8x128xi32, #tpu.memory_space<vmem>>)
        tpu.yield
      }) : () -> ()
      %dma_start3A = arith.constant 0 : i32
      %dma_start3A_29 = arith.constant 0 : i32
      %dma_start3A_30 = tpu.memref_slice %arg7[%dma_start3A, %dma_start3A_29] : memref<8x128xi32, #tpu.memory_space<vmem>> -> memref<1x128xi32, #tpu.memory_space<vmem>>
      %dma_start3A_31 = tpu.memref_squeeze %dma_start3A_30 : memref<1x128xi32, #tpu.memory_space<vmem>> -> memref<128xi32, #tpu.memory_space<vmem>>
      %dma_start3A_32 = arith.constant 0 : i32
      %dma_start3A_33 = arith.constant 0 : i32
      %dma_start3A_34 = tpu.memref_slice %arg2[%dma_start3A_32, %dma_start3A_33] : memref<10240x128xf32, #tpu.memory_space<hbm>> -> memref<10240x128xf32, #tpu.memory_space<hbm>>
      tpu.enqueue_indirect_dma source(%dma_start3A_34 : memref<10240x128xf32, #tpu.memory_space<hbm>>) target(%arg9 : memref<128x128xf32, #tpu.memory_space<vmem>>) offsets(%dma_start3A_31 : memref<128xi32, #tpu.memory_space<vmem>>) semaphore(%arg12 : memref<!tpu.dma_semaphore, #tpu.memory_space<semaphore_mem>>)
      %dma_wait3A = arith.constant 0 : i32
      %dma_wait3A_35 = arith.constant 0 : i32
      %dma_wait3A_36 = tpu.memref_slice %arg7[%dma_wait3A, %dma_wait3A_35] : memref<8x128xi32, #tpu.memory_space<vmem>> -> memref<1x128xi32, #tpu.memory_space<vmem>>
      %dma_wait3A_37 = tpu.memref_squeeze %dma_wait3A_36 : memref<1x128xi32, #tpu.memory_space<vmem>> -> memref<128xi32, #tpu.memory_space<vmem>>
      %dma_wait3A_38 = arith.constant 0 : i32
      %dma_wait3A_39 = arith.constant 0 : i32
      %dma_wait3A_40 = tpu.memref_slice %arg2[%dma_wait3A_38, %dma_wait3A_39] : memref<10240x128xf32, #tpu.memory_space<hbm>> -> memref<10240x128xf32, #tpu.memory_space<hbm>>
      tpu.wait_indirect_dma semaphore(%arg12 : memref<!tpu.dma_semaphore, #tpu.memory_space<semaphore_mem>>) src(%dma_wait3A_40 : memref<10240x128xf32, #tpu.memory_space<hbm>>) dst(%arg9 : memref<128x128xf32, #tpu.memory_space<vmem>>)
      %dma_start3A_41 = arith.constant 1 : i32
      %dma_start3A_42 = arith.constant 0 : i32
      %dma_start3A_43 = tpu.memref_slice %arg7[%dma_start3A_41, %dma_start3A_42] : memref<8x128xi32, #tpu.memory_space<vmem>> -> memref<1x128xi32, #tpu.memory_space<vmem>>
      %dma_start3A_44 = tpu.memref_squeeze %dma_start3A_43 : memref<1x128xi32, #tpu.memory_space<vmem>> -> memref<128xi32, #tpu.memory_space<vmem>>
      %dma_start3A_45 = arith.constant 0 : i32
      %dma_start3A_46 = arith.constant 0 : i32
      %dma_start3A_47 = tpu.memref_slice %arg2[%dma_start3A_45, %dma_start3A_46] : memref<10240x128xf32, #tpu.memory_space<hbm>> -> memref<10240x128xf32, #tpu.memory_space<hbm>>
      tpu.enqueue_indirect_dma source(%dma_start3A_47 : memref<10240x128xf32, #tpu.memory_space<hbm>>) target(%arg10 : memref<128x128xf32, #tpu.memory_space<vmem>>) offsets(%dma_start3A_44 : memref<128xi32, #tpu.memory_space<vmem>>) semaphore(%arg13 : memref<!tpu.dma_semaphore, #tpu.memory_space<semaphore_mem>>)
      %run_scoped3A = arith.constant 0 : i32
      "tpu.region"() ({
        %run_scoped3A_146 = tpu.sem_alloc : memref<!tpu.dma_semaphore, #tpu.memory_space<semaphore_mem>>
        %dma_start3A_147 = arith.constant 0 : i32
        %dma_start3A_148 = tpu.memref_slice %arg8[%run_scoped3A, %dma_start3A_147] : memref<8x128xi32, #tpu.memory_space<vmem>> -> memref<1x128xi32, #tpu.memory_space<vmem>>
        %dma_start3A_149 = tpu.memref_squeeze %dma_start3A_148 : memref<1x128xi32, #tpu.memory_space<vmem>> -> memref<128xi32, #tpu.memory_space<vmem>>
        %dma_start3A_150 = arith.constant 0 : i32
        %dma_start3A_151 = arith.constant 0 : i32
        %dma_start3A_152 = tpu.memref_slice %arg11[%dma_start3A_150, %dma_start3A_151] : memref<10240x128xf32, #tpu.memory_space<vmem_shared>> -> memref<10240x128xf32, #tpu.memory_space<vmem_shared>>
        tpu.enqueue_indirect_dma source(%arg9 : memref<128x128xf32, #tpu.memory_space<vmem>>) target(%dma_start3A_152 : memref<10240x128xf32, #tpu.memory_space<vmem_shared>>) offsets(%dma_start3A_149 : memref<128xi32, #tpu.memory_space<vmem>>) semaphore(%run_scoped3A_146 : memref<!tpu.dma_semaphore, #tpu.memory_space<semaphore_mem>>) {add = true}
        %dma_wait3A_153 = arith.constant 0 : i32
        %dma_wait3A_154 = tpu.memref_slice %arg8[%run_scoped3A, %dma_wait3A_153] : memref<8x128xi32, #tpu.memory_space<vmem>> -> memref<1x128xi32, #tpu.memory_space<vmem>>
        %dma_wait3A_155 = tpu.memref_squeeze %dma_wait3A_154 : memref<1x128xi32, #tpu.memory_space<vmem>> -> memref<128xi32, #tpu.memory_space<vmem>>
        %dma_wait3A_156 = arith.constant 0 : i32
        %dma_wait3A_157 = arith.constant 0 : i32
        %dma_wait3A_158 = tpu.memref_slice %arg11[%dma_wait3A_156, %dma_wait3A_157] : memref<10240x128xf32, #tpu.memory_space<vmem_shared>> -> memref<10240x128xf32, #tpu.memory_space<vmem_shared>>
        tpu.wait_indirect_dma semaphore(%run_scoped3A_146 : memref<!tpu.dma_semaphore, #tpu.memory_space<semaphore_mem>>) src(%arg9 : memref<128x128xf32, #tpu.memory_space<vmem>>) dst(%dma_wait3A_158 : memref<10240x128xf32, #tpu.memory_space<vmem_shared>>)
        tpu.yield
      }) : () -> ()
      %dma_wait3A_48 = arith.constant 1 : i32
      %dma_wait3A_49 = arith.constant 0 : i32
      %dma_wait3A_50 = tpu.memref_slice %arg7[%dma_wait3A_48, %dma_wait3A_49] : memref<8x128xi32, #tpu.memory_space<vmem>> -> memref<1x128xi32, #tpu.memory_space<vmem>>
      %dma_wait3A_51 = tpu.memref_squeeze %dma_wait3A_50 : memref<1x128xi32, #tpu.memory_space<vmem>> -> memref<128xi32, #tpu.memory_space<vmem>>
      %dma_wait3A_52 = arith.constant 0 : i32
      %dma_wait3A_53 = arith.constant 0 : i32
      %dma_wait3A_54 = tpu.memref_slice %arg2[%dma_wait3A_52, %dma_wait3A_53] : memref<10240x128xf32, #tpu.memory_space<hbm>> -> memref<10240x128xf32, #tpu.memory_space<hbm>>
      tpu.wait_indirect_dma semaphore(%arg13 : memref<!tpu.dma_semaphore, #tpu.memory_space<semaphore_mem>>) src(%dma_wait3A_54 : memref<10240x128xf32, #tpu.memory_space<hbm>>) dst(%arg10 : memref<128x128xf32, #tpu.memory_space<vmem>>)
      %dma_start3A_55 = arith.constant 2 : i32
      %dma_start3A_56 = arith.constant 0 : i32
      %dma_start3A_57 = tpu.memref_slice %arg7[%dma_start3A_55, %dma_start3A_56] : memref<8x128xi32, #tpu.memory_space<vmem>> -> memref<1x128xi32, #tpu.memory_space<vmem>>
      %dma_start3A_58 = tpu.memref_squeeze %dma_start3A_57 : memref<1x128xi32, #tpu.memory_space<vmem>> -> memref<128xi32, #tpu.memory_space<vmem>>
      %dma_start3A_59 = arith.constant 0 : i32
      %dma_start3A_60 = arith.constant 0 : i32
      %dma_start3A_61 = tpu.memref_slice %arg2[%dma_start3A_59, %dma_start3A_60] : memref<10240x128xf32, #tpu.memory_space<hbm>> -> memref<10240x128xf32, #tpu.memory_space<hbm>>
      tpu.enqueue_indirect_dma source(%dma_start3A_61 : memref<10240x128xf32, #tpu.memory_space<hbm>>) target(%arg9 : memref<128x128xf32, #tpu.memory_space<vmem>>) offsets(%dma_start3A_58 : memref<128xi32, #tpu.memory_space<vmem>>) semaphore(%arg12 : memref<!tpu.dma_semaphore, #tpu.memory_space<semaphore_mem>>)
      %run_scoped3A_62 = arith.constant 1 : i32
      "tpu.region"() ({
        %run_scoped3A_146 = tpu.sem_alloc : memref<!tpu.dma_semaphore, #tpu.memory_space<semaphore_mem>>
        %dma_start3A_147 = arith.constant 0 : i32
        %dma_start3A_148 = tpu.memref_slice %arg8[%run_scoped3A_62, %dma_start3A_147] : memref<8x128xi32, #tpu.memory_space<vmem>> -> memref<1x128xi32, #tpu.memory_space<vmem>>
        %dma_start3A_149 = tpu.memref_squeeze %dma_start3A_148 : memref<1x128xi32, #tpu.memory_space<vmem>> -> memref<128xi32, #tpu.memory_space<vmem>>
        %dma_start3A_150 = arith.constant 0 : i32
        %dma_start3A_151 = arith.constant 0 : i32
        %dma_start3A_152 = tpu.memref_slice %arg11[%dma_start3A_150, %dma_start3A_151] : memref<10240x128xf32, #tpu.memory_space<vmem_shared>> -> memref<10240x128xf32, #tpu.memory_space<vmem_shared>>
        tpu.enqueue_indirect_dma source(%arg10 : memref<128x128xf32, #tpu.memory_space<vmem>>) target(%dma_start3A_152 : memref<10240x128xf32, #tpu.memory_space<vmem_shared>>) offsets(%dma_start3A_149 : memref<128xi32, #tpu.memory_space<vmem>>) semaphore(%run_scoped3A_146 : memref<!tpu.dma_semaphore, #tpu.memory_space<semaphore_mem>>) {add = true}
        %dma_wait3A_153 = arith.constant 0 : i32
        %dma_wait3A_154 = tpu.memref_slice %arg8[%run_scoped3A_62, %dma_wait3A_153] : memref<8x128xi32, #tpu.memory_space<vmem>> -> memref<1x128xi32, #tpu.memory_space<vmem>>
        %dma_wait3A_155 = tpu.memref_squeeze %dma_wait3A_154 : memref<1x128xi32, #tpu.memory_space<vmem>> -> memref<128xi32, #tpu.memory_space<vmem>>
        %dma_wait3A_156 = arith.constant 0 : i32
        %dma_wait3A_157 = arith.constant 0 : i32
        %dma_wait3A_158 = tpu.memref_slice %arg11[%dma_wait3A_156, %dma_wait3A_157] : memref<10240x128xf32, #tpu.memory_space<vmem_shared>> -> memref<10240x128xf32, #tpu.memory_space<vmem_shared>>
        tpu.wait_indirect_dma semaphore(%run_scoped3A_146 : memref<!tpu.dma_semaphore, #tpu.memory_space<semaphore_mem>>) src(%arg10 : memref<128x128xf32, #tpu.memory_space<vmem>>) dst(%dma_wait3A_158 : memref<10240x128xf32, #tpu.memory_space<vmem_shared>>)
        tpu.yield
      }) : () -> ()
      %dma_wait3A_63 = arith.constant 2 : i32
      %dma_wait3A_64 = arith.constant 0 : i32
      %dma_wait3A_65 = tpu.memref_slice %arg7[%dma_wait3A_63, %dma_wait3A_64] : memref<8x128xi32, #tpu.memory_space<vmem>> -> memref<1x128xi32, #tpu.memory_space<vmem>>
      %dma_wait3A_66 = tpu.memref_squeeze %dma_wait3A_65 : memref<1x128xi32, #tpu.memory_space<vmem>> -> memref<128xi32, #tpu.memory_space<vmem>>
      %dma_wait3A_67 = arith.constant 0 : i32
      %dma_wait3A_68 = arith.constant 0 : i32
      %dma_wait3A_69 = tpu.memref_slice %arg2[%dma_wait3A_67, %dma_wait3A_68] : memref<10240x128xf32, #tpu.memory_space<hbm>> -> memref<10240x128xf32, #tpu.memory_space<hbm>>
      tpu.wait_indirect_dma semaphore(%arg12 : memref<!tpu.dma_semaphore, #tpu.memory_space<semaphore_mem>>) src(%dma_wait3A_69 : memref<10240x128xf32, #tpu.memory_space<hbm>>) dst(%arg9 : memref<128x128xf32, #tpu.memory_space<vmem>>)
      %dma_start3A_70 = arith.constant 3 : i32
      %dma_start3A_71 = arith.constant 0 : i32
      %dma_start3A_72 = tpu.memref_slice %arg7[%dma_start3A_70, %dma_start3A_71] : memref<8x128xi32, #tpu.memory_space<vmem>> -> memref<1x128xi32, #tpu.memory_space<vmem>>
      %dma_start3A_73 = tpu.memref_squeeze %dma_start3A_72 : memref<1x128xi32, #tpu.memory_space<vmem>> -> memref<128xi32, #tpu.memory_space<vmem>>
      %dma_start3A_74 = arith.constant 0 : i32
      %dma_start3A_75 = arith.constant 0 : i32
      %dma_start3A_76 = tpu.memref_slice %arg2[%dma_start3A_74, %dma_start3A_75] : memref<10240x128xf32, #tpu.memory_space<hbm>> -> memref<10240x128xf32, #tpu.memory_space<hbm>>
      tpu.enqueue_indirect_dma source(%dma_start3A_76 : memref<10240x128xf32, #tpu.memory_space<hbm>>) target(%arg10 : memref<128x128xf32, #tpu.memory_space<vmem>>) offsets(%dma_start3A_73 : memref<128xi32, #tpu.memory_space<vmem>>) semaphore(%arg13 : memref<!tpu.dma_semaphore, #tpu.memory_space<semaphore_mem>>)
      %run_scoped3A_77 = arith.constant 2 : i32
      "tpu.region"() ({
        %run_scoped3A_146 = tpu.sem_alloc : memref<!tpu.dma_semaphore, #tpu.memory_space<semaphore_mem>>
        %dma_start3A_147 = arith.constant 0 : i32
        %dma_start3A_148 = tpu.memref_slice %arg8[%run_scoped3A_77, %dma_start3A_147] : memref<8x128xi32, #tpu.memory_space<vmem>> -> memref<1x128xi32, #tpu.memory_space<vmem>>
        %dma_start3A_149 = tpu.memref_squeeze %dma_start3A_148 : memref<1x128xi32, #tpu.memory_space<vmem>> -> memref<128xi32, #tpu.memory_space<vmem>>
        %dma_start3A_150 = arith.constant 0 : i32
        %dma_start3A_151 = arith.constant 0 : i32
        %dma_start3A_152 = tpu.memref_slice %arg11[%dma_start3A_150, %dma_start3A_151] : memref<10240x128xf32, #tpu.memory_space<vmem_shared>> -> memref<10240x128xf32, #tpu.memory_space<vmem_shared>>
        tpu.enqueue_indirect_dma source(%arg9 : memref<128x128xf32, #tpu.memory_space<vmem>>) target(%dma_start3A_152 : memref<10240x128xf32, #tpu.memory_space<vmem_shared>>) offsets(%dma_start3A_149 : memref<128xi32, #tpu.memory_space<vmem>>) semaphore(%run_scoped3A_146 : memref<!tpu.dma_semaphore, #tpu.memory_space<semaphore_mem>>) {add = true}
        %dma_wait3A_153 = arith.constant 0 : i32
        %dma_wait3A_154 = tpu.memref_slice %arg8[%run_scoped3A_77, %dma_wait3A_153] : memref<8x128xi32, #tpu.memory_space<vmem>> -> memref<1x128xi32, #tpu.memory_space<vmem>>
        %dma_wait3A_155 = tpu.memref_squeeze %dma_wait3A_154 : memref<1x128xi32, #tpu.memory_space<vmem>> -> memref<128xi32, #tpu.memory_space<vmem>>
        %dma_wait3A_156 = arith.constant 0 : i32
        %dma_wait3A_157 = arith.constant 0 : i32
        %dma_wait3A_158 = tpu.memref_slice %arg11[%dma_wait3A_156, %dma_wait3A_157] : memref<10240x128xf32, #tpu.memory_space<vmem_shared>> -> memref<10240x128xf32, #tpu.memory_space<vmem_shared>>
        tpu.wait_indirect_dma semaphore(%run_scoped3A_146 : memref<!tpu.dma_semaphore, #tpu.memory_space<semaphore_mem>>) src(%arg9 : memref<128x128xf32, #tpu.memory_space<vmem>>) dst(%dma_wait3A_158 : memref<10240x128xf32, #tpu.memory_space<vmem_shared>>)
        tpu.yield
      }) : () -> ()
      %dma_wait3A_78 = arith.constant 3 : i32
      %dma_wait3A_79 = arith.constant 0 : i32
      %dma_wait3A_80 = tpu.memref_slice %arg7[%dma_wait3A_78, %dma_wait3A_79] : memref<8x128xi32, #tpu.memory_space<vmem>> -> memref<1x128xi32, #tpu.memory_space<vmem>>
      %dma_wait3A_81 = tpu.memref_squeeze %dma_wait3A_80 : memref<1x128xi32, #tpu.memory_space<vmem>> -> memref<128xi32, #tpu.memory_space<vmem>>
      %dma_wait3A_82 = arith.constant 0 : i32
      %dma_wait3A_83 = arith.constant 0 : i32
      %dma_wait3A_84 = tpu.memref_slice %arg2[%dma_wait3A_82, %dma_wait3A_83] : memref<10240x128xf32, #tpu.memory_space<hbm>> -> memref<10240x128xf32, #tpu.memory_space<hbm>>
      tpu.wait_indirect_dma semaphore(%arg13 : memref<!tpu.dma_semaphore, #tpu.memory_space<semaphore_mem>>) src(%dma_wait3A_84 : memref<10240x128xf32, #tpu.memory_space<hbm>>) dst(%arg10 : memref<128x128xf32, #tpu.memory_space<vmem>>)
      %dma_start3A_85 = arith.constant 4 : i32
      %dma_start3A_86 = arith.constant 0 : i32
      %dma_start3A_87 = tpu.memref_slice %arg7[%dma_start3A_85, %dma_start3A_86] : memref<8x128xi32, #tpu.memory_space<vmem>> -> memref<1x128xi32, #tpu.memory_space<vmem>>
      %dma_start3A_88 = tpu.memref_squeeze %dma_start3A_87 : memref<1x128xi32, #tpu.memory_space<vmem>> -> memref<128xi32, #tpu.memory_space<vmem>>
      %dma_start3A_89 = arith.constant 0 : i32
      %dma_start3A_90 = arith.constant 0 : i32
      %dma_start3A_91 = tpu.memref_slice %arg2[%dma_start3A_89, %dma_start3A_90] : memref<10240x128xf32, #tpu.memory_space<hbm>> -> memref<10240x128xf32, #tpu.memory_space<hbm>>
      tpu.enqueue_indirect_dma source(%dma_start3A_91 : memref<10240x128xf32, #tpu.memory_space<hbm>>) target(%arg9 : memref<128x128xf32, #tpu.memory_space<vmem>>) offsets(%dma_start3A_88 : memref<128xi32, #tpu.memory_space<vmem>>) semaphore(%arg12 : memref<!tpu.dma_semaphore, #tpu.memory_space<semaphore_mem>>)
      %run_scoped3A_92 = arith.constant 3 : i32
      "tpu.region"() ({
        %run_scoped3A_146 = tpu.sem_alloc : memref<!tpu.dma_semaphore, #tpu.memory_space<semaphore_mem>>
        %dma_start3A_147 = arith.constant 0 : i32
        %dma_start3A_148 = tpu.memref_slice %arg8[%run_scoped3A_92, %dma_start3A_147] : memref<8x128xi32, #tpu.memory_space<vmem>> -> memref<1x128xi32, #tpu.memory_space<vmem>>
        %dma_start3A_149 = tpu.memref_squeeze %dma_start3A_148 : memref<1x128xi32, #tpu.memory_space<vmem>> -> memref<128xi32, #tpu.memory_space<vmem>>
        %dma_start3A_150 = arith.constant 0 : i32
        %dma_start3A_151 = arith.constant 0 : i32
        %dma_start3A_152 = tpu.memref_slice %arg11[%dma_start3A_150, %dma_start3A_151] : memref<10240x128xf32, #tpu.memory_space<vmem_shared>> -> memref<10240x128xf32, #tpu.memory_space<vmem_shared>>
        tpu.enqueue_indirect_dma source(%arg10 : memref<128x128xf32, #tpu.memory_space<vmem>>) target(%dma_start3A_152 : memref<10240x128xf32, #tpu.memory_space<vmem_shared>>) offsets(%dma_start3A_149 : memref<128xi32, #tpu.memory_space<vmem>>) semaphore(%run_scoped3A_146 : memref<!tpu.dma_semaphore, #tpu.memory_space<semaphore_mem>>) {add = true}
        %dma_wait3A_153 = arith.constant 0 : i32
        %dma_wait3A_154 = tpu.memref_slice %arg8[%run_scoped3A_92, %dma_wait3A_153] : memref<8x128xi32, #tpu.memory_space<vmem>> -> memref<1x128xi32, #tpu.memory_space<vmem>>
        %dma_wait3A_155 = tpu.memref_squeeze %dma_wait3A_154 : memref<1x128xi32, #tpu.memory_space<vmem>> -> memref<128xi32, #tpu.memory_space<vmem>>
        %dma_wait3A_156 = arith.constant 0 : i32
        %dma_wait3A_157 = arith.constant 0 : i32
        %dma_wait3A_158 = tpu.memref_slice %arg11[%dma_wait3A_156, %dma_wait3A_157] : memref<10240x128xf32, #tpu.memory_space<vmem_shared>> -> memref<10240x128xf32, #tpu.memory_space<vmem_shared>>
        tpu.wait_indirect_dma semaphore(%run_scoped3A_146 : memref<!tpu.dma_semaphore, #tpu.memory_space<semaphore_mem>>) src(%arg10 : memref<128x128xf32, #tpu.memory_space<vmem>>) dst(%dma_wait3A_158 : memref<10240x128xf32, #tpu.memory_space<vmem_shared>>)
        tpu.yield
      }) : () -> ()
      %dma_wait3A_93 = arith.constant 4 : i32
      %dma_wait3A_94 = arith.constant 0 : i32
      %dma_wait3A_95 = tpu.memref_slice %arg7[%dma_wait3A_93, %dma_wait3A_94] : memref<8x128xi32, #tpu.memory_space<vmem>> -> memref<1x128xi32, #tpu.memory_space<vmem>>
      %dma_wait3A_96 = tpu.memref_squeeze %dma_wait3A_95 : memref<1x128xi32, #tpu.memory_space<vmem>> -> memref<128xi32, #tpu.memory_space<vmem>>
      %dma_wait3A_97 = arith.constant 0 : i32
      %dma_wait3A_98 = arith.constant 0 : i32
      %dma_wait3A_99 = tpu.memref_slice %arg2[%dma_wait3A_97, %dma_wait3A_98] : memref<10240x128xf32, #tpu.memory_space<hbm>> -> memref<10240x128xf32, #tpu.memory_space<hbm>>
      tpu.wait_indirect_dma semaphore(%arg12 : memref<!tpu.dma_semaphore, #tpu.memory_space<semaphore_mem>>) src(%dma_wait3A_99 : memref<10240x128xf32, #tpu.memory_space<hbm>>) dst(%arg9 : memref<128x128xf32, #tpu.memory_space<vmem>>)
      %dma_start3A_100 = arith.constant 5 : i32
      %dma_start3A_101 = arith.constant 0 : i32
      %dma_start3A_102 = tpu.memref_slice %arg7[%dma_start3A_100, %dma_start3A_101] : memref<8x128xi32, #tpu.memory_space<vmem>> -> memref<1x128xi32, #tpu.memory_space<vmem>>
      %dma_start3A_103 = tpu.memref_squeeze %dma_start3A_102 : memref<1x128xi32, #tpu.memory_space<vmem>> -> memref<128xi32, #tpu.memory_space<vmem>>
      %dma_start3A_104 = arith.constant 0 : i32
      %dma_start3A_105 = arith.constant 0 : i32
      %dma_start3A_106 = tpu.memref_slice %arg2[%dma_start3A_104, %dma_start3A_105] : memref<10240x128xf32, #tpu.memory_space<hbm>> -> memref<10240x128xf32, #tpu.memory_space<hbm>>
      tpu.enqueue_indirect_dma source(%dma_start3A_106 : memref<10240x128xf32, #tpu.memory_space<hbm>>) target(%arg10 : memref<128x128xf32, #tpu.memory_space<vmem>>) offsets(%dma_start3A_103 : memref<128xi32, #tpu.memory_space<vmem>>) semaphore(%arg13 : memref<!tpu.dma_semaphore, #tpu.memory_space<semaphore_mem>>)
      %run_scoped3A_107 = arith.constant 4 : i32
      "tpu.region"() ({
        %run_scoped3A_146 = tpu.sem_alloc : memref<!tpu.dma_semaphore, #tpu.memory_space<semaphore_mem>>
        %dma_start3A_147 = arith.constant 0 : i32
        %dma_start3A_148 = tpu.memref_slice %arg8[%run_scoped3A_107, %dma_start3A_147] : memref<8x128xi32, #tpu.memory_space<vmem>> -> memref<1x128xi32, #tpu.memory_space<vmem>>
        %dma_start3A_149 = tpu.memref_squeeze %dma_start3A_148 : memref<1x128xi32, #tpu.memory_space<vmem>> -> memref<128xi32, #tpu.memory_space<vmem>>
        %dma_start3A_150 = arith.constant 0 : i32
        %dma_start3A_151 = arith.constant 0 : i32
        %dma_start3A_152 = tpu.memref_slice %arg11[%dma_start3A_150, %dma_start3A_151] : memref<10240x128xf32, #tpu.memory_space<vmem_shared>> -> memref<10240x128xf32, #tpu.memory_space<vmem_shared>>
        tpu.enqueue_indirect_dma source(%arg9 : memref<128x128xf32, #tpu.memory_space<vmem>>) target(%dma_start3A_152 : memref<10240x128xf32, #tpu.memory_space<vmem_shared>>) offsets(%dma_start3A_149 : memref<128xi32, #tpu.memory_space<vmem>>) semaphore(%run_scoped3A_146 : memref<!tpu.dma_semaphore, #tpu.memory_space<semaphore_mem>>) {add = true}
        %dma_wait3A_153 = arith.constant 0 : i32
        %dma_wait3A_154 = tpu.memref_slice %arg8[%run_scoped3A_107, %dma_wait3A_153] : memref<8x128xi32, #tpu.memory_space<vmem>> -> memref<1x128xi32, #tpu.memory_space<vmem>>
        %dma_wait3A_155 = tpu.memref_squeeze %dma_wait3A_154 : memref<1x128xi32, #tpu.memory_space<vmem>> -> memref<128xi32, #tpu.memory_space<vmem>>
        %dma_wait3A_156 = arith.constant 0 : i32
        %dma_wait3A_157 = arith.constant 0 : i32
        %dma_wait3A_158 = tpu.memref_slice %arg11[%dma_wait3A_156, %dma_wait3A_157] : memref<10240x128xf32, #tpu.memory_space<vmem_shared>> -> memref<10240x128xf32, #tpu.memory_space<vmem_shared>>
        tpu.wait_indirect_dma semaphore(%run_scoped3A_146 : memref<!tpu.dma_semaphore, #tpu.memory_space<semaphore_mem>>) src(%arg9 : memref<128x128xf32, #tpu.memory_space<vmem>>) dst(%dma_wait3A_158 : memref<10240x128xf32, #tpu.memory_space<vmem_shared>>)
        tpu.yield
      }) : () -> ()
      %dma_wait3A_108 = arith.constant 5 : i32
      %dma_wait3A_109 = arith.constant 0 : i32
      %dma_wait3A_110 = tpu.memref_slice %arg7[%dma_wait3A_108, %dma_wait3A_109] : memref<8x128xi32, #tpu.memory_space<vmem>> -> memref<1x128xi32, #tpu.memory_space<vmem>>
      %dma_wait3A_111 = tpu.memref_squeeze %dma_wait3A_110 : memref<1x128xi32, #tpu.memory_space<vmem>> -> memref<128xi32, #tpu.memory_space<vmem>>
      %dma_wait3A_112 = arith.constant 0 : i32
      %dma_wait3A_113 = arith.constant 0 : i32
      %dma_wait3A_114 = tpu.memref_slice %arg2[%dma_wait3A_112, %dma_wait3A_113] : memref<10240x128xf32, #tpu.memory_space<hbm>> -> memref<10240x128xf32, #tpu.memory_space<hbm>>
      tpu.wait_indirect_dma semaphore(%arg13 : memref<!tpu.dma_semaphore, #tpu.memory_space<semaphore_mem>>) src(%dma_wait3A_114 : memref<10240x128xf32, #tpu.memory_space<hbm>>) dst(%arg10 : memref<128x128xf32, #tpu.memory_space<vmem>>)
      %dma_start3A_115 = arith.constant 6 : i32
      %dma_start3A_116 = arith.constant 0 : i32
      %dma_start3A_117 = tpu.memref_slice %arg7[%dma_start3A_115, %dma_start3A_116] : memref<8x128xi32, #tpu.memory_space<vmem>> -> memref<1x128xi32, #tpu.memory_space<vmem>>
      %dma_start3A_118 = tpu.memref_squeeze %dma_start3A_117 : memref<1x128xi32, #tpu.memory_space<vmem>> -> memref<128xi32, #tpu.memory_space<vmem>>
      %dma_start3A_119 = arith.constant 0 : i32
      %dma_start3A_120 = arith.constant 0 : i32
      %dma_start3A_121 = tpu.memref_slice %arg2[%dma_start3A_119, %dma_start3A_120] : memref<10240x128xf32, #tpu.memory_space<hbm>> -> memref<10240x128xf32, #tpu.memory_space<hbm>>
      tpu.enqueue_indirect_dma source(%dma_start3A_121 : memref<10240x128xf32, #tpu.memory_space<hbm>>) target(%arg9 : memref<128x128xf32, #tpu.memory_space<vmem>>) offsets(%dma_start3A_118 : memref<128xi32, #tpu.memory_space<vmem>>) semaphore(%arg12 : memref<!tpu.dma_semaphore, #tpu.memory_space<semaphore_mem>>)
      %run_scoped3A_122 = arith.constant 5 : i32
      "tpu.region"() ({
        %run_scoped3A_146 = tpu.sem_alloc : memref<!tpu.dma_semaphore, #tpu.memory_space<semaphore_mem>>
        %dma_start3A_147 = arith.constant 0 : i32
        %dma_start3A_148 = tpu.memref_slice %arg8[%run_scoped3A_122, %dma_start3A_147] : memref<8x128xi32, #tpu.memory_space<vmem>> -> memref<1x128xi32, #tpu.memory_space<vmem>>
        %dma_start3A_149 = tpu.memref_squeeze %dma_start3A_148 : memref<1x128xi32, #tpu.memory_space<vmem>> -> memref<128xi32, #tpu.memory_space<vmem>>
        %dma_start3A_150 = arith.constant 0 : i32
        %dma_start3A_151 = arith.constant 0 : i32
        %dma_start3A_152 = tpu.memref_slice %arg11[%dma_start3A_150, %dma_start3A_151] : memref<10240x128xf32, #tpu.memory_space<vmem_shared>> -> memref<10240x128xf32, #tpu.memory_space<vmem_shared>>
        tpu.enqueue_indirect_dma source(%arg10 : memref<128x128xf32, #tpu.memory_space<vmem>>) target(%dma_start3A_152 : memref<10240x128xf32, #tpu.memory_space<vmem_shared>>) offsets(%dma_start3A_149 : memref<128xi32, #tpu.memory_space<vmem>>) semaphore(%run_scoped3A_146 : memref<!tpu.dma_semaphore, #tpu.memory_space<semaphore_mem>>) {add = true}
        %dma_wait3A_153 = arith.constant 0 : i32
        %dma_wait3A_154 = tpu.memref_slice %arg8[%run_scoped3A_122, %dma_wait3A_153] : memref<8x128xi32, #tpu.memory_space<vmem>> -> memref<1x128xi32, #tpu.memory_space<vmem>>
        %dma_wait3A_155 = tpu.memref_squeeze %dma_wait3A_154 : memref<1x128xi32, #tpu.memory_space<vmem>> -> memref<128xi32, #tpu.memory_space<vmem>>
        %dma_wait3A_156 = arith.constant 0 : i32
        %dma_wait3A_157 = arith.constant 0 : i32
        %dma_wait3A_158 = tpu.memref_slice %arg11[%dma_wait3A_156, %dma_wait3A_157] : memref<10240x128xf32, #tpu.memory_space<vmem_shared>> -> memref<10240x128xf32, #tpu.memory_space<vmem_shared>>
        tpu.wait_indirect_dma semaphore(%run_scoped3A_146 : memref<!tpu.dma_semaphore, #tpu.memory_space<semaphore_mem>>) src(%arg10 : memref<128x128xf32, #tpu.memory_space<vmem>>) dst(%dma_wait3A_158 : memref<10240x128xf32, #tpu.memory_space<vmem_shared>>)
        tpu.yield
      }) : () -> ()
      %dma_wait3A_123 = arith.constant 6 : i32
      %dma_wait3A_124 = arith.constant 0 : i32
      %dma_wait3A_125 = tpu.memref_slice %arg7[%dma_wait3A_123, %dma_wait3A_124] : memref<8x128xi32, #tpu.memory_space<vmem>> -> memref<1x128xi32, #tpu.memory_space<vmem>>
      %dma_wait3A_126 = tpu.memref_squeeze %dma_wait3A_125 : memref<1x128xi32, #tpu.memory_space<vmem>> -> memref<128xi32, #tpu.memory_space<vmem>>
      %dma_wait3A_127 = arith.constant 0 : i32
      %dma_wait3A_128 = arith.constant 0 : i32
      %dma_wait3A_129 = tpu.memref_slice %arg2[%dma_wait3A_127, %dma_wait3A_128] : memref<10240x128xf32, #tpu.memory_space<hbm>> -> memref<10240x128xf32, #tpu.memory_space<hbm>>
      tpu.wait_indirect_dma semaphore(%arg12 : memref<!tpu.dma_semaphore, #tpu.memory_space<semaphore_mem>>) src(%dma_wait3A_129 : memref<10240x128xf32, #tpu.memory_space<hbm>>) dst(%arg9 : memref<128x128xf32, #tpu.memory_space<vmem>>)
      %dma_start3A_130 = arith.constant 7 : i32
      %dma_start3A_131 = arith.constant 0 : i32
      %dma_start3A_132 = tpu.memref_slice %arg7[%dma_start3A_130, %dma_start3A_131] : memref<8x128xi32, #tpu.memory_space<vmem>> -> memref<1x128xi32, #tpu.memory_space<vmem>>
      %dma_start3A_133 = tpu.memref_squeeze %dma_start3A_132 : memref<1x128xi32, #tpu.memory_space<vmem>> -> memref<128xi32, #tpu.memory_space<vmem>>
      %dma_start3A_134 = arith.constant 0 : i32
      %dma_start3A_135 = arith.constant 0 : i32
      %dma_start3A_136 = tpu.memref_slice %arg2[%dma_start3A_134, %dma_start3A_135] : memref<10240x128xf32, #tpu.memory_space<hbm>> -> memref<10240x128xf32, #tpu.memory_space<hbm>>
      tpu.enqueue_indirect_dma source(%dma_start3A_136 : memref<10240x128xf32, #tpu.memory_space<hbm>>) target(%arg10 : memref<128x128xf32, #tpu.memory_space<vmem>>) offsets(%dma_start3A_133 : memref<128xi32, #tpu.memory_space<vmem>>) semaphore(%arg13 : memref<!tpu.dma_semaphore, #tpu.memory_space<semaphore_mem>>)
      %run_scoped3A_137 = arith.constant 6 : i32
      "tpu.region"() ({
        %run_scoped3A_146 = tpu.sem_alloc : memref<!tpu.dma_semaphore, #tpu.memory_space<semaphore_mem>>
        %dma_start3A_147 = arith.constant 0 : i32
        %dma_start3A_148 = tpu.memref_slice %arg8[%run_scoped3A_137, %dma_start3A_147] : memref<8x128xi32, #tpu.memory_space<vmem>> -> memref<1x128xi32, #tpu.memory_space<vmem>>
        %dma_start3A_149 = tpu.memref_squeeze %dma_start3A_148 : memref<1x128xi32, #tpu.memory_space<vmem>> -> memref<128xi32, #tpu.memory_space<vmem>>
        %dma_start3A_150 = arith.constant 0 : i32
        %dma_start3A_151 = arith.constant 0 : i32
        %dma_start3A_152 = tpu.memref_slice %arg11[%dma_start3A_150, %dma_start3A_151] : memref<10240x128xf32, #tpu.memory_space<vmem_shared>> -> memref<10240x128xf32, #tpu.memory_space<vmem_shared>>
        tpu.enqueue_indirect_dma source(%arg9 : memref<128x128xf32, #tpu.memory_space<vmem>>) target(%dma_start3A_152 : memref<10240x128xf32, #tpu.memory_space<vmem_shared>>) offsets(%dma_start3A_149 : memref<128xi32, #tpu.memory_space<vmem>>) semaphore(%run_scoped3A_146 : memref<!tpu.dma_semaphore, #tpu.memory_space<semaphore_mem>>) {add = true}
        %dma_wait3A_153 = arith.constant 0 : i32
        %dma_wait3A_154 = tpu.memref_slice %arg8[%run_scoped3A_137, %dma_wait3A_153] : memref<8x128xi32, #tpu.memory_space<vmem>> -> memref<1x128xi32, #tpu.memory_space<vmem>>
        %dma_wait3A_155 = tpu.memref_squeeze %dma_wait3A_154 : memref<1x128xi32, #tpu.memory_space<vmem>> -> memref<128xi32, #tpu.memory_space<vmem>>
        %dma_wait3A_156 = arith.constant 0 : i32
        %dma_wait3A_157 = arith.constant 0 : i32
        %dma_wait3A_158 = tpu.memref_slice %arg11[%dma_wait3A_156, %dma_wait3A_157] : memref<10240x128xf32, #tpu.memory_space<vmem_shared>> -> memref<10240x128xf32, #tpu.memory_space<vmem_shared>>
        tpu.wait_indirect_dma semaphore(%run_scoped3A_146 : memref<!tpu.dma_semaphore, #tpu.memory_space<semaphore_mem>>) src(%arg9 : memref<128x128xf32, #tpu.memory_space<vmem>>) dst(%dma_wait3A_158 : memref<10240x128xf32, #tpu.memory_space<vmem_shared>>)
        tpu.yield
      }) : () -> ()
      %dma_wait3A_138 = arith.constant 7 : i32
      %dma_wait3A_139 = arith.constant 0 : i32
      %dma_wait3A_140 = tpu.memref_slice %arg7[%dma_wait3A_138, %dma_wait3A_139] : memref<8x128xi32, #tpu.memory_space<vmem>> -> memref<1x128xi32, #tpu.memory_space<vmem>>
      %dma_wait3A_141 = tpu.memref_squeeze %dma_wait3A_140 : memref<1x128xi32, #tpu.memory_space<vmem>> -> memref<128xi32, #tpu.memory_space<vmem>>
      %dma_wait3A_142 = arith.constant 0 : i32
      %dma_wait3A_143 = arith.constant 0 : i32
      %dma_wait3A_144 = tpu.memref_slice %arg2[%dma_wait3A_142, %dma_wait3A_143] : memref<10240x128xf32, #tpu.memory_space<hbm>> -> memref<10240x128xf32, #tpu.memory_space<hbm>>
      tpu.wait_indirect_dma semaphore(%arg13 : memref<!tpu.dma_semaphore, #tpu.memory_space<semaphore_mem>>) src(%dma_wait3A_144 : memref<10240x128xf32, #tpu.memory_space<hbm>>) dst(%arg10 : memref<128x128xf32, #tpu.memory_space<vmem>>)
      %run_scoped3A_145 = arith.constant 7 : i32
      "tpu.region"() ({
        %run_scoped3A_146 = tpu.sem_alloc : memref<!tpu.dma_semaphore, #tpu.memory_space<semaphore_mem>>
        %dma_start3A_147 = arith.constant 0 : i32
        %dma_start3A_148 = tpu.memref_slice %arg8[%run_scoped3A_145, %dma_start3A_147] : memref<8x128xi32, #tpu.memory_space<vmem>> -> memref<1x128xi32, #tpu.memory_space<vmem>>
        %dma_start3A_149 = tpu.memref_squeeze %dma_start3A_148 : memref<1x128xi32, #tpu.memory_space<vmem>> -> memref<128xi32, #tpu.memory_space<vmem>>
        %dma_start3A_150 = arith.constant 0 : i32
        %dma_start3A_151 = arith.constant 0 : i32
        %dma_start3A_152 = tpu.memref_slice %arg11[%dma_start3A_150, %dma_start3A_151] : memref<10240x128xf32, #tpu.memory_space<vmem_shared>> -> memref<10240x128xf32, #tpu.memory_space<vmem_shared>>
        tpu.enqueue_indirect_dma source(%arg10 : memref<128x128xf32, #tpu.memory_space<vmem>>) target(%dma_start3A_152 : memref<10240x128xf32, #tpu.memory_space<vmem_shared>>) offsets(%dma_start3A_149 : memref<128xi32, #tpu.memory_space<vmem>>) semaphore(%run_scoped3A_146 : memref<!tpu.dma_semaphore, #tpu.memory_space<semaphore_mem>>) {add = true}
        %dma_wait3A_153 = arith.constant 0 : i32
        %dma_wait3A_154 = tpu.memref_slice %arg8[%run_scoped3A_145, %dma_wait3A_153] : memref<8x128xi32, #tpu.memory_space<vmem>> -> memref<1x128xi32, #tpu.memory_space<vmem>>
        %dma_wait3A_155 = tpu.memref_squeeze %dma_wait3A_154 : memref<1x128xi32, #tpu.memory_space<vmem>> -> memref<128xi32, #tpu.memory_space<vmem>>
        %dma_wait3A_156 = arith.constant 0 : i32
        %dma_wait3A_157 = arith.constant 0 : i32
        %dma_wait3A_158 = tpu.memref_slice %arg11[%dma_wait3A_156, %dma_wait3A_157] : memref<10240x128xf32, #tpu.memory_space<vmem_shared>> -> memref<10240x128xf32, #tpu.memory_space<vmem_shared>>
        tpu.wait_indirect_dma semaphore(%run_scoped3A_146 : memref<!tpu.dma_semaphore, #tpu.memory_space<semaphore_mem>>) src(%arg10 : memref<128x128xf32, #tpu.memory_space<vmem>>) dst(%dma_wait3A_158 : memref<10240x128xf32, #tpu.memory_space<vmem_shared>>)
        tpu.yield
      }) : () -> ()
    }
    %barrier3A_21 = arith.constant 0 : index
    tpu.barrier barrier_id(%barrier3A_21)
    "tpu.region"() ({
      %run_scoped3A = tpu.sem_alloc : memref<!tpu.dma_semaphore, #tpu.memory_space<semaphore_mem>>
      %dma_start3A = arith.constant 0 : i32
      %dma_start3A_22 = tpu.memref_slice %arg6[%arg0, %mul3A_2, %dma_start3A] : memref<2x10240x128xf32, #tpu.memory_space<hbm>> -> memref<1x640x128xf32, #tpu.memory_space<hbm>>
      %dma_start3A_23 = tpu.memref_squeeze %dma_start3A_22 : memref<1x640x128xf32, #tpu.memory_space<hbm>> -> memref<640x128xf32, #tpu.memory_space<hbm>>
      %dma_start3A_24 = arith.constant 0 : i32
      %dma_start3A_25 = tpu.memref_slice %arg11[%mul3A_2, %dma_start3A_24] : memref<10240x128xf32, #tpu.memory_space<vmem_shared>> -> memref<640x128xf32, #tpu.memory_space<vmem_shared>>
      tpu.enqueue_dma source(%dma_start3A_25 : memref<640x128xf32, #tpu.memory_space<vmem_shared>>) target(%dma_start3A_23 : memref<640x128xf32, #tpu.memory_space<hbm>>) target_semaphore(%run_scoped3A : memref<!tpu.dma_semaphore, #tpu.memory_space<semaphore_mem>>)
      %dma_wait3A = arith.constant 0 : i32
      %dma_wait3A_26 = tpu.memref_slice %arg6[%arg0, %mul3A_2, %dma_wait3A] : memref<2x10240x128xf32, #tpu.memory_space<hbm>> -> memref<1x640x128xf32, #tpu.memory_space<hbm>>
      %dma_wait3A_27 = tpu.memref_squeeze %dma_wait3A_26 : memref<1x640x128xf32, #tpu.memory_space<hbm>> -> memref<640x128xf32, #tpu.memory_space<hbm>>
      %dma_wait3A_28 = arith.constant 0 : i32
      %dma_wait3A_29 = tpu.memref_slice %arg11[%mul3A_2, %dma_wait3A_28] : memref<10240x128xf32, #tpu.memory_space<vmem_shared>> -> memref<640x128xf32, #tpu.memory_space<vmem_shared>>
      tpu.wait_dma2 semaphore(%run_scoped3A : memref<!tpu.dma_semaphore, #tpu.memory_space<semaphore_mem>>) src(%dma_wait3A_29 : memref<640x128xf32, #tpu.memory_space<vmem_shared>>) dst(%dma_wait3A_27 : memref<640x128xf32, #tpu.memory_space<hbm>>)
      tpu.yield
    }) : () -> ()
    return
  }
}

#map = affine_map<(d0, d1) -> (0, 0)>
#map1 = affine_map<(d0, d1) -> (0, 0, 0)>
module attributes {stable_mosaic.version = 14 : i64} {
  func.func @agg_kernel(%arg0: i32, %arg1: i32, %arg2: memref<10240x128xf32, #tpu.memory_space<hbm>>, %arg3: memref<2560x128xi32, #tpu.memory_space<hbm>>, %arg4: memref<2560x128xi32, #tpu.memory_space<hbm>>, %arg5: memref<10240x128xf32, #tpu.memory_space<hbm>>, %arg6: memref<2x10240x128xf32, #tpu.memory_space<hbm>>, %arg7: memref<8x128xi32, #tpu.memory_space<vmem>>, %arg8: memref<8x128xi32, #tpu.memory_space<vmem>>, %arg9: memref<128x128xf32, #tpu.memory_space<vmem>>, %arg10: memref<128x128xf32, #tpu.memory_space<vmem>>, %arg11: memref<10240x128xf32, #tpu.memory_space<vmem_shared>>, %arg12: memref<!tpu.dma_semaphore, #tpu.memory_space<semaphore_mem>>, %arg13: memref<!tpu.dma_semaphore, #tpu.memory_space<semaphore_mem>>) attributes {dimension_semantics = [#tpu.dimension_semantics<core_parallel>, #tpu.dimension_semantics<subcore_parallel>], iteration_bounds = array<i64: 2, 16>, scalar_prefetch = 0 : i64, scratch_operands = 7 : i64, tpu.core_type = #tpu.core_type<sc_vector_subcore>, window_params = [{transform_indices = #map}, {transform_indices = #map}, {transform_indices = #map}, {transform_indices = #map}, {transform_indices = #map1}]} {
    %mul3A = arith.constant 16 : i32
    %mul3A_0 = arith.muli %arg0, %mul3A : i32
    %add3A = arith.addi %mul3A_0, %arg1 : i32
    %mul3A_1 = arith.constant 640 : i32
    %mul3A_2 = arith.muli %arg1, %mul3A_1 : i32
    "tpu.region"() ({
      %run_scoped3A = tpu.sem_alloc : memref<!tpu.dma_semaphore, #tpu.memory_space<semaphore_mem>>
      %dma_start3A = arith.constant 0 : i32
      %dma_start3A_22 = tpu.memref_slice %arg11[%mul3A_2, %dma_start3A] : memref<10240x128xf32, #tpu.memory_space<vmem_shared>> -> memref<640x128xf32, #tpu.memory_space<vmem_shared>>
      %dma_start3A_23 = arith.constant 0 : i32
      %dma_start3A_24 = tpu.memref_slice %arg5[%mul3A_2, %dma_start3A_23] : memref<10240x128xf32, #tpu.memory_space<hbm>> -> memref<640x128xf32, #tpu.memory_space<hbm>>
      tpu.enqueue_dma source(%dma_start3A_24 : memref<640x128xf32, #tpu.memory_space<hbm>>) target(%dma_start3A_22 : memref<640x128xf32, #tpu.memory_space<vmem_shared>>) target_semaphore(%run_scoped3A : memref<!tpu.dma_semaphore, #tpu.memory_space<semaphore_mem>>)
      %dma_wait3A = arith.constant 0 : i32
      %dma_wait3A_25 = tpu.memref_slice %arg11[%mul3A_2, %dma_wait3A] : memref<10240x128xf32, #tpu.memory_space<vmem_shared>> -> memref<640x128xf32, #tpu.memory_space<vmem_shared>>
      %dma_wait3A_26 = arith.constant 0 : i32
      %dma_wait3A_27 = tpu.memref_slice %arg5[%mul3A_2, %dma_wait3A_26] : memref<10240x128xf32, #tpu.memory_space<hbm>> -> memref<640x128xf32, #tpu.memory_space<hbm>>
      tpu.wait_dma2 semaphore(%run_scoped3A : memref<!tpu.dma_semaphore, #tpu.memory_space<semaphore_mem>>) src(%dma_wait3A_27 : memref<640x128xf32, #tpu.memory_space<hbm>>) dst(%dma_wait3A_25 : memref<640x128xf32, #tpu.memory_space<vmem_shared>>)
      tpu.yield
    }) : () -> ()
    %barrier3A = arith.constant 0 : index
    tpu.barrier barrier_id(%barrier3A)
    %eq3A = arith.constant 0 : i32
    %eq3A_3 = arith.cmpi eq, %arg0, %eq3A : i32
    %mul3A_4 = arith.constant 144 : i32
    %mul3A_5 = arith.muli %arg1, %mul3A_4 : i32
    %mul3A_6 = arith.constant 16 : i32
    %mul3A_7 = arith.muli %arg1, %mul3A_6 : i32
    %add3A_8 = arith.constant 2304 : i32
    %add3A_9 = arith.addi %add3A_8, %mul3A_7 : i32
    %select_n3A = arith.select %eq3A_3, %mul3A_5, %add3A_9 : i32
    %jit3A = arith.constant 18 : i32
    %jit3A_10 = arith.constant 2 : i32
    %select_n3A_11 = arith.select %eq3A_3, %jit3A, %jit3A_10 : i32
    %while3A = arith.constant 0 : i32
    %while3A_12 = arith.constant 0 : i32
    %while3A_13 = arith.subi %select_n3A_11, %while3A_12 : i32
    %while3A_14 = arith.addi %while3A_12, %while3A_13 : i32
    %while3A_15 = arith.constant 1 : i32
    %while3A_16 = arith.divsi %while3A_13, %while3A_15 : i32
    %while3A_17 = arith.muli %while3A_16, %while3A_15 : i32
    %while3A_18 = arith.addi %while3A_12, %while3A_17 : i32
    %while3A_19 = arith.constant 1 : i32
    scf.for %while3A_22 = %while3A_12 to %while3A_18 step %while3A_19  : i32 {
      %mul3A_23 = arith.constant 8 : i32
      %mul3A_24 = arith.muli %while3A_22, %mul3A_23 : i32
      %add3A_25 = arith.addi %select_n3A, %mul3A_24 : i32
      "tpu.region"() ({
        %run_scoped3A_146 = tpu.sem_alloc : memref<!tpu.dma_semaphore, #tpu.memory_space<semaphore_mem>>
        %dma_start3A_147 = arith.constant 0 : i32
        %dma_start3A_148 = tpu.memref_slice %arg3[%add3A_25, %dma_start3A_147] : memref<2560x128xi32, #tpu.memory_space<hbm>> -> memref<8x128xi32, #tpu.memory_space<hbm>>
        %dma_start3A_149 = arith.constant 0 : i32
        %dma_start3A_150 = tpu.memref_slice %arg3[%add3A_25, %dma_start3A_149] : memref<2560x128xi32, #tpu.memory_space<hbm>> -> memref<8x128xi32, #tpu.memory_space<hbm>>
        tpu.enqueue_dma source(%dma_start3A_150 : memref<8x128xi32, #tpu.memory_space<hbm>>) target(%arg7 : memref<8x128xi32, #tpu.memory_space<vmem>>) target_semaphore(%run_scoped3A_146 : memref<!tpu.dma_semaphore, #tpu.memory_space<semaphore_mem>>)
        %dma_wait3A_151 = arith.constant 0 : i32
        %dma_wait3A_152 = tpu.memref_slice %arg3[%add3A_25, %dma_wait3A_151] : memref<2560x128xi32, #tpu.memory_space<hbm>> -> memref<8x128xi32, #tpu.memory_space<hbm>>
        %dma_wait3A_153 = arith.constant 0 : i32
        %dma_wait3A_154 = tpu.memref_slice %arg3[%add3A_25, %dma_wait3A_153] : memref<2560x128xi32, #tpu.memory_space<hbm>> -> memref<8x128xi32, #tpu.memory_space<hbm>>
        tpu.wait_dma2 semaphore(%run_scoped3A_146 : memref<!tpu.dma_semaphore, #tpu.memory_space<semaphore_mem>>) src(%dma_wait3A_154 : memref<8x128xi32, #tpu.memory_space<hbm>>) dst(%arg7 : memref<8x128xi32, #tpu.memory_space<vmem>>)
        tpu.yield
      }) : () -> ()
      %mul3A_26 = arith.constant 8 : i32
      %mul3A_27 = arith.muli %while3A_22, %mul3A_26 : i32
      %add3A_28 = arith.addi %select_n3A, %mul3A_27 : i32
      "tpu.region"() ({
        %run_scoped3A_146 = tpu.sem_alloc : memref<!tpu.dma_semaphore, #tpu.memory_space<semaphore_mem>>
        %dma_start3A_147 = arith.constant 0 : i32
        %dma_start3A_148 = tpu.memref_slice %arg4[%add3A_28, %dma_start3A_147] : memref<2560x128xi32, #tpu.memory_space<hbm>> -> memref<8x128xi32, #tpu.memory_space<hbm>>
        %dma_start3A_149 = arith.constant 0 : i32
        %dma_start3A_150 = tpu.memref_slice %arg4[%add3A_28, %dma_start3A_149] : memref<2560x128xi32, #tpu.memory_space<hbm>> -> memref<8x128xi32, #tpu.memory_space<hbm>>
        tpu.enqueue_dma source(%dma_start3A_150 : memref<8x128xi32, #tpu.memory_space<hbm>>) target(%arg8 : memref<8x128xi32, #tpu.memory_space<vmem>>) target_semaphore(%run_scoped3A_146 : memref<!tpu.dma_semaphore, #tpu.memory_space<semaphore_mem>>)
        %dma_wait3A_151 = arith.constant 0 : i32
        %dma_wait3A_152 = tpu.memref_slice %arg4[%add3A_28, %dma_wait3A_151] : memref<2560x128xi32, #tpu.memory_space<hbm>> -> memref<8x128xi32, #tpu.memory_space<hbm>>
        %dma_wait3A_153 = arith.constant 0 : i32
        %dma_wait3A_154 = tpu.memref_slice %arg4[%add3A_28, %dma_wait3A_153] : memref<2560x128xi32, #tpu.memory_space<hbm>> -> memref<8x128xi32, #tpu.memory_space<hbm>>
        tpu.wait_dma2 semaphore(%run_scoped3A_146 : memref<!tpu.dma_semaphore, #tpu.memory_space<semaphore_mem>>) src(%dma_wait3A_154 : memref<8x128xi32, #tpu.memory_space<hbm>>) dst(%arg8 : memref<8x128xi32, #tpu.memory_space<vmem>>)
        tpu.yield
      }) : () -> ()
      %dma_start3A = arith.constant 0 : i32
      %dma_start3A_29 = arith.constant 0 : i32
      %dma_start3A_30 = tpu.memref_slice %arg7[%dma_start3A, %dma_start3A_29] : memref<8x128xi32, #tpu.memory_space<vmem>> -> memref<1x128xi32, #tpu.memory_space<vmem>>
      %dma_start3A_31 = tpu.memref_squeeze %dma_start3A_30 : memref<1x128xi32, #tpu.memory_space<vmem>> -> memref<128xi32, #tpu.memory_space<vmem>>
      %dma_start3A_32 = arith.constant 0 : i32
      %dma_start3A_33 = arith.constant 0 : i32
      %dma_start3A_34 = tpu.memref_slice %arg2[%dma_start3A_32, %dma_start3A_33] : memref<10240x128xf32, #tpu.memory_space<hbm>> -> memref<10240x128xf32, #tpu.memory_space<hbm>>
      tpu.enqueue_indirect_dma source(%dma_start3A_34 : memref<10240x128xf32, #tpu.memory_space<hbm>>) target(%arg9 : memref<128x128xf32, #tpu.memory_space<vmem>>) offsets(%dma_start3A_31 : memref<128xi32, #tpu.memory_space<vmem>>) semaphore(%arg12 : memref<!tpu.dma_semaphore, #tpu.memory_space<semaphore_mem>>)
      %dma_wait3A = arith.constant 0 : i32
      %dma_wait3A_35 = arith.constant 0 : i32
      %dma_wait3A_36 = tpu.memref_slice %arg7[%dma_wait3A, %dma_wait3A_35] : memref<8x128xi32, #tpu.memory_space<vmem>> -> memref<1x128xi32, #tpu.memory_space<vmem>>
      %dma_wait3A_37 = tpu.memref_squeeze %dma_wait3A_36 : memref<1x128xi32, #tpu.memory_space<vmem>> -> memref<128xi32, #tpu.memory_space<vmem>>
      %dma_wait3A_38 = arith.constant 0 : i32
      %dma_wait3A_39 = arith.constant 0 : i32
      %dma_wait3A_40 = tpu.memref_slice %arg2[%dma_wait3A_38, %dma_wait3A_39] : memref<10240x128xf32, #tpu.memory_space<hbm>> -> memref<10240x128xf32, #tpu.memory_space<hbm>>
      tpu.wait_indirect_dma semaphore(%arg12 : memref<!tpu.dma_semaphore, #tpu.memory_space<semaphore_mem>>) src(%dma_wait3A_40 : memref<10240x128xf32, #tpu.memory_space<hbm>>) dst(%arg9 : memref<128x128xf32, #tpu.memory_space<vmem>>)
      %dma_start3A_41 = arith.constant 1 : i32
      %dma_start3A_42 = arith.constant 0 : i32
      %dma_start3A_43 = tpu.memref_slice %arg7[%dma_start3A_41, %dma_start3A_42] : memref<8x128xi32, #tpu.memory_space<vmem>> -> memref<1x128xi32, #tpu.memory_space<vmem>>
      %dma_start3A_44 = tpu.memref_squeeze %dma_start3A_43 : memref<1x128xi32, #tpu.memory_space<vmem>> -> memref<128xi32, #tpu.memory_space<vmem>>
      %dma_start3A_45 = arith.constant 0 : i32
      %dma_start3A_46 = arith.constant 0 : i32
      %dma_start3A_47 = tpu.memref_slice %arg2[%dma_start3A_45, %dma_start3A_46] : memref<10240x128xf32, #tpu.memory_space<hbm>> -> memref<10240x128xf32, #tpu.memory_space<hbm>>
      tpu.enqueue_indirect_dma source(%dma_start3A_47 : memref<10240x128xf32, #tpu.memory_space<hbm>>) target(%arg10 : memref<128x128xf32, #tpu.memory_space<vmem>>) offsets(%dma_start3A_44 : memref<128xi32, #tpu.memory_space<vmem>>) semaphore(%arg13 : memref<!tpu.dma_semaphore, #tpu.memory_space<semaphore_mem>>)
      %run_scoped3A = arith.constant 0 : i32
      "tpu.region"() ({
        %run_scoped3A_146 = tpu.sem_alloc : memref<!tpu.dma_semaphore, #tpu.memory_space<semaphore_mem>>
        %dma_start3A_147 = arith.constant 0 : i32
        %dma_start3A_148 = tpu.memref_slice %arg8[%run_scoped3A, %dma_start3A_147] : memref<8x128xi32, #tpu.memory_space<vmem>> -> memref<1x128xi32, #tpu.memory_space<vmem>>
        %dma_start3A_149 = tpu.memref_squeeze %dma_start3A_148 : memref<1x128xi32, #tpu.memory_space<vmem>> -> memref<128xi32, #tpu.memory_space<vmem>>
        %dma_start3A_150 = arith.constant 0 : i32
        %dma_start3A_151 = arith.constant 0 : i32
        %dma_start3A_152 = tpu.memref_slice %arg11[%dma_start3A_150, %dma_start3A_151] : memref<10240x128xf32, #tpu.memory_space<vmem_shared>> -> memref<10240x128xf32, #tpu.memory_space<vmem_shared>>
        tpu.enqueue_indirect_dma source(%arg9 : memref<128x128xf32, #tpu.memory_space<vmem>>) target(%dma_start3A_152 : memref<10240x128xf32, #tpu.memory_space<vmem_shared>>) offsets(%dma_start3A_149 : memref<128xi32, #tpu.memory_space<vmem>>) semaphore(%run_scoped3A_146 : memref<!tpu.dma_semaphore, #tpu.memory_space<semaphore_mem>>) {add = true}
        %dma_wait3A_153 = arith.constant 0 : i32
        %dma_wait3A_154 = tpu.memref_slice %arg8[%run_scoped3A, %dma_wait3A_153] : memref<8x128xi32, #tpu.memory_space<vmem>> -> memref<1x128xi32, #tpu.memory_space<vmem>>
        %dma_wait3A_155 = tpu.memref_squeeze %dma_wait3A_154 : memref<1x128xi32, #tpu.memory_space<vmem>> -> memref<128xi32, #tpu.memory_space<vmem>>
        %dma_wait3A_156 = arith.constant 0 : i32
        %dma_wait3A_157 = arith.constant 0 : i32
        %dma_wait3A_158 = tpu.memref_slice %arg11[%dma_wait3A_156, %dma_wait3A_157] : memref<10240x128xf32, #tpu.memory_space<vmem_shared>> -> memref<10240x128xf32, #tpu.memory_space<vmem_shared>>
        tpu.wait_indirect_dma semaphore(%run_scoped3A_146 : memref<!tpu.dma_semaphore, #tpu.memory_space<semaphore_mem>>) src(%arg9 : memref<128x128xf32, #tpu.memory_space<vmem>>) dst(%dma_wait3A_158 : memref<10240x128xf32, #tpu.memory_space<vmem_shared>>)
        tpu.yield
      }) : () -> ()
      %dma_wait3A_48 = arith.constant 1 : i32
      %dma_wait3A_49 = arith.constant 0 : i32
      %dma_wait3A_50 = tpu.memref_slice %arg7[%dma_wait3A_48, %dma_wait3A_49] : memref<8x128xi32, #tpu.memory_space<vmem>> -> memref<1x128xi32, #tpu.memory_space<vmem>>
      %dma_wait3A_51 = tpu.memref_squeeze %dma_wait3A_50 : memref<1x128xi32, #tpu.memory_space<vmem>> -> memref<128xi32, #tpu.memory_space<vmem>>
      %dma_wait3A_52 = arith.constant 0 : i32
      %dma_wait3A_53 = arith.constant 0 : i32
      %dma_wait3A_54 = tpu.memref_slice %arg2[%dma_wait3A_52, %dma_wait3A_53] : memref<10240x128xf32, #tpu.memory_space<hbm>> -> memref<10240x128xf32, #tpu.memory_space<hbm>>
      tpu.wait_indirect_dma semaphore(%arg13 : memref<!tpu.dma_semaphore, #tpu.memory_space<semaphore_mem>>) src(%dma_wait3A_54 : memref<10240x128xf32, #tpu.memory_space<hbm>>) dst(%arg10 : memref<128x128xf32, #tpu.memory_space<vmem>>)
      %dma_start3A_55 = arith.constant 2 : i32
      %dma_start3A_56 = arith.constant 0 : i32
      %dma_start3A_57 = tpu.memref_slice %arg7[%dma_start3A_55, %dma_start3A_56] : memref<8x128xi32, #tpu.memory_space<vmem>> -> memref<1x128xi32, #tpu.memory_space<vmem>>
      %dma_start3A_58 = tpu.memref_squeeze %dma_start3A_57 : memref<1x128xi32, #tpu.memory_space<vmem>> -> memref<128xi32, #tpu.memory_space<vmem>>
      %dma_start3A_59 = arith.constant 0 : i32
      %dma_start3A_60 = arith.constant 0 : i32
      %dma_start3A_61 = tpu.memref_slice %arg2[%dma_start3A_59, %dma_start3A_60] : memref<10240x128xf32, #tpu.memory_space<hbm>> -> memref<10240x128xf32, #tpu.memory_space<hbm>>
      tpu.enqueue_indirect_dma source(%dma_start3A_61 : memref<10240x128xf32, #tpu.memory_space<hbm>>) target(%arg9 : memref<128x128xf32, #tpu.memory_space<vmem>>) offsets(%dma_start3A_58 : memref<128xi32, #tpu.memory_space<vmem>>) semaphore(%arg12 : memref<!tpu.dma_semaphore, #tpu.memory_space<semaphore_mem>>)
      %run_scoped3A_62 = arith.constant 1 : i32
      "tpu.region"() ({
        %run_scoped3A_146 = tpu.sem_alloc : memref<!tpu.dma_semaphore, #tpu.memory_space<semaphore_mem>>
        %dma_start3A_147 = arith.constant 0 : i32
        %dma_start3A_148 = tpu.memref_slice %arg8[%run_scoped3A_62, %dma_start3A_147] : memref<8x128xi32, #tpu.memory_space<vmem>> -> memref<1x128xi32, #tpu.memory_space<vmem>>
        %dma_start3A_149 = tpu.memref_squeeze %dma_start3A_148 : memref<1x128xi32, #tpu.memory_space<vmem>> -> memref<128xi32, #tpu.memory_space<vmem>>
        %dma_start3A_150 = arith.constant 0 : i32
        %dma_start3A_151 = arith.constant 0 : i32
        %dma_start3A_152 = tpu.memref_slice %arg11[%dma_start3A_150, %dma_start3A_151] : memref<10240x128xf32, #tpu.memory_space<vmem_shared>> -> memref<10240x128xf32, #tpu.memory_space<vmem_shared>>
        tpu.enqueue_indirect_dma source(%arg10 : memref<128x128xf32, #tpu.memory_space<vmem>>) target(%dma_start3A_152 : memref<10240x128xf32, #tpu.memory_space<vmem_shared>>) offsets(%dma_start3A_149 : memref<128xi32, #tpu.memory_space<vmem>>) semaphore(%run_scoped3A_146 : memref<!tpu.dma_semaphore, #tpu.memory_space<semaphore_mem>>) {add = true}
        %dma_wait3A_153 = arith.constant 0 : i32
        %dma_wait3A_154 = tpu.memref_slice %arg8[%run_scoped3A_62, %dma_wait3A_153] : memref<8x128xi32, #tpu.memory_space<vmem>> -> memref<1x128xi32, #tpu.memory_space<vmem>>
        %dma_wait3A_155 = tpu.memref_squeeze %dma_wait3A_154 : memref<1x128xi32, #tpu.memory_space<vmem>> -> memref<128xi32, #tpu.memory_space<vmem>>
        %dma_wait3A_156 = arith.constant 0 : i32
        %dma_wait3A_157 = arith.constant 0 : i32
        %dma_wait3A_158 = tpu.memref_slice %arg11[%dma_wait3A_156, %dma_wait3A_157] : memref<10240x128xf32, #tpu.memory_space<vmem_shared>> -> memref<10240x128xf32, #tpu.memory_space<vmem_shared>>
        tpu.wait_indirect_dma semaphore(%run_scoped3A_146 : memref<!tpu.dma_semaphore, #tpu.memory_space<semaphore_mem>>) src(%arg10 : memref<128x128xf32, #tpu.memory_space<vmem>>) dst(%dma_wait3A_158 : memref<10240x128xf32, #tpu.memory_space<vmem_shared>>)
        tpu.yield
      }) : () -> ()
      %dma_wait3A_63 = arith.constant 2 : i32
      %dma_wait3A_64 = arith.constant 0 : i32
      %dma_wait3A_65 = tpu.memref_slice %arg7[%dma_wait3A_63, %dma_wait3A_64] : memref<8x128xi32, #tpu.memory_space<vmem>> -> memref<1x128xi32, #tpu.memory_space<vmem>>
      %dma_wait3A_66 = tpu.memref_squeeze %dma_wait3A_65 : memref<1x128xi32, #tpu.memory_space<vmem>> -> memref<128xi32, #tpu.memory_space<vmem>>
      %dma_wait3A_67 = arith.constant 0 : i32
      %dma_wait3A_68 = arith.constant 0 : i32
      %dma_wait3A_69 = tpu.memref_slice %arg2[%dma_wait3A_67, %dma_wait3A_68] : memref<10240x128xf32, #tpu.memory_space<hbm>> -> memref<10240x128xf32, #tpu.memory_space<hbm>>
      tpu.wait_indirect_dma semaphore(%arg12 : memref<!tpu.dma_semaphore, #tpu.memory_space<semaphore_mem>>) src(%dma_wait3A_69 : memref<10240x128xf32, #tpu.memory_space<hbm>>) dst(%arg9 : memref<128x128xf32, #tpu.memory_space<vmem>>)
      %dma_start3A_70 = arith.constant 3 : i32
      %dma_start3A_71 = arith.constant 0 : i32
      %dma_start3A_72 = tpu.memref_slice %arg7[%dma_start3A_70, %dma_start3A_71] : memref<8x128xi32, #tpu.memory_space<vmem>> -> memref<1x128xi32, #tpu.memory_space<vmem>>
      %dma_start3A_73 = tpu.memref_squeeze %dma_start3A_72 : memref<1x128xi32, #tpu.memory_space<vmem>> -> memref<128xi32, #tpu.memory_space<vmem>>
      %dma_start3A_74 = arith.constant 0 : i32
      %dma_start3A_75 = arith.constant 0 : i32
      %dma_start3A_76 = tpu.memref_slice %arg2[%dma_start3A_74, %dma_start3A_75] : memref<10240x128xf32, #tpu.memory_space<hbm>> -> memref<10240x128xf32, #tpu.memory_space<hbm>>
      tpu.enqueue_indirect_dma source(%dma_start3A_76 : memref<10240x128xf32, #tpu.memory_space<hbm>>) target(%arg10 : memref<128x128xf32, #tpu.memory_space<vmem>>) offsets(%dma_start3A_73 : memref<128xi32, #tpu.memory_space<vmem>>) semaphore(%arg13 : memref<!tpu.dma_semaphore, #tpu.memory_space<semaphore_mem>>)
      %run_scoped3A_77 = arith.constant 2 : i32
      "tpu.region"() ({
        %run_scoped3A_146 = tpu.sem_alloc : memref<!tpu.dma_semaphore, #tpu.memory_space<semaphore_mem>>
        %dma_start3A_147 = arith.constant 0 : i32
        %dma_start3A_148 = tpu.memref_slice %arg8[%run_scoped3A_77, %dma_start3A_147] : memref<8x128xi32, #tpu.memory_space<vmem>> -> memref<1x128xi32, #tpu.memory_space<vmem>>
        %dma_start3A_149 = tpu.memref_squeeze %dma_start3A_148 : memref<1x128xi32, #tpu.memory_space<vmem>> -> memref<128xi32, #tpu.memory_space<vmem>>
        %dma_start3A_150 = arith.constant 0 : i32
        %dma_start3A_151 = arith.constant 0 : i32
        %dma_start3A_152 = tpu.memref_slice %arg11[%dma_start3A_150, %dma_start3A_151] : memref<10240x128xf32, #tpu.memory_space<vmem_shared>> -> memref<10240x128xf32, #tpu.memory_space<vmem_shared>>
        tpu.enqueue_indirect_dma source(%arg9 : memref<128x128xf32, #tpu.memory_space<vmem>>) target(%dma_start3A_152 : memref<10240x128xf32, #tpu.memory_space<vmem_shared>>) offsets(%dma_start3A_149 : memref<128xi32, #tpu.memory_space<vmem>>) semaphore(%run_scoped3A_146 : memref<!tpu.dma_semaphore, #tpu.memory_space<semaphore_mem>>) {add = true}
        %dma_wait3A_153 = arith.constant 0 : i32
        %dma_wait3A_154 = tpu.memref_slice %arg8[%run_scoped3A_77, %dma_wait3A_153] : memref<8x128xi32, #tpu.memory_space<vmem>> -> memref<1x128xi32, #tpu.memory_space<vmem>>
        %dma_wait3A_155 = tpu.memref_squeeze %dma_wait3A_154 : memref<1x128xi32, #tpu.memory_space<vmem>> -> memref<128xi32, #tpu.memory_space<vmem>>
        %dma_wait3A_156 = arith.constant 0 : i32
        %dma_wait3A_157 = arith.constant 0 : i32
        %dma_wait3A_158 = tpu.memref_slice %arg11[%dma_wait3A_156, %dma_wait3A_157] : memref<10240x128xf32, #tpu.memory_space<vmem_shared>> -> memref<10240x128xf32, #tpu.memory_space<vmem_shared>>
        tpu.wait_indirect_dma semaphore(%run_scoped3A_146 : memref<!tpu.dma_semaphore, #tpu.memory_space<semaphore_mem>>) src(%arg9 : memref<128x128xf32, #tpu.memory_space<vmem>>) dst(%dma_wait3A_158 : memref<10240x128xf32, #tpu.memory_space<vmem_shared>>)
        tpu.yield
      }) : () -> ()
      %dma_wait3A_78 = arith.constant 3 : i32
      %dma_wait3A_79 = arith.constant 0 : i32
      %dma_wait3A_80 = tpu.memref_slice %arg7[%dma_wait3A_78, %dma_wait3A_79] : memref<8x128xi32, #tpu.memory_space<vmem>> -> memref<1x128xi32, #tpu.memory_space<vmem>>
      %dma_wait3A_81 = tpu.memref_squeeze %dma_wait3A_80 : memref<1x128xi32, #tpu.memory_space<vmem>> -> memref<128xi32, #tpu.memory_space<vmem>>
      %dma_wait3A_82 = arith.constant 0 : i32
      %dma_wait3A_83 = arith.constant 0 : i32
      %dma_wait3A_84 = tpu.memref_slice %arg2[%dma_wait3A_82, %dma_wait3A_83] : memref<10240x128xf32, #tpu.memory_space<hbm>> -> memref<10240x128xf32, #tpu.memory_space<hbm>>
      tpu.wait_indirect_dma semaphore(%arg13 : memref<!tpu.dma_semaphore, #tpu.memory_space<semaphore_mem>>) src(%dma_wait3A_84 : memref<10240x128xf32, #tpu.memory_space<hbm>>) dst(%arg10 : memref<128x128xf32, #tpu.memory_space<vmem>>)
      %dma_start3A_85 = arith.constant 4 : i32
      %dma_start3A_86 = arith.constant 0 : i32
      %dma_start3A_87 = tpu.memref_slice %arg7[%dma_start3A_85, %dma_start3A_86] : memref<8x128xi32, #tpu.memory_space<vmem>> -> memref<1x128xi32, #tpu.memory_space<vmem>>
      %dma_start3A_88 = tpu.memref_squeeze %dma_start3A_87 : memref<1x128xi32, #tpu.memory_space<vmem>> -> memref<128xi32, #tpu.memory_space<vmem>>
      %dma_start3A_89 = arith.constant 0 : i32
      %dma_start3A_90 = arith.constant 0 : i32
      %dma_start3A_91 = tpu.memref_slice %arg2[%dma_start3A_89, %dma_start3A_90] : memref<10240x128xf32, #tpu.memory_space<hbm>> -> memref<10240x128xf32, #tpu.memory_space<hbm>>
      tpu.enqueue_indirect_dma source(%dma_start3A_91 : memref<10240x128xf32, #tpu.memory_space<hbm>>) target(%arg9 : memref<128x128xf32, #tpu.memory_space<vmem>>) offsets(%dma_start3A_88 : memref<128xi32, #tpu.memory_space<vmem>>) semaphore(%arg12 : memref<!tpu.dma_semaphore, #tpu.memory_space<semaphore_mem>>)
      %run_scoped3A_92 = arith.constant 3 : i32
      "tpu.region"() ({
        %run_scoped3A_146 = tpu.sem_alloc : memref<!tpu.dma_semaphore, #tpu.memory_space<semaphore_mem>>
        %dma_start3A_147 = arith.constant 0 : i32
        %dma_start3A_148 = tpu.memref_slice %arg8[%run_scoped3A_92, %dma_start3A_147] : memref<8x128xi32, #tpu.memory_space<vmem>> -> memref<1x128xi32, #tpu.memory_space<vmem>>
        %dma_start3A_149 = tpu.memref_squeeze %dma_start3A_148 : memref<1x128xi32, #tpu.memory_space<vmem>> -> memref<128xi32, #tpu.memory_space<vmem>>
        %dma_start3A_150 = arith.constant 0 : i32
        %dma_start3A_151 = arith.constant 0 : i32
        %dma_start3A_152 = tpu.memref_slice %arg11[%dma_start3A_150, %dma_start3A_151] : memref<10240x128xf32, #tpu.memory_space<vmem_shared>> -> memref<10240x128xf32, #tpu.memory_space<vmem_shared>>
        tpu.enqueue_indirect_dma source(%arg10 : memref<128x128xf32, #tpu.memory_space<vmem>>) target(%dma_start3A_152 : memref<10240x128xf32, #tpu.memory_space<vmem_shared>>) offsets(%dma_start3A_149 : memref<128xi32, #tpu.memory_space<vmem>>) semaphore(%run_scoped3A_146 : memref<!tpu.dma_semaphore, #tpu.memory_space<semaphore_mem>>) {add = true}
        %dma_wait3A_153 = arith.constant 0 : i32
        %dma_wait3A_154 = tpu.memref_slice %arg8[%run_scoped3A_92, %dma_wait3A_153] : memref<8x128xi32, #tpu.memory_space<vmem>> -> memref<1x128xi32, #tpu.memory_space<vmem>>
        %dma_wait3A_155 = tpu.memref_squeeze %dma_wait3A_154 : memref<1x128xi32, #tpu.memory_space<vmem>> -> memref<128xi32, #tpu.memory_space<vmem>>
        %dma_wait3A_156 = arith.constant 0 : i32
        %dma_wait3A_157 = arith.constant 0 : i32
        %dma_wait3A_158 = tpu.memref_slice %arg11[%dma_wait3A_156, %dma_wait3A_157] : memref<10240x128xf32, #tpu.memory_space<vmem_shared>> -> memref<10240x128xf32, #tpu.memory_space<vmem_shared>>
        tpu.wait_indirect_dma semaphore(%run_scoped3A_146 : memref<!tpu.dma_semaphore, #tpu.memory_space<semaphore_mem>>) src(%arg10 : memref<128x128xf32, #tpu.memory_space<vmem>>) dst(%dma_wait3A_158 : memref<10240x128xf32, #tpu.memory_space<vmem_shared>>)
        tpu.yield
      }) : () -> ()
      %dma_wait3A_93 = arith.constant 4 : i32
      %dma_wait3A_94 = arith.constant 0 : i32
      %dma_wait3A_95 = tpu.memref_slice %arg7[%dma_wait3A_93, %dma_wait3A_94] : memref<8x128xi32, #tpu.memory_space<vmem>> -> memref<1x128xi32, #tpu.memory_space<vmem>>
      %dma_wait3A_96 = tpu.memref_squeeze %dma_wait3A_95 : memref<1x128xi32, #tpu.memory_space<vmem>> -> memref<128xi32, #tpu.memory_space<vmem>>
      %dma_wait3A_97 = arith.constant 0 : i32
      %dma_wait3A_98 = arith.constant 0 : i32
      %dma_wait3A_99 = tpu.memref_slice %arg2[%dma_wait3A_97, %dma_wait3A_98] : memref<10240x128xf32, #tpu.memory_space<hbm>> -> memref<10240x128xf32, #tpu.memory_space<hbm>>
      tpu.wait_indirect_dma semaphore(%arg12 : memref<!tpu.dma_semaphore, #tpu.memory_space<semaphore_mem>>) src(%dma_wait3A_99 : memref<10240x128xf32, #tpu.memory_space<hbm>>) dst(%arg9 : memref<128x128xf32, #tpu.memory_space<vmem>>)
      %dma_start3A_100 = arith.constant 5 : i32
      %dma_start3A_101 = arith.constant 0 : i32
      %dma_start3A_102 = tpu.memref_slice %arg7[%dma_start3A_100, %dma_start3A_101] : memref<8x128xi32, #tpu.memory_space<vmem>> -> memref<1x128xi32, #tpu.memory_space<vmem>>
      %dma_start3A_103 = tpu.memref_squeeze %dma_start3A_102 : memref<1x128xi32, #tpu.memory_space<vmem>> -> memref<128xi32, #tpu.memory_space<vmem>>
      %dma_start3A_104 = arith.constant 0 : i32
      %dma_start3A_105 = arith.constant 0 : i32
      %dma_start3A_106 = tpu.memref_slice %arg2[%dma_start3A_104, %dma_start3A_105] : memref<10240x128xf32, #tpu.memory_space<hbm>> -> memref<10240x128xf32, #tpu.memory_space<hbm>>
      tpu.enqueue_indirect_dma source(%dma_start3A_106 : memref<10240x128xf32, #tpu.memory_space<hbm>>) target(%arg10 : memref<128x128xf32, #tpu.memory_space<vmem>>) offsets(%dma_start3A_103 : memref<128xi32, #tpu.memory_space<vmem>>) semaphore(%arg13 : memref<!tpu.dma_semaphore, #tpu.memory_space<semaphore_mem>>)
      %run_scoped3A_107 = arith.constant 4 : i32
      "tpu.region"() ({
        %run_scoped3A_146 = tpu.sem_alloc : memref<!tpu.dma_semaphore, #tpu.memory_space<semaphore_mem>>
        %dma_start3A_147 = arith.constant 0 : i32
        %dma_start3A_148 = tpu.memref_slice %arg8[%run_scoped3A_107, %dma_start3A_147] : memref<8x128xi32, #tpu.memory_space<vmem>> -> memref<1x128xi32, #tpu.memory_space<vmem>>
        %dma_start3A_149 = tpu.memref_squeeze %dma_start3A_148 : memref<1x128xi32, #tpu.memory_space<vmem>> -> memref<128xi32, #tpu.memory_space<vmem>>
        %dma_start3A_150 = arith.constant 0 : i32
        %dma_start3A_151 = arith.constant 0 : i32
        %dma_start3A_152 = tpu.memref_slice %arg11[%dma_start3A_150, %dma_start3A_151] : memref<10240x128xf32, #tpu.memory_space<vmem_shared>> -> memref<10240x128xf32, #tpu.memory_space<vmem_shared>>
        tpu.enqueue_indirect_dma source(%arg9 : memref<128x128xf32, #tpu.memory_space<vmem>>) target(%dma_start3A_152 : memref<10240x128xf32, #tpu.memory_space<vmem_shared>>) offsets(%dma_start3A_149 : memref<128xi32, #tpu.memory_space<vmem>>) semaphore(%run_scoped3A_146 : memref<!tpu.dma_semaphore, #tpu.memory_space<semaphore_mem>>) {add = true}
        %dma_wait3A_153 = arith.constant 0 : i32
        %dma_wait3A_154 = tpu.memref_slice %arg8[%run_scoped3A_107, %dma_wait3A_153] : memref<8x128xi32, #tpu.memory_space<vmem>> -> memref<1x128xi32, #tpu.memory_space<vmem>>
        %dma_wait3A_155 = tpu.memref_squeeze %dma_wait3A_154 : memref<1x128xi32, #tpu.memory_space<vmem>> -> memref<128xi32, #tpu.memory_space<vmem>>
        %dma_wait3A_156 = arith.constant 0 : i32
        %dma_wait3A_157 = arith.constant 0 : i32
        %dma_wait3A_158 = tpu.memref_slice %arg11[%dma_wait3A_156, %dma_wait3A_157] : memref<10240x128xf32, #tpu.memory_space<vmem_shared>> -> memref<10240x128xf32, #tpu.memory_space<vmem_shared>>
        tpu.wait_indirect_dma semaphore(%run_scoped3A_146 : memref<!tpu.dma_semaphore, #tpu.memory_space<semaphore_mem>>) src(%arg9 : memref<128x128xf32, #tpu.memory_space<vmem>>) dst(%dma_wait3A_158 : memref<10240x128xf32, #tpu.memory_space<vmem_shared>>)
        tpu.yield
      }) : () -> ()
      %dma_wait3A_108 = arith.constant 5 : i32
      %dma_wait3A_109 = arith.constant 0 : i32
      %dma_wait3A_110 = tpu.memref_slice %arg7[%dma_wait3A_108, %dma_wait3A_109] : memref<8x128xi32, #tpu.memory_space<vmem>> -> memref<1x128xi32, #tpu.memory_space<vmem>>
      %dma_wait3A_111 = tpu.memref_squeeze %dma_wait3A_110 : memref<1x128xi32, #tpu.memory_space<vmem>> -> memref<128xi32, #tpu.memory_space<vmem>>
      %dma_wait3A_112 = arith.constant 0 : i32
      %dma_wait3A_113 = arith.constant 0 : i32
      %dma_wait3A_114 = tpu.memref_slice %arg2[%dma_wait3A_112, %dma_wait3A_113] : memref<10240x128xf32, #tpu.memory_space<hbm>> -> memref<10240x128xf32, #tpu.memory_space<hbm>>
      tpu.wait_indirect_dma semaphore(%arg13 : memref<!tpu.dma_semaphore, #tpu.memory_space<semaphore_mem>>) src(%dma_wait3A_114 : memref<10240x128xf32, #tpu.memory_space<hbm>>) dst(%arg10 : memref<128x128xf32, #tpu.memory_space<vmem>>)
      %dma_start3A_115 = arith.constant 6 : i32
      %dma_start3A_116 = arith.constant 0 : i32
      %dma_start3A_117 = tpu.memref_slice %arg7[%dma_start3A_115, %dma_start3A_116] : memref<8x128xi32, #tpu.memory_space<vmem>> -> memref<1x128xi32, #tpu.memory_space<vmem>>
      %dma_start3A_118 = tpu.memref_squeeze %dma_start3A_117 : memref<1x128xi32, #tpu.memory_space<vmem>> -> memref<128xi32, #tpu.memory_space<vmem>>
      %dma_start3A_119 = arith.constant 0 : i32
      %dma_start3A_120 = arith.constant 0 : i32
      %dma_start3A_121 = tpu.memref_slice %arg2[%dma_start3A_119, %dma_start3A_120] : memref<10240x128xf32, #tpu.memory_space<hbm>> -> memref<10240x128xf32, #tpu.memory_space<hbm>>
      tpu.enqueue_indirect_dma source(%dma_start3A_121 : memref<10240x128xf32, #tpu.memory_space<hbm>>) target(%arg9 : memref<128x128xf32, #tpu.memory_space<vmem>>) offsets(%dma_start3A_118 : memref<128xi32, #tpu.memory_space<vmem>>) semaphore(%arg12 : memref<!tpu.dma_semaphore, #tpu.memory_space<semaphore_mem>>)
      %run_scoped3A_122 = arith.constant 5 : i32
      "tpu.region"() ({
        %run_scoped3A_146 = tpu.sem_alloc : memref<!tpu.dma_semaphore, #tpu.memory_space<semaphore_mem>>
        %dma_start3A_147 = arith.constant 0 : i32
        %dma_start3A_148 = tpu.memref_slice %arg8[%run_scoped3A_122, %dma_start3A_147] : memref<8x128xi32, #tpu.memory_space<vmem>> -> memref<1x128xi32, #tpu.memory_space<vmem>>
        %dma_start3A_149 = tpu.memref_squeeze %dma_start3A_148 : memref<1x128xi32, #tpu.memory_space<vmem>> -> memref<128xi32, #tpu.memory_space<vmem>>
        %dma_start3A_150 = arith.constant 0 : i32
        %dma_start3A_151 = arith.constant 0 : i32
        %dma_start3A_152 = tpu.memref_slice %arg11[%dma_start3A_150, %dma_start3A_151] : memref<10240x128xf32, #tpu.memory_space<vmem_shared>> -> memref<10240x128xf32, #tpu.memory_space<vmem_shared>>
        tpu.enqueue_indirect_dma source(%arg10 : memref<128x128xf32, #tpu.memory_space<vmem>>) target(%dma_start3A_152 : memref<10240x128xf32, #tpu.memory_space<vmem_shared>>) offsets(%dma_start3A_149 : memref<128xi32, #tpu.memory_space<vmem>>) semaphore(%run_scoped3A_146 : memref<!tpu.dma_semaphore, #tpu.memory_space<semaphore_mem>>) {add = true}
        %dma_wait3A_153 = arith.constant 0 : i32
        %dma_wait3A_154 = tpu.memref_slice %arg8[%run_scoped3A_122, %dma_wait3A_153] : memref<8x128xi32, #tpu.memory_space<vmem>> -> memref<1x128xi32, #tpu.memory_space<vmem>>
        %dma_wait3A_155 = tpu.memref_squeeze %dma_wait3A_154 : memref<1x128xi32, #tpu.memory_space<vmem>> -> memref<128xi32, #tpu.memory_space<vmem>>
        %dma_wait3A_156 = arith.constant 0 : i32
        %dma_wait3A_157 = arith.constant 0 : i32
        %dma_wait3A_158 = tpu.memref_slice %arg11[%dma_wait3A_156, %dma_wait3A_157] : memref<10240x128xf32, #tpu.memory_space<vmem_shared>> -> memref<10240x128xf32, #tpu.memory_space<vmem_shared>>
        tpu.wait_indirect_dma semaphore(%run_scoped3A_146 : memref<!tpu.dma_semaphore, #tpu.memory_space<semaphore_mem>>) src(%arg10 : memref<128x128xf32, #tpu.memory_space<vmem>>) dst(%dma_wait3A_158 : memref<10240x128xf32, #tpu.memory_space<vmem_shared>>)
        tpu.yield
      }) : () -> ()
      %dma_wait3A_123 = arith.constant 6 : i32
      %dma_wait3A_124 = arith.constant 0 : i32
      %dma_wait3A_125 = tpu.memref_slice %arg7[%dma_wait3A_123, %dma_wait3A_124] : memref<8x128xi32, #tpu.memory_space<vmem>> -> memref<1x128xi32, #tpu.memory_space<vmem>>
      %dma_wait3A_126 = tpu.memref_squeeze %dma_wait3A_125 : memref<1x128xi32, #tpu.memory_space<vmem>> -> memref<128xi32, #tpu.memory_space<vmem>>
      %dma_wait3A_127 = arith.constant 0 : i32
      %dma_wait3A_128 = arith.constant 0 : i32
      %dma_wait3A_129 = tpu.memref_slice %arg2[%dma_wait3A_127, %dma_wait3A_128] : memref<10240x128xf32, #tpu.memory_space<hbm>> -> memref<10240x128xf32, #tpu.memory_space<hbm>>
      tpu.wait_indirect_dma semaphore(%arg12 : memref<!tpu.dma_semaphore, #tpu.memory_space<semaphore_mem>>) src(%dma_wait3A_129 : memref<10240x128xf32, #tpu.memory_space<hbm>>) dst(%arg9 : memref<128x128xf32, #tpu.memory_space<vmem>>)
      %dma_start3A_130 = arith.constant 7 : i32
      %dma_start3A_131 = arith.constant 0 : i32
      %dma_start3A_132 = tpu.memref_slice %arg7[%dma_start3A_130, %dma_start3A_131] : memref<8x128xi32, #tpu.memory_space<vmem>> -> memref<1x128xi32, #tpu.memory_space<vmem>>
      %dma_start3A_133 = tpu.memref_squeeze %dma_start3A_132 : memref<1x128xi32, #tpu.memory_space<vmem>> -> memref<128xi32, #tpu.memory_space<vmem>>
      %dma_start3A_134 = arith.constant 0 : i32
      %dma_start3A_135 = arith.constant 0 : i32
      %dma_start3A_136 = tpu.memref_slice %arg2[%dma_start3A_134, %dma_start3A_135] : memref<10240x128xf32, #tpu.memory_space<hbm>> -> memref<10240x128xf32, #tpu.memory_space<hbm>>
      tpu.enqueue_indirect_dma source(%dma_start3A_136 : memref<10240x128xf32, #tpu.memory_space<hbm>>) target(%arg10 : memref<128x128xf32, #tpu.memory_space<vmem>>) offsets(%dma_start3A_133 : memref<128xi32, #tpu.memory_space<vmem>>) semaphore(%arg13 : memref<!tpu.dma_semaphore, #tpu.memory_space<semaphore_mem>>)
      %run_scoped3A_137 = arith.constant 6 : i32
      "tpu.region"() ({
        %run_scoped3A_146 = tpu.sem_alloc : memref<!tpu.dma_semaphore, #tpu.memory_space<semaphore_mem>>
        %dma_start3A_147 = arith.constant 0 : i32
        %dma_start3A_148 = tpu.memref_slice %arg8[%run_scoped3A_137, %dma_start3A_147] : memref<8x128xi32, #tpu.memory_space<vmem>> -> memref<1x128xi32, #tpu.memory_space<vmem>>
        %dma_start3A_149 = tpu.memref_squeeze %dma_start3A_148 : memref<1x128xi32, #tpu.memory_space<vmem>> -> memref<128xi32, #tpu.memory_space<vmem>>
        %dma_start3A_150 = arith.constant 0 : i32
        %dma_start3A_151 = arith.constant 0 : i32
        %dma_start3A_152 = tpu.memref_slice %arg11[%dma_start3A_150, %dma_start3A_151] : memref<10240x128xf32, #tpu.memory_space<vmem_shared>> -> memref<10240x128xf32, #tpu.memory_space<vmem_shared>>
        tpu.enqueue_indirect_dma source(%arg9 : memref<128x128xf32, #tpu.memory_space<vmem>>) target(%dma_start3A_152 : memref<10240x128xf32, #tpu.memory_space<vmem_shared>>) offsets(%dma_start3A_149 : memref<128xi32, #tpu.memory_space<vmem>>) semaphore(%run_scoped3A_146 : memref<!tpu.dma_semaphore, #tpu.memory_space<semaphore_mem>>) {add = true}
        %dma_wait3A_153 = arith.constant 0 : i32
        %dma_wait3A_154 = tpu.memref_slice %arg8[%run_scoped3A_137, %dma_wait3A_153] : memref<8x128xi32, #tpu.memory_space<vmem>> -> memref<1x128xi32, #tpu.memory_space<vmem>>
        %dma_wait3A_155 = tpu.memref_squeeze %dma_wait3A_154 : memref<1x128xi32, #tpu.memory_space<vmem>> -> memref<128xi32, #tpu.memory_space<vmem>>
        %dma_wait3A_156 = arith.constant 0 : i32
        %dma_wait3A_157 = arith.constant 0 : i32
        %dma_wait3A_158 = tpu.memref_slice %arg11[%dma_wait3A_156, %dma_wait3A_157] : memref<10240x128xf32, #tpu.memory_space<vmem_shared>> -> memref<10240x128xf32, #tpu.memory_space<vmem_shared>>
        tpu.wait_indirect_dma semaphore(%run_scoped3A_146 : memref<!tpu.dma_semaphore, #tpu.memory_space<semaphore_mem>>) src(%arg9 : memref<128x128xf32, #tpu.memory_space<vmem>>) dst(%dma_wait3A_158 : memref<10240x128xf32, #tpu.memory_space<vmem_shared>>)
        tpu.yield
      }) : () -> ()
      %dma_wait3A_138 = arith.constant 7 : i32
      %dma_wait3A_139 = arith.constant 0 : i32
      %dma_wait3A_140 = tpu.memref_slice %arg7[%dma_wait3A_138, %dma_wait3A_139] : memref<8x128xi32, #tpu.memory_space<vmem>> -> memref<1x128xi32, #tpu.memory_space<vmem>>
      %dma_wait3A_141 = tpu.memref_squeeze %dma_wait3A_140 : memref<1x128xi32, #tpu.memory_space<vmem>> -> memref<128xi32, #tpu.memory_space<vmem>>
      %dma_wait3A_142 = arith.constant 0 : i32
      %dma_wait3A_143 = arith.constant 0 : i32
      %dma_wait3A_144 = tpu.memref_slice %arg2[%dma_wait3A_142, %dma_wait3A_143] : memref<10240x128xf32, #tpu.memory_space<hbm>> -> memref<10240x128xf32, #tpu.memory_space<hbm>>
      tpu.wait_indirect_dma semaphore(%arg13 : memref<!tpu.dma_semaphore, #tpu.memory_space<semaphore_mem>>) src(%dma_wait3A_144 : memref<10240x128xf32, #tpu.memory_space<hbm>>) dst(%arg10 : memref<128x128xf32, #tpu.memory_space<vmem>>)
      %run_scoped3A_145 = arith.constant 7 : i32
      "tpu.region"() ({
        %run_scoped3A_146 = tpu.sem_alloc : memref<!tpu.dma_semaphore, #tpu.memory_space<semaphore_mem>>
        %dma_start3A_147 = arith.constant 0 : i32
        %dma_start3A_148 = tpu.memref_slice %arg8[%run_scoped3A_145, %dma_start3A_147] : memref<8x128xi32, #tpu.memory_space<vmem>> -> memref<1x128xi32, #tpu.memory_space<vmem>>
        %dma_start3A_149 = tpu.memref_squeeze %dma_start3A_148 : memref<1x128xi32, #tpu.memory_space<vmem>> -> memref<128xi32, #tpu.memory_space<vmem>>
        %dma_start3A_150 = arith.constant 0 : i32
        %dma_start3A_151 = arith.constant 0 : i32
        %dma_start3A_152 = tpu.memref_slice %arg11[%dma_start3A_150, %dma_start3A_151] : memref<10240x128xf32, #tpu.memory_space<vmem_shared>> -> memref<10240x128xf32, #tpu.memory_space<vmem_shared>>
        tpu.enqueue_indirect_dma source(%arg10 : memref<128x128xf32, #tpu.memory_space<vmem>>) target(%dma_start3A_152 : memref<10240x128xf32, #tpu.memory_space<vmem_shared>>) offsets(%dma_start3A_149 : memref<128xi32, #tpu.memory_space<vmem>>) semaphore(%run_scoped3A_146 : memref<!tpu.dma_semaphore, #tpu.memory_space<semaphore_mem>>) {add = true}
        %dma_wait3A_153 = arith.constant 0 : i32
        %dma_wait3A_154 = tpu.memref_slice %arg8[%run_scoped3A_145, %dma_wait3A_153] : memref<8x128xi32, #tpu.memory_space<vmem>> -> memref<1x128xi32, #tpu.memory_space<vmem>>
        %dma_wait3A_155 = tpu.memref_squeeze %dma_wait3A_154 : memref<1x128xi32, #tpu.memory_space<vmem>> -> memref<128xi32, #tpu.memory_space<vmem>>
        %dma_wait3A_156 = arith.constant 0 : i32
        %dma_wait3A_157 = arith.constant 0 : i32
        %dma_wait3A_158 = tpu.memref_slice %arg11[%dma_wait3A_156, %dma_wait3A_157] : memref<10240x128xf32, #tpu.memory_space<vmem_shared>> -> memref<10240x128xf32, #tpu.memory_space<vmem_shared>>
        tpu.wait_indirect_dma semaphore(%run_scoped3A_146 : memref<!tpu.dma_semaphore, #tpu.memory_space<semaphore_mem>>) src(%arg10 : memref<128x128xf32, #tpu.memory_space<vmem>>) dst(%dma_wait3A_158 : memref<10240x128xf32, #tpu.memory_space<vmem_shared>>)
        tpu.yield
      }) : () -> ()
    }
    %while3A_20 = arith.constant 1 : i32
    scf.for %while3A_22 = %while3A_18 to %while3A_14 step %while3A_20  : i32 {
      %mul3A_23 = arith.constant 8 : i32
      %mul3A_24 = arith.muli %while3A_22, %mul3A_23 : i32
      %add3A_25 = arith.addi %select_n3A, %mul3A_24 : i32
      "tpu.region"() ({
        %run_scoped3A_146 = tpu.sem_alloc : memref<!tpu.dma_semaphore, #tpu.memory_space<semaphore_mem>>
        %dma_start3A_147 = arith.constant 0 : i32
        %dma_start3A_148 = tpu.memref_slice %arg3[%add3A_25, %dma_start3A_147] : memref<2560x128xi32, #tpu.memory_space<hbm>> -> memref<8x128xi32, #tpu.memory_space<hbm>>
        %dma_start3A_149 = arith.constant 0 : i32
        %dma_start3A_150 = tpu.memref_slice %arg3[%add3A_25, %dma_start3A_149] : memref<2560x128xi32, #tpu.memory_space<hbm>> -> memref<8x128xi32, #tpu.memory_space<hbm>>
        tpu.enqueue_dma source(%dma_start3A_150 : memref<8x128xi32, #tpu.memory_space<hbm>>) target(%arg7 : memref<8x128xi32, #tpu.memory_space<vmem>>) target_semaphore(%run_scoped3A_146 : memref<!tpu.dma_semaphore, #tpu.memory_space<semaphore_mem>>)
        %dma_wait3A_151 = arith.constant 0 : i32
        %dma_wait3A_152 = tpu.memref_slice %arg3[%add3A_25, %dma_wait3A_151] : memref<2560x128xi32, #tpu.memory_space<hbm>> -> memref<8x128xi32, #tpu.memory_space<hbm>>
        %dma_wait3A_153 = arith.constant 0 : i32
        %dma_wait3A_154 = tpu.memref_slice %arg3[%add3A_25, %dma_wait3A_153] : memref<2560x128xi32, #tpu.memory_space<hbm>> -> memref<8x128xi32, #tpu.memory_space<hbm>>
        tpu.wait_dma2 semaphore(%run_scoped3A_146 : memref<!tpu.dma_semaphore, #tpu.memory_space<semaphore_mem>>) src(%dma_wait3A_154 : memref<8x128xi32, #tpu.memory_space<hbm>>) dst(%arg7 : memref<8x128xi32, #tpu.memory_space<vmem>>)
        tpu.yield
      }) : () -> ()
      %mul3A_26 = arith.constant 8 : i32
      %mul3A_27 = arith.muli %while3A_22, %mul3A_26 : i32
      %add3A_28 = arith.addi %select_n3A, %mul3A_27 : i32
      "tpu.region"() ({
        %run_scoped3A_146 = tpu.sem_alloc : memref<!tpu.dma_semaphore, #tpu.memory_space<semaphore_mem>>
        %dma_start3A_147 = arith.constant 0 : i32
        %dma_start3A_148 = tpu.memref_slice %arg4[%add3A_28, %dma_start3A_147] : memref<2560x128xi32, #tpu.memory_space<hbm>> -> memref<8x128xi32, #tpu.memory_space<hbm>>
        %dma_start3A_149 = arith.constant 0 : i32
        %dma_start3A_150 = tpu.memref_slice %arg4[%add3A_28, %dma_start3A_149] : memref<2560x128xi32, #tpu.memory_space<hbm>> -> memref<8x128xi32, #tpu.memory_space<hbm>>
        tpu.enqueue_dma source(%dma_start3A_150 : memref<8x128xi32, #tpu.memory_space<hbm>>) target(%arg8 : memref<8x128xi32, #tpu.memory_space<vmem>>) target_semaphore(%run_scoped3A_146 : memref<!tpu.dma_semaphore, #tpu.memory_space<semaphore_mem>>)
        %dma_wait3A_151 = arith.constant 0 : i32
        %dma_wait3A_152 = tpu.memref_slice %arg4[%add3A_28, %dma_wait3A_151] : memref<2560x128xi32, #tpu.memory_space<hbm>> -> memref<8x128xi32, #tpu.memory_space<hbm>>
        %dma_wait3A_153 = arith.constant 0 : i32
        %dma_wait3A_154 = tpu.memref_slice %arg4[%add3A_28, %dma_wait3A_153] : memref<2560x128xi32, #tpu.memory_space<hbm>> -> memref<8x128xi32, #tpu.memory_space<hbm>>
        tpu.wait_dma2 semaphore(%run_scoped3A_146 : memref<!tpu.dma_semaphore, #tpu.memory_space<semaphore_mem>>) src(%dma_wait3A_154 : memref<8x128xi32, #tpu.memory_space<hbm>>) dst(%arg8 : memref<8x128xi32, #tpu.memory_space<vmem>>)
        tpu.yield
      }) : () -> ()
      %dma_start3A = arith.constant 0 : i32
      %dma_start3A_29 = arith.constant 0 : i32
      %dma_start3A_30 = tpu.memref_slice %arg7[%dma_start3A, %dma_start3A_29] : memref<8x128xi32, #tpu.memory_space<vmem>> -> memref<1x128xi32, #tpu.memory_space<vmem>>
      %dma_start3A_31 = tpu.memref_squeeze %dma_start3A_30 : memref<1x128xi32, #tpu.memory_space<vmem>> -> memref<128xi32, #tpu.memory_space<vmem>>
      %dma_start3A_32 = arith.constant 0 : i32
      %dma_start3A_33 = arith.constant 0 : i32
      %dma_start3A_34 = tpu.memref_slice %arg2[%dma_start3A_32, %dma_start3A_33] : memref<10240x128xf32, #tpu.memory_space<hbm>> -> memref<10240x128xf32, #tpu.memory_space<hbm>>
      tpu.enqueue_indirect_dma source(%dma_start3A_34 : memref<10240x128xf32, #tpu.memory_space<hbm>>) target(%arg9 : memref<128x128xf32, #tpu.memory_space<vmem>>) offsets(%dma_start3A_31 : memref<128xi32, #tpu.memory_space<vmem>>) semaphore(%arg12 : memref<!tpu.dma_semaphore, #tpu.memory_space<semaphore_mem>>)
      %dma_wait3A = arith.constant 0 : i32
      %dma_wait3A_35 = arith.constant 0 : i32
      %dma_wait3A_36 = tpu.memref_slice %arg7[%dma_wait3A, %dma_wait3A_35] : memref<8x128xi32, #tpu.memory_space<vmem>> -> memref<1x128xi32, #tpu.memory_space<vmem>>
      %dma_wait3A_37 = tpu.memref_squeeze %dma_wait3A_36 : memref<1x128xi32, #tpu.memory_space<vmem>> -> memref<128xi32, #tpu.memory_space<vmem>>
      %dma_wait3A_38 = arith.constant 0 : i32
      %dma_wait3A_39 = arith.constant 0 : i32
      %dma_wait3A_40 = tpu.memref_slice %arg2[%dma_wait3A_38, %dma_wait3A_39] : memref<10240x128xf32, #tpu.memory_space<hbm>> -> memref<10240x128xf32, #tpu.memory_space<hbm>>
      tpu.wait_indirect_dma semaphore(%arg12 : memref<!tpu.dma_semaphore, #tpu.memory_space<semaphore_mem>>) src(%dma_wait3A_40 : memref<10240x128xf32, #tpu.memory_space<hbm>>) dst(%arg9 : memref<128x128xf32, #tpu.memory_space<vmem>>)
      %dma_start3A_41 = arith.constant 1 : i32
      %dma_start3A_42 = arith.constant 0 : i32
      %dma_start3A_43 = tpu.memref_slice %arg7[%dma_start3A_41, %dma_start3A_42] : memref<8x128xi32, #tpu.memory_space<vmem>> -> memref<1x128xi32, #tpu.memory_space<vmem>>
      %dma_start3A_44 = tpu.memref_squeeze %dma_start3A_43 : memref<1x128xi32, #tpu.memory_space<vmem>> -> memref<128xi32, #tpu.memory_space<vmem>>
      %dma_start3A_45 = arith.constant 0 : i32
      %dma_start3A_46 = arith.constant 0 : i32
      %dma_start3A_47 = tpu.memref_slice %arg2[%dma_start3A_45, %dma_start3A_46] : memref<10240x128xf32, #tpu.memory_space<hbm>> -> memref<10240x128xf32, #tpu.memory_space<hbm>>
      tpu.enqueue_indirect_dma source(%dma_start3A_47 : memref<10240x128xf32, #tpu.memory_space<hbm>>) target(%arg10 : memref<128x128xf32, #tpu.memory_space<vmem>>) offsets(%dma_start3A_44 : memref<128xi32, #tpu.memory_space<vmem>>) semaphore(%arg13 : memref<!tpu.dma_semaphore, #tpu.memory_space<semaphore_mem>>)
      %run_scoped3A = arith.constant 0 : i32
      "tpu.region"() ({
        %run_scoped3A_146 = tpu.sem_alloc : memref<!tpu.dma_semaphore, #tpu.memory_space<semaphore_mem>>
        %dma_start3A_147 = arith.constant 0 : i32
        %dma_start3A_148 = tpu.memref_slice %arg8[%run_scoped3A, %dma_start3A_147] : memref<8x128xi32, #tpu.memory_space<vmem>> -> memref<1x128xi32, #tpu.memory_space<vmem>>
        %dma_start3A_149 = tpu.memref_squeeze %dma_start3A_148 : memref<1x128xi32, #tpu.memory_space<vmem>> -> memref<128xi32, #tpu.memory_space<vmem>>
        %dma_start3A_150 = arith.constant 0 : i32
        %dma_start3A_151 = arith.constant 0 : i32
        %dma_start3A_152 = tpu.memref_slice %arg11[%dma_start3A_150, %dma_start3A_151] : memref<10240x128xf32, #tpu.memory_space<vmem_shared>> -> memref<10240x128xf32, #tpu.memory_space<vmem_shared>>
        tpu.enqueue_indirect_dma source(%arg9 : memref<128x128xf32, #tpu.memory_space<vmem>>) target(%dma_start3A_152 : memref<10240x128xf32, #tpu.memory_space<vmem_shared>>) offsets(%dma_start3A_149 : memref<128xi32, #tpu.memory_space<vmem>>) semaphore(%run_scoped3A_146 : memref<!tpu.dma_semaphore, #tpu.memory_space<semaphore_mem>>) {add = true}
        %dma_wait3A_153 = arith.constant 0 : i32
        %dma_wait3A_154 = tpu.memref_slice %arg8[%run_scoped3A, %dma_wait3A_153] : memref<8x128xi32, #tpu.memory_space<vmem>> -> memref<1x128xi32, #tpu.memory_space<vmem>>
        %dma_wait3A_155 = tpu.memref_squeeze %dma_wait3A_154 : memref<1x128xi32, #tpu.memory_space<vmem>> -> memref<128xi32, #tpu.memory_space<vmem>>
        %dma_wait3A_156 = arith.constant 0 : i32
        %dma_wait3A_157 = arith.constant 0 : i32
        %dma_wait3A_158 = tpu.memref_slice %arg11[%dma_wait3A_156, %dma_wait3A_157] : memref<10240x128xf32, #tpu.memory_space<vmem_shared>> -> memref<10240x128xf32, #tpu.memory_space<vmem_shared>>
        tpu.wait_indirect_dma semaphore(%run_scoped3A_146 : memref<!tpu.dma_semaphore, #tpu.memory_space<semaphore_mem>>) src(%arg9 : memref<128x128xf32, #tpu.memory_space<vmem>>) dst(%dma_wait3A_158 : memref<10240x128xf32, #tpu.memory_space<vmem_shared>>)
        tpu.yield
      }) : () -> ()
      %dma_wait3A_48 = arith.constant 1 : i32
      %dma_wait3A_49 = arith.constant 0 : i32
      %dma_wait3A_50 = tpu.memref_slice %arg7[%dma_wait3A_48, %dma_wait3A_49] : memref<8x128xi32, #tpu.memory_space<vmem>> -> memref<1x128xi32, #tpu.memory_space<vmem>>
      %dma_wait3A_51 = tpu.memref_squeeze %dma_wait3A_50 : memref<1x128xi32, #tpu.memory_space<vmem>> -> memref<128xi32, #tpu.memory_space<vmem>>
      %dma_wait3A_52 = arith.constant 0 : i32
      %dma_wait3A_53 = arith.constant 0 : i32
      %dma_wait3A_54 = tpu.memref_slice %arg2[%dma_wait3A_52, %dma_wait3A_53] : memref<10240x128xf32, #tpu.memory_space<hbm>> -> memref<10240x128xf32, #tpu.memory_space<hbm>>
      tpu.wait_indirect_dma semaphore(%arg13 : memref<!tpu.dma_semaphore, #tpu.memory_space<semaphore_mem>>) src(%dma_wait3A_54 : memref<10240x128xf32, #tpu.memory_space<hbm>>) dst(%arg10 : memref<128x128xf32, #tpu.memory_space<vmem>>)
      %dma_start3A_55 = arith.constant 2 : i32
      %dma_start3A_56 = arith.constant 0 : i32
      %dma_start3A_57 = tpu.memref_slice %arg7[%dma_start3A_55, %dma_start3A_56] : memref<8x128xi32, #tpu.memory_space<vmem>> -> memref<1x128xi32, #tpu.memory_space<vmem>>
      %dma_start3A_58 = tpu.memref_squeeze %dma_start3A_57 : memref<1x128xi32, #tpu.memory_space<vmem>> -> memref<128xi32, #tpu.memory_space<vmem>>
      %dma_start3A_59 = arith.constant 0 : i32
      %dma_start3A_60 = arith.constant 0 : i32
      %dma_start3A_61 = tpu.memref_slice %arg2[%dma_start3A_59, %dma_start3A_60] : memref<10240x128xf32, #tpu.memory_space<hbm>> -> memref<10240x128xf32, #tpu.memory_space<hbm>>
      tpu.enqueue_indirect_dma source(%dma_start3A_61 : memref<10240x128xf32, #tpu.memory_space<hbm>>) target(%arg9 : memref<128x128xf32, #tpu.memory_space<vmem>>) offsets(%dma_start3A_58 : memref<128xi32, #tpu.memory_space<vmem>>) semaphore(%arg12 : memref<!tpu.dma_semaphore, #tpu.memory_space<semaphore_mem>>)
      %run_scoped3A_62 = arith.constant 1 : i32
      "tpu.region"() ({
        %run_scoped3A_146 = tpu.sem_alloc : memref<!tpu.dma_semaphore, #tpu.memory_space<semaphore_mem>>
        %dma_start3A_147 = arith.constant 0 : i32
        %dma_start3A_148 = tpu.memref_slice %arg8[%run_scoped3A_62, %dma_start3A_147] : memref<8x128xi32, #tpu.memory_space<vmem>> -> memref<1x128xi32, #tpu.memory_space<vmem>>
        %dma_start3A_149 = tpu.memref_squeeze %dma_start3A_148 : memref<1x128xi32, #tpu.memory_space<vmem>> -> memref<128xi32, #tpu.memory_space<vmem>>
        %dma_start3A_150 = arith.constant 0 : i32
        %dma_start3A_151 = arith.constant 0 : i32
        %dma_start3A_152 = tpu.memref_slice %arg11[%dma_start3A_150, %dma_start3A_151] : memref<10240x128xf32, #tpu.memory_space<vmem_shared>> -> memref<10240x128xf32, #tpu.memory_space<vmem_shared>>
        tpu.enqueue_indirect_dma source(%arg10 : memref<128x128xf32, #tpu.memory_space<vmem>>) target(%dma_start3A_152 : memref<10240x128xf32, #tpu.memory_space<vmem_shared>>) offsets(%dma_start3A_149 : memref<128xi32, #tpu.memory_space<vmem>>) semaphore(%run_scoped3A_146 : memref<!tpu.dma_semaphore, #tpu.memory_space<semaphore_mem>>) {add = true}
        %dma_wait3A_153 = arith.constant 0 : i32
        %dma_wait3A_154 = tpu.memref_slice %arg8[%run_scoped3A_62, %dma_wait3A_153] : memref<8x128xi32, #tpu.memory_space<vmem>> -> memref<1x128xi32, #tpu.memory_space<vmem>>
        %dma_wait3A_155 = tpu.memref_squeeze %dma_wait3A_154 : memref<1x128xi32, #tpu.memory_space<vmem>> -> memref<128xi32, #tpu.memory_space<vmem>>
        %dma_wait3A_156 = arith.constant 0 : i32
        %dma_wait3A_157 = arith.constant 0 : i32
        %dma_wait3A_158 = tpu.memref_slice %arg11[%dma_wait3A_156, %dma_wait3A_157] : memref<10240x128xf32, #tpu.memory_space<vmem_shared>> -> memref<10240x128xf32, #tpu.memory_space<vmem_shared>>
        tpu.wait_indirect_dma semaphore(%run_scoped3A_146 : memref<!tpu.dma_semaphore, #tpu.memory_space<semaphore_mem>>) src(%arg10 : memref<128x128xf32, #tpu.memory_space<vmem>>) dst(%dma_wait3A_158 : memref<10240x128xf32, #tpu.memory_space<vmem_shared>>)
        tpu.yield
      }) : () -> ()
      %dma_wait3A_63 = arith.constant 2 : i32
      %dma_wait3A_64 = arith.constant 0 : i32
      %dma_wait3A_65 = tpu.memref_slice %arg7[%dma_wait3A_63, %dma_wait3A_64] : memref<8x128xi32, #tpu.memory_space<vmem>> -> memref<1x128xi32, #tpu.memory_space<vmem>>
      %dma_wait3A_66 = tpu.memref_squeeze %dma_wait3A_65 : memref<1x128xi32, #tpu.memory_space<vmem>> -> memref<128xi32, #tpu.memory_space<vmem>>
      %dma_wait3A_67 = arith.constant 0 : i32
      %dma_wait3A_68 = arith.constant 0 : i32
      %dma_wait3A_69 = tpu.memref_slice %arg2[%dma_wait3A_67, %dma_wait3A_68] : memref<10240x128xf32, #tpu.memory_space<hbm>> -> memref<10240x128xf32, #tpu.memory_space<hbm>>
      tpu.wait_indirect_dma semaphore(%arg12 : memref<!tpu.dma_semaphore, #tpu.memory_space<semaphore_mem>>) src(%dma_wait3A_69 : memref<10240x128xf32, #tpu.memory_space<hbm>>) dst(%arg9 : memref<128x128xf32, #tpu.memory_space<vmem>>)
      %dma_start3A_70 = arith.constant 3 : i32
      %dma_start3A_71 = arith.constant 0 : i32
      %dma_start3A_72 = tpu.memref_slice %arg7[%dma_start3A_70, %dma_start3A_71] : memref<8x128xi32, #tpu.memory_space<vmem>> -> memref<1x128xi32, #tpu.memory_space<vmem>>
      %dma_start3A_73 = tpu.memref_squeeze %dma_start3A_72 : memref<1x128xi32, #tpu.memory_space<vmem>> -> memref<128xi32, #tpu.memory_space<vmem>>
      %dma_start3A_74 = arith.constant 0 : i32
      %dma_start3A_75 = arith.constant 0 : i32
      %dma_start3A_76 = tpu.memref_slice %arg2[%dma_start3A_74, %dma_start3A_75] : memref<10240x128xf32, #tpu.memory_space<hbm>> -> memref<10240x128xf32, #tpu.memory_space<hbm>>
      tpu.enqueue_indirect_dma source(%dma_start3A_76 : memref<10240x128xf32, #tpu.memory_space<hbm>>) target(%arg10 : memref<128x128xf32, #tpu.memory_space<vmem>>) offsets(%dma_start3A_73 : memref<128xi32, #tpu.memory_space<vmem>>) semaphore(%arg13 : memref<!tpu.dma_semaphore, #tpu.memory_space<semaphore_mem>>)
      %run_scoped3A_77 = arith.constant 2 : i32
      "tpu.region"() ({
        %run_scoped3A_146 = tpu.sem_alloc : memref<!tpu.dma_semaphore, #tpu.memory_space<semaphore_mem>>
        %dma_start3A_147 = arith.constant 0 : i32
        %dma_start3A_148 = tpu.memref_slice %arg8[%run_scoped3A_77, %dma_start3A_147] : memref<8x128xi32, #tpu.memory_space<vmem>> -> memref<1x128xi32, #tpu.memory_space<vmem>>
        %dma_start3A_149 = tpu.memref_squeeze %dma_start3A_148 : memref<1x128xi32, #tpu.memory_space<vmem>> -> memref<128xi32, #tpu.memory_space<vmem>>
        %dma_start3A_150 = arith.constant 0 : i32
        %dma_start3A_151 = arith.constant 0 : i32
        %dma_start3A_152 = tpu.memref_slice %arg11[%dma_start3A_150, %dma_start3A_151] : memref<10240x128xf32, #tpu.memory_space<vmem_shared>> -> memref<10240x128xf32, #tpu.memory_space<vmem_shared>>
        tpu.enqueue_indirect_dma source(%arg9 : memref<128x128xf32, #tpu.memory_space<vmem>>) target(%dma_start3A_152 : memref<10240x128xf32, #tpu.memory_space<vmem_shared>>) offsets(%dma_start3A_149 : memref<128xi32, #tpu.memory_space<vmem>>) semaphore(%run_scoped3A_146 : memref<!tpu.dma_semaphore, #tpu.memory_space<semaphore_mem>>) {add = true}
        %dma_wait3A_153 = arith.constant 0 : i32
        %dma_wait3A_154 = tpu.memref_slice %arg8[%run_scoped3A_77, %dma_wait3A_153] : memref<8x128xi32, #tpu.memory_space<vmem>> -> memref<1x128xi32, #tpu.memory_space<vmem>>
        %dma_wait3A_155 = tpu.memref_squeeze %dma_wait3A_154 : memref<1x128xi32, #tpu.memory_space<vmem>> -> memref<128xi32, #tpu.memory_space<vmem>>
        %dma_wait3A_156 = arith.constant 0 : i32
        %dma_wait3A_157 = arith.constant 0 : i32
        %dma_wait3A_158 = tpu.memref_slice %arg11[%dma_wait3A_156, %dma_wait3A_157] : memref<10240x128xf32, #tpu.memory_space<vmem_shared>> -> memref<10240x128xf32, #tpu.memory_space<vmem_shared>>
        tpu.wait_indirect_dma semaphore(%run_scoped3A_146 : memref<!tpu.dma_semaphore, #tpu.memory_space<semaphore_mem>>) src(%arg9 : memref<128x128xf32, #tpu.memory_space<vmem>>) dst(%dma_wait3A_158 : memref<10240x128xf32, #tpu.memory_space<vmem_shared>>)
        tpu.yield
      }) : () -> ()
      %dma_wait3A_78 = arith.constant 3 : i32
      %dma_wait3A_79 = arith.constant 0 : i32
      %dma_wait3A_80 = tpu.memref_slice %arg7[%dma_wait3A_78, %dma_wait3A_79] : memref<8x128xi32, #tpu.memory_space<vmem>> -> memref<1x128xi32, #tpu.memory_space<vmem>>
      %dma_wait3A_81 = tpu.memref_squeeze %dma_wait3A_80 : memref<1x128xi32, #tpu.memory_space<vmem>> -> memref<128xi32, #tpu.memory_space<vmem>>
      %dma_wait3A_82 = arith.constant 0 : i32
      %dma_wait3A_83 = arith.constant 0 : i32
      %dma_wait3A_84 = tpu.memref_slice %arg2[%dma_wait3A_82, %dma_wait3A_83] : memref<10240x128xf32, #tpu.memory_space<hbm>> -> memref<10240x128xf32, #tpu.memory_space<hbm>>
      tpu.wait_indirect_dma semaphore(%arg13 : memref<!tpu.dma_semaphore, #tpu.memory_space<semaphore_mem>>) src(%dma_wait3A_84 : memref<10240x128xf32, #tpu.memory_space<hbm>>) dst(%arg10 : memref<128x128xf32, #tpu.memory_space<vmem>>)
      %dma_start3A_85 = arith.constant 4 : i32
      %dma_start3A_86 = arith.constant 0 : i32
      %dma_start3A_87 = tpu.memref_slice %arg7[%dma_start3A_85, %dma_start3A_86] : memref<8x128xi32, #tpu.memory_space<vmem>> -> memref<1x128xi32, #tpu.memory_space<vmem>>
      %dma_start3A_88 = tpu.memref_squeeze %dma_start3A_87 : memref<1x128xi32, #tpu.memory_space<vmem>> -> memref<128xi32, #tpu.memory_space<vmem>>
      %dma_start3A_89 = arith.constant 0 : i32
      %dma_start3A_90 = arith.constant 0 : i32
      %dma_start3A_91 = tpu.memref_slice %arg2[%dma_start3A_89, %dma_start3A_90] : memref<10240x128xf32, #tpu.memory_space<hbm>> -> memref<10240x128xf32, #tpu.memory_space<hbm>>
      tpu.enqueue_indirect_dma source(%dma_start3A_91 : memref<10240x128xf32, #tpu.memory_space<hbm>>) target(%arg9 : memref<128x128xf32, #tpu.memory_space<vmem>>) offsets(%dma_start3A_88 : memref<128xi32, #tpu.memory_space<vmem>>) semaphore(%arg12 : memref<!tpu.dma_semaphore, #tpu.memory_space<semaphore_mem>>)
      %run_scoped3A_92 = arith.constant 3 : i32
      "tpu.region"() ({
        %run_scoped3A_146 = tpu.sem_alloc : memref<!tpu.dma_semaphore, #tpu.memory_space<semaphore_mem>>
        %dma_start3A_147 = arith.constant 0 : i32
        %dma_start3A_148 = tpu.memref_slice %arg8[%run_scoped3A_92, %dma_start3A_147] : memref<8x128xi32, #tpu.memory_space<vmem>> -> memref<1x128xi32, #tpu.memory_space<vmem>>
        %dma_start3A_149 = tpu.memref_squeeze %dma_start3A_148 : memref<1x128xi32, #tpu.memory_space<vmem>> -> memref<128xi32, #tpu.memory_space<vmem>>
        %dma_start3A_150 = arith.constant 0 : i32
        %dma_start3A_151 = arith.constant 0 : i32
        %dma_start3A_152 = tpu.memref_slice %arg11[%dma_start3A_150, %dma_start3A_151] : memref<10240x128xf32, #tpu.memory_space<vmem_shared>> -> memref<10240x128xf32, #tpu.memory_space<vmem_shared>>
        tpu.enqueue_indirect_dma source(%arg10 : memref<128x128xf32, #tpu.memory_space<vmem>>) target(%dma_start3A_152 : memref<10240x128xf32, #tpu.memory_space<vmem_shared>>) offsets(%dma_start3A_149 : memref<128xi32, #tpu.memory_space<vmem>>) semaphore(%run_scoped3A_146 : memref<!tpu.dma_semaphore, #tpu.memory_space<semaphore_mem>>) {add = true}
        %dma_wait3A_153 = arith.constant 0 : i32
        %dma_wait3A_154 = tpu.memref_slice %arg8[%run_scoped3A_92, %dma_wait3A_153] : memref<8x128xi32, #tpu.memory_space<vmem>> -> memref<1x128xi32, #tpu.memory_space<vmem>>
        %dma_wait3A_155 = tpu.memref_squeeze %dma_wait3A_154 : memref<1x128xi32, #tpu.memory_space<vmem>> -> memref<128xi32, #tpu.memory_space<vmem>>
        %dma_wait3A_156 = arith.constant 0 : i32
        %dma_wait3A_157 = arith.constant 0 : i32
        %dma_wait3A_158 = tpu.memref_slice %arg11[%dma_wait3A_156, %dma_wait3A_157] : memref<10240x128xf32, #tpu.memory_space<vmem_shared>> -> memref<10240x128xf32, #tpu.memory_space<vmem_shared>>
        tpu.wait_indirect_dma semaphore(%run_scoped3A_146 : memref<!tpu.dma_semaphore, #tpu.memory_space<semaphore_mem>>) src(%arg10 : memref<128x128xf32, #tpu.memory_space<vmem>>) dst(%dma_wait3A_158 : memref<10240x128xf32, #tpu.memory_space<vmem_shared>>)
        tpu.yield
      }) : () -> ()
      %dma_wait3A_93 = arith.constant 4 : i32
      %dma_wait3A_94 = arith.constant 0 : i32
      %dma_wait3A_95 = tpu.memref_slice %arg7[%dma_wait3A_93, %dma_wait3A_94] : memref<8x128xi32, #tpu.memory_space<vmem>> -> memref<1x128xi32, #tpu.memory_space<vmem>>
      %dma_wait3A_96 = tpu.memref_squeeze %dma_wait3A_95 : memref<1x128xi32, #tpu.memory_space<vmem>> -> memref<128xi32, #tpu.memory_space<vmem>>
      %dma_wait3A_97 = arith.constant 0 : i32
      %dma_wait3A_98 = arith.constant 0 : i32
      %dma_wait3A_99 = tpu.memref_slice %arg2[%dma_wait3A_97, %dma_wait3A_98] : memref<10240x128xf32, #tpu.memory_space<hbm>> -> memref<10240x128xf32, #tpu.memory_space<hbm>>
      tpu.wait_indirect_dma semaphore(%arg12 : memref<!tpu.dma_semaphore, #tpu.memory_space<semaphore_mem>>) src(%dma_wait3A_99 : memref<10240x128xf32, #tpu.memory_space<hbm>>) dst(%arg9 : memref<128x128xf32, #tpu.memory_space<vmem>>)
      %dma_start3A_100 = arith.constant 5 : i32
      %dma_start3A_101 = arith.constant 0 : i32
      %dma_start3A_102 = tpu.memref_slice %arg7[%dma_start3A_100, %dma_start3A_101] : memref<8x128xi32, #tpu.memory_space<vmem>> -> memref<1x128xi32, #tpu.memory_space<vmem>>
      %dma_start3A_103 = tpu.memref_squeeze %dma_start3A_102 : memref<1x128xi32, #tpu.memory_space<vmem>> -> memref<128xi32, #tpu.memory_space<vmem>>
      %dma_start3A_104 = arith.constant 0 : i32
      %dma_start3A_105 = arith.constant 0 : i32
      %dma_start3A_106 = tpu.memref_slice %arg2[%dma_start3A_104, %dma_start3A_105] : memref<10240x128xf32, #tpu.memory_space<hbm>> -> memref<10240x128xf32, #tpu.memory_space<hbm>>
      tpu.enqueue_indirect_dma source(%dma_start3A_106 : memref<10240x128xf32, #tpu.memory_space<hbm>>) target(%arg10 : memref<128x128xf32, #tpu.memory_space<vmem>>) offsets(%dma_start3A_103 : memref<128xi32, #tpu.memory_space<vmem>>) semaphore(%arg13 : memref<!tpu.dma_semaphore, #tpu.memory_space<semaphore_mem>>)
      %run_scoped3A_107 = arith.constant 4 : i32
      "tpu.region"() ({
        %run_scoped3A_146 = tpu.sem_alloc : memref<!tpu.dma_semaphore, #tpu.memory_space<semaphore_mem>>
        %dma_start3A_147 = arith.constant 0 : i32
        %dma_start3A_148 = tpu.memref_slice %arg8[%run_scoped3A_107, %dma_start3A_147] : memref<8x128xi32, #tpu.memory_space<vmem>> -> memref<1x128xi32, #tpu.memory_space<vmem>>
        %dma_start3A_149 = tpu.memref_squeeze %dma_start3A_148 : memref<1x128xi32, #tpu.memory_space<vmem>> -> memref<128xi32, #tpu.memory_space<vmem>>
        %dma_start3A_150 = arith.constant 0 : i32
        %dma_start3A_151 = arith.constant 0 : i32
        %dma_start3A_152 = tpu.memref_slice %arg11[%dma_start3A_150, %dma_start3A_151] : memref<10240x128xf32, #tpu.memory_space<vmem_shared>> -> memref<10240x128xf32, #tpu.memory_space<vmem_shared>>
        tpu.enqueue_indirect_dma source(%arg9 : memref<128x128xf32, #tpu.memory_space<vmem>>) target(%dma_start3A_152 : memref<10240x128xf32, #tpu.memory_space<vmem_shared>>) offsets(%dma_start3A_149 : memref<128xi32, #tpu.memory_space<vmem>>) semaphore(%run_scoped3A_146 : memref<!tpu.dma_semaphore, #tpu.memory_space<semaphore_mem>>) {add = true}
        %dma_wait3A_153 = arith.constant 0 : i32
        %dma_wait3A_154 = tpu.memref_slice %arg8[%run_scoped3A_107, %dma_wait3A_153] : memref<8x128xi32, #tpu.memory_space<vmem>> -> memref<1x128xi32, #tpu.memory_space<vmem>>
        %dma_wait3A_155 = tpu.memref_squeeze %dma_wait3A_154 : memref<1x128xi32, #tpu.memory_space<vmem>> -> memref<128xi32, #tpu.memory_space<vmem>>
        %dma_wait3A_156 = arith.constant 0 : i32
        %dma_wait3A_157 = arith.constant 0 : i32
        %dma_wait3A_158 = tpu.memref_slice %arg11[%dma_wait3A_156, %dma_wait3A_157] : memref<10240x128xf32, #tpu.memory_space<vmem_shared>> -> memref<10240x128xf32, #tpu.memory_space<vmem_shared>>
        tpu.wait_indirect_dma semaphore(%run_scoped3A_146 : memref<!tpu.dma_semaphore, #tpu.memory_space<semaphore_mem>>) src(%arg9 : memref<128x128xf32, #tpu.memory_space<vmem>>) dst(%dma_wait3A_158 : memref<10240x128xf32, #tpu.memory_space<vmem_shared>>)
        tpu.yield
      }) : () -> ()
      %dma_wait3A_108 = arith.constant 5 : i32
      %dma_wait3A_109 = arith.constant 0 : i32
      %dma_wait3A_110 = tpu.memref_slice %arg7[%dma_wait3A_108, %dma_wait3A_109] : memref<8x128xi32, #tpu.memory_space<vmem>> -> memref<1x128xi32, #tpu.memory_space<vmem>>
      %dma_wait3A_111 = tpu.memref_squeeze %dma_wait3A_110 : memref<1x128xi32, #tpu.memory_space<vmem>> -> memref<128xi32, #tpu.memory_space<vmem>>
      %dma_wait3A_112 = arith.constant 0 : i32
      %dma_wait3A_113 = arith.constant 0 : i32
      %dma_wait3A_114 = tpu.memref_slice %arg2[%dma_wait3A_112, %dma_wait3A_113] : memref<10240x128xf32, #tpu.memory_space<hbm>> -> memref<10240x128xf32, #tpu.memory_space<hbm>>
      tpu.wait_indirect_dma semaphore(%arg13 : memref<!tpu.dma_semaphore, #tpu.memory_space<semaphore_mem>>) src(%dma_wait3A_114 : memref<10240x128xf32, #tpu.memory_space<hbm>>) dst(%arg10 : memref<128x128xf32, #tpu.memory_space<vmem>>)
      %dma_start3A_115 = arith.constant 6 : i32
      %dma_start3A_116 = arith.constant 0 : i32
      %dma_start3A_117 = tpu.memref_slice %arg7[%dma_start3A_115, %dma_start3A_116] : memref<8x128xi32, #tpu.memory_space<vmem>> -> memref<1x128xi32, #tpu.memory_space<vmem>>
      %dma_start3A_118 = tpu.memref_squeeze %dma_start3A_117 : memref<1x128xi32, #tpu.memory_space<vmem>> -> memref<128xi32, #tpu.memory_space<vmem>>
      %dma_start3A_119 = arith.constant 0 : i32
      %dma_start3A_120 = arith.constant 0 : i32
      %dma_start3A_121 = tpu.memref_slice %arg2[%dma_start3A_119, %dma_start3A_120] : memref<10240x128xf32, #tpu.memory_space<hbm>> -> memref<10240x128xf32, #tpu.memory_space<hbm>>
      tpu.enqueue_indirect_dma source(%dma_start3A_121 : memref<10240x128xf32, #tpu.memory_space<hbm>>) target(%arg9 : memref<128x128xf32, #tpu.memory_space<vmem>>) offsets(%dma_start3A_118 : memref<128xi32, #tpu.memory_space<vmem>>) semaphore(%arg12 : memref<!tpu.dma_semaphore, #tpu.memory_space<semaphore_mem>>)
      %run_scoped3A_122 = arith.constant 5 : i32
      "tpu.region"() ({
        %run_scoped3A_146 = tpu.sem_alloc : memref<!tpu.dma_semaphore, #tpu.memory_space<semaphore_mem>>
        %dma_start3A_147 = arith.constant 0 : i32
        %dma_start3A_148 = tpu.memref_slice %arg8[%run_scoped3A_122, %dma_start3A_147] : memref<8x128xi32, #tpu.memory_space<vmem>> -> memref<1x128xi32, #tpu.memory_space<vmem>>
        %dma_start3A_149 = tpu.memref_squeeze %dma_start3A_148 : memref<1x128xi32, #tpu.memory_space<vmem>> -> memref<128xi32, #tpu.memory_space<vmem>>
        %dma_start3A_150 = arith.constant 0 : i32
        %dma_start3A_151 = arith.constant 0 : i32
        %dma_start3A_152 = tpu.memref_slice %arg11[%dma_start3A_150, %dma_start3A_151] : memref<10240x128xf32, #tpu.memory_space<vmem_shared>> -> memref<10240x128xf32, #tpu.memory_space<vmem_shared>>
        tpu.enqueue_indirect_dma source(%arg10 : memref<128x128xf32, #tpu.memory_space<vmem>>) target(%dma_start3A_152 : memref<10240x128xf32, #tpu.memory_space<vmem_shared>>) offsets(%dma_start3A_149 : memref<128xi32, #tpu.memory_space<vmem>>) semaphore(%run_scoped3A_146 : memref<!tpu.dma_semaphore, #tpu.memory_space<semaphore_mem>>) {add = true}
        %dma_wait3A_153 = arith.constant 0 : i32
        %dma_wait3A_154 = tpu.memref_slice %arg8[%run_scoped3A_122, %dma_wait3A_153] : memref<8x128xi32, #tpu.memory_space<vmem>> -> memref<1x128xi32, #tpu.memory_space<vmem>>
        %dma_wait3A_155 = tpu.memref_squeeze %dma_wait3A_154 : memref<1x128xi32, #tpu.memory_space<vmem>> -> memref<128xi32, #tpu.memory_space<vmem>>
        %dma_wait3A_156 = arith.constant 0 : i32
        %dma_wait3A_157 = arith.constant 0 : i32
        %dma_wait3A_158 = tpu.memref_slice %arg11[%dma_wait3A_156, %dma_wait3A_157] : memref<10240x128xf32, #tpu.memory_space<vmem_shared>> -> memref<10240x128xf32, #tpu.memory_space<vmem_shared>>
        tpu.wait_indirect_dma semaphore(%run_scoped3A_146 : memref<!tpu.dma_semaphore, #tpu.memory_space<semaphore_mem>>) src(%arg10 : memref<128x128xf32, #tpu.memory_space<vmem>>) dst(%dma_wait3A_158 : memref<10240x128xf32, #tpu.memory_space<vmem_shared>>)
        tpu.yield
      }) : () -> ()
      %dma_wait3A_123 = arith.constant 6 : i32
      %dma_wait3A_124 = arith.constant 0 : i32
      %dma_wait3A_125 = tpu.memref_slice %arg7[%dma_wait3A_123, %dma_wait3A_124] : memref<8x128xi32, #tpu.memory_space<vmem>> -> memref<1x128xi32, #tpu.memory_space<vmem>>
      %dma_wait3A_126 = tpu.memref_squeeze %dma_wait3A_125 : memref<1x128xi32, #tpu.memory_space<vmem>> -> memref<128xi32, #tpu.memory_space<vmem>>
      %dma_wait3A_127 = arith.constant 0 : i32
      %dma_wait3A_128 = arith.constant 0 : i32
      %dma_wait3A_129 = tpu.memref_slice %arg2[%dma_wait3A_127, %dma_wait3A_128] : memref<10240x128xf32, #tpu.memory_space<hbm>> -> memref<10240x128xf32, #tpu.memory_space<hbm>>
      tpu.wait_indirect_dma semaphore(%arg12 : memref<!tpu.dma_semaphore, #tpu.memory_space<semaphore_mem>>) src(%dma_wait3A_129 : memref<10240x128xf32, #tpu.memory_space<hbm>>) dst(%arg9 : memref<128x128xf32, #tpu.memory_space<vmem>>)
      %dma_start3A_130 = arith.constant 7 : i32
      %dma_start3A_131 = arith.constant 0 : i32
      %dma_start3A_132 = tpu.memref_slice %arg7[%dma_start3A_130, %dma_start3A_131] : memref<8x128xi32, #tpu.memory_space<vmem>> -> memref<1x128xi32, #tpu.memory_space<vmem>>
      %dma_start3A_133 = tpu.memref_squeeze %dma_start3A_132 : memref<1x128xi32, #tpu.memory_space<vmem>> -> memref<128xi32, #tpu.memory_space<vmem>>
      %dma_start3A_134 = arith.constant 0 : i32
      %dma_start3A_135 = arith.constant 0 : i32
      %dma_start3A_136 = tpu.memref_slice %arg2[%dma_start3A_134, %dma_start3A_135] : memref<10240x128xf32, #tpu.memory_space<hbm>> -> memref<10240x128xf32, #tpu.memory_space<hbm>>
      tpu.enqueue_indirect_dma source(%dma_start3A_136 : memref<10240x128xf32, #tpu.memory_space<hbm>>) target(%arg10 : memref<128x128xf32, #tpu.memory_space<vmem>>) offsets(%dma_start3A_133 : memref<128xi32, #tpu.memory_space<vmem>>) semaphore(%arg13 : memref<!tpu.dma_semaphore, #tpu.memory_space<semaphore_mem>>)
      %run_scoped3A_137 = arith.constant 6 : i32
      "tpu.region"() ({
        %run_scoped3A_146 = tpu.sem_alloc : memref<!tpu.dma_semaphore, #tpu.memory_space<semaphore_mem>>
        %dma_start3A_147 = arith.constant 0 : i32
        %dma_start3A_148 = tpu.memref_slice %arg8[%run_scoped3A_137, %dma_start3A_147] : memref<8x128xi32, #tpu.memory_space<vmem>> -> memref<1x128xi32, #tpu.memory_space<vmem>>
        %dma_start3A_149 = tpu.memref_squeeze %dma_start3A_148 : memref<1x128xi32, #tpu.memory_space<vmem>> -> memref<128xi32, #tpu.memory_space<vmem>>
        %dma_start3A_150 = arith.constant 0 : i32
        %dma_start3A_151 = arith.constant 0 : i32
        %dma_start3A_152 = tpu.memref_slice %arg11[%dma_start3A_150, %dma_start3A_151] : memref<10240x128xf32, #tpu.memory_space<vmem_shared>> -> memref<10240x128xf32, #tpu.memory_space<vmem_shared>>
        tpu.enqueue_indirect_dma source(%arg9 : memref<128x128xf32, #tpu.memory_space<vmem>>) target(%dma_start3A_152 : memref<10240x128xf32, #tpu.memory_space<vmem_shared>>) offsets(%dma_start3A_149 : memref<128xi32, #tpu.memory_space<vmem>>) semaphore(%run_scoped3A_146 : memref<!tpu.dma_semaphore, #tpu.memory_space<semaphore_mem>>) {add = true}
        %dma_wait3A_153 = arith.constant 0 : i32
        %dma_wait3A_154 = tpu.memref_slice %arg8[%run_scoped3A_137, %dma_wait3A_153] : memref<8x128xi32, #tpu.memory_space<vmem>> -> memref<1x128xi32, #tpu.memory_space<vmem>>
        %dma_wait3A_155 = tpu.memref_squeeze %dma_wait3A_154 : memref<1x128xi32, #tpu.memory_space<vmem>> -> memref<128xi32, #tpu.memory_space<vmem>>
        %dma_wait3A_156 = arith.constant 0 : i32
        %dma_wait3A_157 = arith.constant 0 : i32
        %dma_wait3A_158 = tpu.memref_slice %arg11[%dma_wait3A_156, %dma_wait3A_157] : memref<10240x128xf32, #tpu.memory_space<vmem_shared>> -> memref<10240x128xf32, #tpu.memory_space<vmem_shared>>
        tpu.wait_indirect_dma semaphore(%run_scoped3A_146 : memref<!tpu.dma_semaphore, #tpu.memory_space<semaphore_mem>>) src(%arg9 : memref<128x128xf32, #tpu.memory_space<vmem>>) dst(%dma_wait3A_158 : memref<10240x128xf32, #tpu.memory_space<vmem_shared>>)
        tpu.yield
      }) : () -> ()
      %dma_wait3A_138 = arith.constant 7 : i32
      %dma_wait3A_139 = arith.constant 0 : i32
      %dma_wait3A_140 = tpu.memref_slice %arg7[%dma_wait3A_138, %dma_wait3A_139] : memref<8x128xi32, #tpu.memory_space<vmem>> -> memref<1x128xi32, #tpu.memory_space<vmem>>
      %dma_wait3A_141 = tpu.memref_squeeze %dma_wait3A_140 : memref<1x128xi32, #tpu.memory_space<vmem>> -> memref<128xi32, #tpu.memory_space<vmem>>
      %dma_wait3A_142 = arith.constant 0 : i32
      %dma_wait3A_143 = arith.constant 0 : i32
      %dma_wait3A_144 = tpu.memref_slice %arg2[%dma_wait3A_142, %dma_wait3A_143] : memref<10240x128xf32, #tpu.memory_space<hbm>> -> memref<10240x128xf32, #tpu.memory_space<hbm>>
      tpu.wait_indirect_dma semaphore(%arg13 : memref<!tpu.dma_semaphore, #tpu.memory_space<semaphore_mem>>) src(%dma_wait3A_144 : memref<10240x128xf32, #tpu.memory_space<hbm>>) dst(%arg10 : memref<128x128xf32, #tpu.memory_space<vmem>>)
      %run_scoped3A_145 = arith.constant 7 : i32
      "tpu.region"() ({
        %run_scoped3A_146 = tpu.sem_alloc : memref<!tpu.dma_semaphore, #tpu.memory_space<semaphore_mem>>
        %dma_start3A_147 = arith.constant 0 : i32
        %dma_start3A_148 = tpu.memref_slice %arg8[%run_scoped3A_145, %dma_start3A_147] : memref<8x128xi32, #tpu.memory_space<vmem>> -> memref<1x128xi32, #tpu.memory_space<vmem>>
        %dma_start3A_149 = tpu.memref_squeeze %dma_start3A_148 : memref<1x128xi32, #tpu.memory_space<vmem>> -> memref<128xi32, #tpu.memory_space<vmem>>
        %dma_start3A_150 = arith.constant 0 : i32
        %dma_start3A_151 = arith.constant 0 : i32
        %dma_start3A_152 = tpu.memref_slice %arg11[%dma_start3A_150, %dma_start3A_151] : memref<10240x128xf32, #tpu.memory_space<vmem_shared>> -> memref<10240x128xf32, #tpu.memory_space<vmem_shared>>
        tpu.enqueue_indirect_dma source(%arg10 : memref<128x128xf32, #tpu.memory_space<vmem>>) target(%dma_start3A_152 : memref<10240x128xf32, #tpu.memory_space<vmem_shared>>) offsets(%dma_start3A_149 : memref<128xi32, #tpu.memory_space<vmem>>) semaphore(%run_scoped3A_146 : memref<!tpu.dma_semaphore, #tpu.memory_space<semaphore_mem>>) {add = true}
        %dma_wait3A_153 = arith.constant 0 : i32
        %dma_wait3A_154 = tpu.memref_slice %arg8[%run_scoped3A_145, %dma_wait3A_153] : memref<8x128xi32, #tpu.memory_space<vmem>> -> memref<1x128xi32, #tpu.memory_space<vmem>>
        %dma_wait3A_155 = tpu.memref_squeeze %dma_wait3A_154 : memref<1x128xi32, #tpu.memory_space<vmem>> -> memref<128xi32, #tpu.memory_space<vmem>>
        %dma_wait3A_156 = arith.constant 0 : i32
        %dma_wait3A_157 = arith.constant 0 : i32
        %dma_wait3A_158 = tpu.memref_slice %arg11[%dma_wait3A_156, %dma_wait3A_157] : memref<10240x128xf32, #tpu.memory_space<vmem_shared>> -> memref<10240x128xf32, #tpu.memory_space<vmem_shared>>
        tpu.wait_indirect_dma semaphore(%run_scoped3A_146 : memref<!tpu.dma_semaphore, #tpu.memory_space<semaphore_mem>>) src(%arg10 : memref<128x128xf32, #tpu.memory_space<vmem>>) dst(%dma_wait3A_158 : memref<10240x128xf32, #tpu.memory_space<vmem_shared>>)
        tpu.yield
      }) : () -> ()
    }
    %barrier3A_21 = arith.constant 0 : index
    tpu.barrier barrier_id(%barrier3A_21)
    "tpu.region"() ({
      %run_scoped3A = tpu.sem_alloc : memref<!tpu.dma_semaphore, #tpu.memory_space<semaphore_mem>>
      %dma_start3A = arith.constant 0 : i32
      %dma_start3A_22 = tpu.memref_slice %arg6[%arg0, %mul3A_2, %dma_start3A] : memref<2x10240x128xf32, #tpu.memory_space<hbm>> -> memref<1x640x128xf32, #tpu.memory_space<hbm>>
      %dma_start3A_23 = tpu.memref_squeeze %dma_start3A_22 : memref<1x640x128xf32, #tpu.memory_space<hbm>> -> memref<640x128xf32, #tpu.memory_space<hbm>>
      %dma_start3A_24 = arith.constant 0 : i32
      %dma_start3A_25 = tpu.memref_slice %arg11[%mul3A_2, %dma_start3A_24] : memref<10240x128xf32, #tpu.memory_space<vmem_shared>> -> memref<640x128xf32, #tpu.memory_space<vmem_shared>>
      tpu.enqueue_dma source(%dma_start3A_25 : memref<640x128xf32, #tpu.memory_space<vmem_shared>>) target(%dma_start3A_23 : memref<640x128xf32, #tpu.memory_space<hbm>>) target_semaphore(%run_scoped3A : memref<!tpu.dma_semaphore, #tpu.memory_space<semaphore_mem>>)
      %dma_wait3A = arith.constant 0 : i32
      %dma_wait3A_26 = tpu.memref_slice %arg6[%arg0, %mul3A_2, %dma_wait3A] : memref<2x10240x128xf32, #tpu.memory_space<hbm>> -> memref<1x640x128xf32, #tpu.memory_space<hbm>>
      %dma_wait3A_27 = tpu.memref_squeeze %dma_wait3A_26 : memref<1x640x128xf32, #tpu.memory_space<hbm>> -> memref<640x128xf32, #tpu.memory_space<hbm>>
      %dma_wait3A_28 = arith.constant 0 : i32
      %dma_wait3A_29 = tpu.memref_slice %arg11[%mul3A_2, %dma_wait3A_28] : memref<10240x128xf32, #tpu.memory_space<vmem_shared>> -> memref<640x128xf32, #tpu.memory_space<vmem_shared>>
      tpu.wait_dma2 semaphore(%run_scoped3A : memref<!tpu.dma_semaphore, #tpu.memory_space<semaphore_mem>>) src(%dma_wait3A_29 : memref<640x128xf32, #tpu.memory_space<vmem_shared>>) dst(%dma_wait3A_27 : memref<640x128xf32, #tpu.memory_space<hbm>>)
      tpu.yield
    }) : () -> ()
    return
  }
}

module attributes {stable_mosaic.version = 14 : i64} {
  func.func @_stage1_body(%arg0: i32, %arg1: memref<1280x128xf32, #tpu.memory_space<vmem>>, %arg2: memref<128x128xf32, #tpu.memory_space<vmem>>, %arg3: memref<2x1280x128xf32, #tpu.memory_space<vmem>>, %arg4: memref<1280x128xf32, #tpu.memory_space<vmem>>, %arg5: memref<1280x128xf32, #tpu.memory_space<vmem>>) attributes {dimension_semantics = [#tpu.dimension_semantics<arbitrary>], iteration_bounds = array<i64: 8>, scalar_prefetch = 0 : i64, scratch_operands = 0 : i64, tpu.core_type = #tpu.core_type<tc>, window_params = [{transform_indices = @transform_0, window_bounds = array<i64: 1280, 128>}, {pipeline_mode = #tpu.pipeline_mode<synchronous>, transform_indices = @transform_1, window_bounds = array<i64: 128, 128>}, {transform_indices = @transform_2, window_bounds = array<i64: 2, 1280, 128>}, {transform_indices = @transform_3, window_bounds = array<i64: 1280, 128>}, {transform_indices = @transform_4, window_bounds = array<i64: 1280, 128>}]} {
    %get3A = arith.constant 0 : index
    %get3A_0 = arith.constant 0 : index
    %get3A_1 = vector.load %arg1[%get3A, %get3A_0] : memref<1280x128xf32, #tpu.memory_space<vmem>>, vector<1280x128xf32>
    %get3A_2 = arith.constant 0 : index
    %get3A_3 = arith.constant 0 : index
    %get3A_4 = vector.load %arg2[%get3A_2, %get3A_3] : memref<128x128xf32, #tpu.memory_space<vmem>>, vector<128x128xf32>
    %dot_general3A = arith.constant dense<0.000000e+00> : vector<1280x128xf32>
    %dot_general3A_5 = tpu.matmul %get3A_1, %get3A_4, %dot_general3A {dimension_numbers = #tpu.dot_dimension_numbers<[1], [0], [0], [1], [0, 0, 1, 1], [], []>, transpose_lhs_hint = false} : vector<1280x128xf32>, vector<128x128xf32>, vector<1280x128xf32> -> vector<1280x128xf32>
    %get3A_6 = arith.constant 0 : index
    %get3A_7 = arith.constant 0 : index
    %get3A_8 = arith.constant 0 : index
    %get3A_9 = vector.load %arg3[%get3A_6, %get3A_7, %get3A_8] : memref<2x1280x128xf32, #tpu.memory_space<vmem>>, vector<1x1280x128xf32>
    %get3A_10 = vector.shape_cast %get3A_9 : vector<1x1280x128xf32> to vector<1280x128xf32>
    %slice3A = vector.extract_strided_slice %get3A_10 {offsets = [0, 0], sizes = [1280, 1], strides = [1, 1]} : vector<1280x128xf32> to vector<1280x1xf32>
    %add3A = arith.constant 1.000000e+00 : f32
    %add3A_11 = vector.broadcast %add3A : f32 to vector<1280x1xf32>
    %add3A_12 = arith.addf %add3A_11, %slice3A : vector<1280x1xf32>
    %get3A_13 = arith.constant 1 : index
    %get3A_14 = arith.constant 0 : index
    %get3A_15 = arith.constant 0 : index
    %get3A_16 = vector.load %arg3[%get3A_13, %get3A_14, %get3A_15] : memref<2x1280x128xf32, #tpu.memory_space<vmem>>, vector<1x1280x128xf32>
    %get3A_17 = vector.shape_cast %get3A_16 : vector<1x1280x128xf32> to vector<1280x128xf32>
    %slice3A_18 = vector.extract_strided_slice %get3A_17 {offsets = [0, 0], sizes = [1280, 1], strides = [1, 1]} : vector<1280x128xf32> to vector<1280x1xf32>
    %add3A_19 = arith.addf %add3A_12, %slice3A_18 : vector<1280x1xf32>
    %rsqrt3A = math.rsqrt %add3A_19 : vector<1280x1xf32>
    %swap3A = arith.constant 0 : index
    %swap3A_20 = arith.constant 0 : index
    %swap3A_21 = vector.load %arg5[%swap3A, %swap3A_20] : memref<1280x128xf32, #tpu.memory_space<vmem>>, vector<1280x128xf32>
    tpu.vector_store %arg5[%swap3A, %swap3A_20], %dot_general3A_5 {strides = array<i32>} : memref<1280x128xf32, #tpu.memory_space<vmem>>, vector<1280x128xf32>,
    %mul3A = vector.broadcast %rsqrt3A : vector<1280x1xf32> to vector<1280x128xf32>
    %mul3A_22 = arith.mulf %dot_general3A_5, %mul3A : vector<1280x128xf32>
    %swap3A_23 = arith.constant 0 : index
    %swap3A_24 = arith.constant 0 : index
    %swap3A_25 = vector.load %arg4[%swap3A_23, %swap3A_24] : memref<1280x128xf32, #tpu.memory_space<vmem>>, vector<1280x128xf32>
    tpu.vector_store %arg4[%swap3A_23, %swap3A_24], %mul3A_22 {strides = array<i32>} : memref<1280x128xf32, #tpu.memory_space<vmem>>, vector<1280x128xf32>,
    return
  }
  func.func @transform_0(%arg0: i32) -> (i32, i32) {
    %c0_i32 = arith.constant 0 : i32
    %c0_i32_0 = arith.constant 0 : i32
    return %arg0, %c0_i32 : i32, i32
  }
  func.func @transform_1(%arg0: i32) -> (i32, i32) {
    %c0_i32 = arith.constant 0 : i32
    %c0_i32_0 = arith.constant 0 : i32
    %c0_i32_1 = arith.constant 0 : i32
    return %c0_i32, %c0_i32_0 : i32, i32
  }
  func.func @transform_2(%arg0: i32) -> (i32, i32, i32) {
    %c0_i32 = arith.constant 0 : i32
    %c0_i32_0 = arith.constant 0 : i32
    %c0_i32_1 = arith.constant 0 : i32
    return %c0_i32, %arg0, %c0_i32_0 : i32, i32, i32
  }
  func.func @transform_3(%arg0: i32) -> (i32, i32) {
    %c0_i32 = arith.constant 0 : i32
    %c0_i32_0 = arith.constant 0 : i32
    return %arg0, %c0_i32 : i32, i32
  }
  func.func @transform_4(%arg0: i32) -> (i32, i32) {
    %c0_i32 = arith.constant 0 : i32
    %c0_i32_0 = arith.constant 0 : i32
    return %arg0, %c0_i32 : i32, i32
  }
}

module attributes {stable_mosaic.version = 14 : i64} {
  func.func @_stage2_body(%arg0: i32, %arg1: memref<2x1280x128xf32, #tpu.memory_space<vmem>>, %arg2: memref<1280x128xf32, #tpu.memory_space<vmem>>, %arg3: memref<2x1280x128xf32, #tpu.memory_space<vmem>>, %arg4: memref<1x128xf32, #tpu.memory_space<vmem>>, %arg5: memref<128x128xf32, #tpu.memory_space<vmem>>, %arg6: memref<1280x128xf32, #tpu.memory_space<vmem>>, %arg7: memref<1280x128xf32, #tpu.memory_space<vmem>>) attributes {dimension_semantics = [#tpu.dimension_semantics<arbitrary>], iteration_bounds = array<i64: 8>, scalar_prefetch = 0 : i64, scratch_operands = 0 : i64, tpu.core_type = #tpu.core_type<tc>, window_params = [{transform_indices = @transform_0, window_bounds = array<i64: 2, 1280, 128>}, {transform_indices = @transform_1, window_bounds = array<i64: 1280, 128>}, {transform_indices = @transform_2, window_bounds = array<i64: 2, 1280, 128>}, {pipeline_mode = #tpu.pipeline_mode<synchronous>, transform_indices = @transform_3, window_bounds = array<i64: 1, 128>}, {pipeline_mode = #tpu.pipeline_mode<synchronous>, transform_indices = @transform_4, window_bounds = array<i64: 128, 128>}, {transform_indices = @transform_5, window_bounds = array<i64: 1280, 128>}, {transform_indices = @transform_6, window_bounds = array<i64: 1280, 128>}]} {
    %get3A = arith.constant 0 : index
    %get3A_0 = arith.constant 0 : index
    %get3A_1 = arith.constant 0 : index
    %get3A_2 = vector.load %arg3[%get3A, %get3A_0, %get3A_1] : memref<2x1280x128xf32, #tpu.memory_space<vmem>>, vector<1x1280x128xf32>
    %get3A_3 = vector.shape_cast %get3A_2 : vector<1x1280x128xf32> to vector<1280x128xf32>
    %slice3A = vector.extract_strided_slice %get3A_3 {offsets = [0, 0], sizes = [1280, 1], strides = [1, 1]} : vector<1280x128xf32> to vector<1280x1xf32>
    %add3A = arith.constant 1.000000e+00 : f32
    %add3A_4 = vector.broadcast %add3A : f32 to vector<1280x1xf32>
    %add3A_5 = arith.addf %add3A_4, %slice3A : vector<1280x1xf32>
    %get3A_6 = arith.constant 1 : index
    %get3A_7 = arith.constant 0 : index
    %get3A_8 = arith.constant 0 : index
    %get3A_9 = vector.load %arg3[%get3A_6, %get3A_7, %get3A_8] : memref<2x1280x128xf32, #tpu.memory_space<vmem>>, vector<1x1280x128xf32>
    %get3A_10 = vector.shape_cast %get3A_9 : vector<1x1280x128xf32> to vector<1280x128xf32>
    %slice3A_11 = vector.extract_strided_slice %get3A_10 {offsets = [0, 0], sizes = [1280, 1], strides = [1, 1]} : vector<1280x128xf32> to vector<1280x1xf32>
    %add3A_12 = arith.addf %add3A_5, %slice3A_11 : vector<1280x1xf32>
    %rsqrt3A = math.rsqrt %add3A_12 : vector<1280x1xf32>
    %div3A = arith.constant 1.000000e+00 : f32
    %div3A_13 = vector.broadcast %div3A : f32 to vector<1280x1xf32>
    %div3A_14 = arith.divf %div3A_13, %add3A_12 : vector<1280x1xf32>
    %get3A_15 = arith.constant 0 : index
    %get3A_16 = arith.constant 0 : index
    %get3A_17 = arith.constant 0 : index
    %get3A_18 = vector.load %arg1[%get3A_15, %get3A_16, %get3A_17] : memref<2x1280x128xf32, #tpu.memory_space<vmem>>, vector<1x1280x128xf32>
    %get3A_19 = vector.shape_cast %get3A_18 : vector<1x1280x128xf32> to vector<1280x128xf32>
    %get3A_20 = arith.constant 1 : index
    %get3A_21 = arith.constant 0 : index
    %get3A_22 = arith.constant 0 : index
    %get3A_23 = vector.load %arg1[%get3A_20, %get3A_21, %get3A_22] : memref<2x1280x128xf32, #tpu.memory_space<vmem>>, vector<1x1280x128xf32>
    %get3A_24 = vector.shape_cast %get3A_23 : vector<1x1280x128xf32> to vector<1280x128xf32>
    %add3A_25 = arith.addf %get3A_19, %get3A_24 : vector<1280x128xf32>
    %mul3A = vector.broadcast %rsqrt3A : vector<1280x1xf32> to vector<1280x128xf32>
    %mul3A_26 = arith.mulf %add3A_25, %mul3A : vector<1280x128xf32>
    %get3A_27 = arith.constant 0 : index
    %get3A_28 = arith.constant 0 : index
    %get3A_29 = vector.load %arg2[%get3A_27, %get3A_28] : memref<1280x128xf32, #tpu.memory_space<vmem>>, vector<1280x128xf32>
    %mul3A_30 = vector.broadcast %div3A_14 : vector<1280x1xf32> to vector<1280x128xf32>
    %mul3A_31 = arith.mulf %get3A_29, %mul3A_30 : vector<1280x128xf32>
    %add3A_32 = arith.addf %mul3A_26, %mul3A_31 : vector<1280x128xf32>
    %get3A_33 = arith.constant 0 : index
    %get3A_34 = arith.constant 0 : index
    %get3A_35 = vector.load %arg4[%get3A_33, %get3A_34] : memref<1x128xf32, #tpu.memory_space<vmem>>, vector<1x128xf32>
    %add3A_36 = vector.broadcast %get3A_35 : vector<1x128xf32> to vector<1280x128xf32>
    %add3A_37 = arith.addf %add3A_32, %add3A_36 : vector<1280x128xf32>
    %max3A = arith.constant 0.000000e+00 : f32
    %max3A_38 = vector.broadcast %max3A : f32 to vector<1280x128xf32>
    %max3A_39 = arith.maximumf %add3A_37, %max3A_38 : vector<1280x128xf32>
    %get3A_40 = arith.constant 0 : index
    %get3A_41 = arith.constant 0 : index
    %get3A_42 = vector.load %arg5[%get3A_40, %get3A_41] : memref<128x128xf32, #tpu.memory_space<vmem>>, vector<128x128xf32>
    %dot_general3A = arith.constant dense<0.000000e+00> : vector<1280x128xf32>
    %dot_general3A_43 = tpu.matmul %max3A_39, %get3A_42, %dot_general3A {dimension_numbers = #tpu.dot_dimension_numbers<[1], [0], [0], [1], [0, 0, 1, 1], [], []>, transpose_lhs_hint = false} : vector<1280x128xf32>, vector<128x128xf32>, vector<1280x128xf32> -> vector<1280x128xf32>
    %swap3A = arith.constant 0 : index
    %swap3A_44 = arith.constant 0 : index
    %swap3A_45 = vector.load %arg7[%swap3A, %swap3A_44] : memref<1280x128xf32, #tpu.memory_space<vmem>>, vector<1280x128xf32>
    tpu.vector_store %arg7[%swap3A, %swap3A_44], %dot_general3A_43 {strides = array<i32>} : memref<1280x128xf32, #tpu.memory_space<vmem>>, vector<1280x128xf32>,
    %mul3A_46 = vector.broadcast %rsqrt3A : vector<1280x1xf32> to vector<1280x128xf32>
    %mul3A_47 = arith.mulf %dot_general3A_43, %mul3A_46 : vector<1280x128xf32>
    %swap3A_48 = arith.constant 0 : index
    %swap3A_49 = arith.constant 0 : index
    %swap3A_50 = vector.load %arg6[%swap3A_48, %swap3A_49] : memref<1280x128xf32, #tpu.memory_space<vmem>>, vector<1280x128xf32>
    tpu.vector_store %arg6[%swap3A_48, %swap3A_49], %mul3A_47 {strides = array<i32>} : memref<1280x128xf32, #tpu.memory_space<vmem>>, vector<1280x128xf32>,
    return
  }
  func.func @transform_0(%arg0: i32) -> (i32, i32, i32) {
    %c0_i32 = arith.constant 0 : i32
    %c0_i32_0 = arith.constant 0 : i32
    %c0_i32_1 = arith.constant 0 : i32
    return %c0_i32, %arg0, %c0_i32_0 : i32, i32, i32
  }
  func.func @transform_1(%arg0: i32) -> (i32, i32) {
    %c0_i32 = arith.constant 0 : i32
    %c0_i32_0 = arith.constant 0 : i32
    return %arg0, %c0_i32 : i32, i32
  }
  func.func @transform_2(%arg0: i32) -> (i32, i32, i32) {
    %c0_i32 = arith.constant 0 : i32
    %c0_i32_0 = arith.constant 0 : i32
    %c0_i32_1 = arith.constant 0 : i32
    return %c0_i32, %arg0, %c0_i32_0 : i32, i32, i32
  }
  func.func @transform_3(%arg0: i32) -> (i32, i32) {
    %c0_i32 = arith.constant 0 : i32
    %c0_i32_0 = arith.constant 0 : i32
    %c0_i32_1 = arith.constant 0 : i32
    return %c0_i32, %c0_i32_0 : i32, i32
  }
  func.func @transform_4(%arg0: i32) -> (i32, i32) {
    %c0_i32 = arith.constant 0 : i32
    %c0_i32_0 = arith.constant 0 : i32
    %c0_i32_1 = arith.constant 0 : i32
    return %c0_i32, %c0_i32_0 : i32, i32
  }
  func.func @transform_5(%arg0: i32) -> (i32, i32) {
    %c0_i32 = arith.constant 0 : i32
    %c0_i32_0 = arith.constant 0 : i32
    return %arg0, %c0_i32 : i32, i32
  }
  func.func @transform_6(%arg0: i32) -> (i32, i32) {
    %c0_i32 = arith.constant 0 : i32
    %c0_i32_0 = arith.constant 0 : i32
    return %arg0, %c0_i32 : i32, i32
  }
}

module attributes {stable_mosaic.version = 14 : i64} {
  func.func @_stage3_body(%arg0: i32, %arg1: memref<2x1280x128xf32, #tpu.memory_space<vmem>>, %arg2: memref<1280x128xf32, #tpu.memory_space<vmem>>, %arg3: memref<2x1280x128xf32, #tpu.memory_space<vmem>>, %arg4: memref<1x128xf32, #tpu.memory_space<vmem>>, %arg5: memref<1280x17xf32, #tpu.memory_space<vmem>>) attributes {dimension_semantics = [#tpu.dimension_semantics<arbitrary>], iteration_bounds = array<i64: 8>, scalar_prefetch = 0 : i64, scratch_operands = 0 : i64, tpu.core_type = #tpu.core_type<tc>, window_params = [{transform_indices = @transform_0, window_bounds = array<i64: 2, 1280, 128>}, {transform_indices = @transform_1, window_bounds = array<i64: 1280, 128>}, {transform_indices = @transform_2, window_bounds = array<i64: 2, 1280, 128>}, {pipeline_mode = #tpu.pipeline_mode<synchronous>, transform_indices = @transform_3, window_bounds = array<i64: 1, 128>}, {transform_indices = @transform_4, window_bounds = array<i64: 1280, 17>}]} {
    %get3A = arith.constant 0 : index
    %get3A_0 = arith.constant 0 : index
    %get3A_1 = arith.constant 0 : index
    %get3A_2 = vector.load %arg3[%get3A, %get3A_0, %get3A_1] : memref<2x1280x128xf32, #tpu.memory_space<vmem>>, vector<1x1280x128xf32>
    %get3A_3 = vector.shape_cast %get3A_2 : vector<1x1280x128xf32> to vector<1280x128xf32>
    %slice3A = vector.extract_strided_slice %get3A_3 {offsets = [0, 0], sizes = [1280, 1], strides = [1, 1]} : vector<1280x128xf32> to vector<1280x1xf32>
    %add3A = arith.constant 1.000000e+00 : f32
    %add3A_4 = vector.broadcast %add3A : f32 to vector<1280x1xf32>
    %add3A_5 = arith.addf %add3A_4, %slice3A : vector<1280x1xf32>
    %get3A_6 = arith.constant 1 : index
    %get3A_7 = arith.constant 0 : index
    %get3A_8 = arith.constant 0 : index
    %get3A_9 = vector.load %arg3[%get3A_6, %get3A_7, %get3A_8] : memref<2x1280x128xf32, #tpu.memory_space<vmem>>, vector<1x1280x128xf32>
    %get3A_10 = vector.shape_cast %get3A_9 : vector<1x1280x128xf32> to vector<1280x128xf32>
    %slice3A_11 = vector.extract_strided_slice %get3A_10 {offsets = [0, 0], sizes = [1280, 1], strides = [1, 1]} : vector<1280x128xf32> to vector<1280x1xf32>
    %add3A_12 = arith.addf %add3A_5, %slice3A_11 : vector<1280x1xf32>
    %rsqrt3A = math.rsqrt %add3A_12 : vector<1280x1xf32>
    %div3A = arith.constant 1.000000e+00 : f32
    %div3A_13 = vector.broadcast %div3A : f32 to vector<1280x1xf32>
    %div3A_14 = arith.divf %div3A_13, %add3A_12 : vector<1280x1xf32>
    %get3A_15 = arith.constant 0 : index
    %get3A_16 = arith.constant 0 : index
    %get3A_17 = arith.constant 0 : index
    %get3A_18 = vector.load %arg1[%get3A_15, %get3A_16, %get3A_17] : memref<2x1280x128xf32, #tpu.memory_space<vmem>>, vector<1x1280x128xf32>
    %get3A_19 = vector.shape_cast %get3A_18 : vector<1x1280x128xf32> to vector<1280x128xf32>
    %get3A_20 = arith.constant 1 : index
    %get3A_21 = arith.constant 0 : index
    %get3A_22 = arith.constant 0 : index
    %get3A_23 = vector.load %arg1[%get3A_20, %get3A_21, %get3A_22] : memref<2x1280x128xf32, #tpu.memory_space<vmem>>, vector<1x1280x128xf32>
    %get3A_24 = vector.shape_cast %get3A_23 : vector<1x1280x128xf32> to vector<1280x128xf32>
    %add3A_25 = arith.addf %get3A_19, %get3A_24 : vector<1280x128xf32>
    %mul3A = vector.broadcast %rsqrt3A : vector<1280x1xf32> to vector<1280x128xf32>
    %mul3A_26 = arith.mulf %add3A_25, %mul3A : vector<1280x128xf32>
    %get3A_27 = arith.constant 0 : index
    %get3A_28 = arith.constant 0 : index
    %get3A_29 = vector.load %arg2[%get3A_27, %get3A_28] : memref<1280x128xf32, #tpu.memory_space<vmem>>, vector<1280x128xf32>
    %mul3A_30 = vector.broadcast %div3A_14 : vector<1280x1xf32> to vector<1280x128xf32>
    %mul3A_31 = arith.mulf %get3A_29, %mul3A_30 : vector<1280x128xf32>
    %add3A_32 = arith.addf %mul3A_26, %mul3A_31 : vector<1280x128xf32>
    %get3A_33 = arith.constant 0 : index
    %get3A_34 = arith.constant 0 : index
    %get3A_35 = vector.load %arg4[%get3A_33, %get3A_34] : memref<1x128xf32, #tpu.memory_space<vmem>>, vector<1x128xf32>
    %add3A_36 = vector.broadcast %get3A_35 : vector<1x128xf32> to vector<1280x128xf32>
    %add3A_37 = arith.addf %add3A_32, %add3A_36 : vector<1280x128xf32>
    %slice3A_38 = vector.extract_strided_slice %add3A_37 {offsets = [0, 0], sizes = [1280, 17], strides = [1, 1]} : vector<1280x128xf32> to vector<1280x17xf32>
    %reduce_max3A = arith.constant dense<0xFF800000> : vector<1280xf32>
    %reduce_max3A_39 = vector.multi_reduction <maximumf>, %slice3A_38, %reduce_max3A [1] : vector<1280x17xf32> to vector<1280xf32>
    %broadcast_in_dim3A = vector.shape_cast %reduce_max3A_39 : vector<1280xf32> to vector<1280x1xf32>
    %sub3A = vector.broadcast %broadcast_in_dim3A : vector<1280x1xf32> to vector<1280x17xf32>
    %sub3A_40 = arith.subf %slice3A_38, %sub3A : vector<1280x17xf32>
    %exp3A = math.exp %sub3A_40 : vector<1280x17xf32>
    %reduce_sum3A = arith.constant dense<0.000000e+00> : vector<1280xf32>
    %reduce_sum3A_41 = vector.multi_reduction <add>, %exp3A, %reduce_sum3A [1] : vector<1280x17xf32> to vector<1280xf32>
    %broadcast_in_dim3A_42 = vector.shape_cast %reduce_sum3A_41 : vector<1280xf32> to vector<1280x1xf32>
    %log3A = math.log %broadcast_in_dim3A_42 : vector<1280x1xf32>
    %add3A_43 = arith.addf %broadcast_in_dim3A, %log3A : vector<1280x1xf32>
    %sub3A_44 = vector.broadcast %add3A_43 : vector<1280x1xf32> to vector<1280x17xf32>
    %sub3A_45 = arith.subf %slice3A_38, %sub3A_44 : vector<1280x17xf32>
    %swap3A = arith.constant 0 : index
    %swap3A_46 = arith.constant 0 : index
    %swap3A_47 = vector.load %arg5[%swap3A, %swap3A_46] : memref<1280x17xf32, #tpu.memory_space<vmem>>, vector<1280x17xf32>
    tpu.vector_store %arg5[%swap3A, %swap3A_46], %sub3A_45 {strides = array<i32>} : memref<1280x17xf32, #tpu.memory_space<vmem>>, vector<1280x17xf32>,
    return
  }
  func.func @transform_0(%arg0: i32) -> (i32, i32, i32) {
    %c0_i32 = arith.constant 0 : i32
    %c0_i32_0 = arith.constant 0 : i32
    %c0_i32_1 = arith.constant 0 : i32
    return %c0_i32, %arg0, %c0_i32_0 : i32, i32, i32
  }
  func.func @transform_1(%arg0: i32) -> (i32, i32) {
    %c0_i32 = arith.constant 0 : i32
    %c0_i32_0 = arith.constant 0 : i32
    return %arg0, %c0_i32 : i32, i32
  }
  func.func @transform_2(%arg0: i32) -> (i32, i32, i32) {
    %c0_i32 = arith.constant 0 : i32
    %c0_i32_0 = arith.constant 0 : i32
    %c0_i32_1 = arith.constant 0 : i32
    return %c0_i32, %arg0, %c0_i32_0 : i32, i32, i32
  }
  func.func @transform_3(%arg0: i32) -> (i32, i32) {
    %c0_i32 = arith.constant 0 : i32
    %c0_i32_0 = arith.constant 0 : i32
    %c0_i32_1 = arith.constant 0 : i32
    return %c0_i32, %c0_i32_0 : i32, i32
  }
  func.func @transform_4(%arg0: i32) -> (i32, i32) {
    %c0_i32 = arith.constant 0 : i32
    %c0_i32_0 = arith.constant 0 : i32
    return %arg0, %c0_i32 : i32, i32
  }
}

</mosaic_0001>

<sc_bundles>
// kernel: kernel.11.cloned.1.call-start
scs
__scs_entry_jumppad:
0x0: {  	(pc) =	sbr.rel $0x88, $3  }
0x1: {  	(tag) =	ssettag $0x0;
	lr =	simm.s32 $0x1  }
0x2: {  	[smem:$0x3F9B] =	sst lr;
	_ =	strace $0xD0000000  }
0x3: {  	_ = 	snop  }
0x4: {  	_ = 	snop  }
0x5: {  	_ = 	snop  }
0x6: {  	_ = 	snop  }
0x7: {  	_ = 	snop  }
__scs_overlays_trampoline_lowered:
0x8: {  	[smem:$0x3FAA] =	sst s0  }
0x9: {  	[smem:$0x3FAB] =	sst s1  }
0xa: {  	[smem:$0x3FAC] =	sst s2  }
0xb: {  	[smem:$0x3FAD] =	sst s3  }
0xc: {  	[smem:$0x3FAE] =	sst s4  }
0xd: {  	[smem:$0x3FAF] =	sst s5  }
0xe: {  	[smem:$0x3FB0] =	sst s6  }
0xf: {  	[smem:$0x3FB1] =	sst s7  }
0x10: {  	[smem:$0x3FB2] =	sst s8  }
0x11: {  	[smem:$0x3FB3] =	sst s9;
	s0 =	simm.s32 @!p0 $0x0  }
0x12: {  	s1 =	sld [smem:$0x3F99];
	s0 =	simm.s32 @p0 $0x1  }
0x13: {  	[smem:$0x3FB4] =	sst s0;
	s0 =	simm.s32 @!p1 $0x0  }
0x14: {  	s2 =	sld [smem:$0x3F98];
	s0 =	simm.s32 @p1 $0x1  }
0x15: {  	[smem:$0x3FB5] =	sst s0;
	s0 =	simm.s32 @!p2 $0x0  }
0x16: {  	s3 =	sld [smem:$0x3FDB];
	s0 =	simm.s32 @p2 $0x1  }
0x17: {  	s4 =	simm.s32 $0x1BF5;
	[smem:$0x3FB7] =	sst s0  }
0x18: {  	s0 =	sld [smem:$0x3F9A];
	_ =	swait.ge [sflag:s4], $0x0  }
0x19: {  	s7 =	sld [smem:$0x3F9B]  }
0x1a: {  	s8 =	sadd.s32 $0xFFFFE003, lr  }
0x1b: {  	s9 =	sadd.s32 $0xFFFFFEF7, lr;
	s5 =	simm.s32 $0xFFFFFFFF;
	p2 =	slt.u32 s8, $0xFFFFF086  }
0x1c: {  	p1 =	slt.u32 s9, $0xF7A;
	s5 =	simm.s32 @!p2 $0x0  }
0x1d: {  	s5 =	simm.s32 @p1 $0x1;
	p0 =	seq.s32 s7, s2  }
0x1e: {  	s7 =	smul.u32 @!p0 $0xF7A, s2;
	p2 =	seq.s32 @!p0 s5, $0x0  }
0x1f: {  	s9 =	smul.u32 $0xF7A, s1;
	s8 =	simm.s32 @!p0 $0x1BF5;
	p2 =	por !p2, p0  }
0x20: {  	[sflag:s8] =	ssyncset.s32 @!p0 $0xFFFFF086;
	s6 =	sadd.s32 @!p0 s3, s7;
	s7 =	simm.s32 @!p0 $0x108  }
0x21: {  	s3 =	sadd.s32 s3, s9;
	s6 =	sadd.s32 @!p0 $0x88, s6;
	s7 =	simm.s32 @p2 $0x1082  }
0x22: {  	[simem:s7], [sflag:s8] =	dma.local @!p0 [hbm:s6], $0xF7A  }
0x23: {  	s9 =	sor.u32 $0xD0000000, s2;
	s6 =	simm.s32 $0x108;
	_ =	swait.ge @!p0 [sflag:s8], $0x0  }
0x24: {  	s3 =	sadd.s32 $0x88, s3;
	s6 =	simm.s32 @!p1 $0x1082;
	[sflag:s4] =	ssyncset.s32 $0xFFFFF086  }
0x25: {  	[simem:s6], [sflag:s4] =	dma.local [hbm:s3], $0xF7A  }
0x26: {  	[smem:$0x3F9B] =	sst s1;
	(tag) =	ssettag s2;
	_ =	strace s9  }
0x27: {  	s1 =	sld [smem:$0x3FAB]  }
0x28: {  	s2 =	sld [smem:$0x3FAC]  }
0x29: {  	s4 =	sld [smem:$0x3FAE]  }
0x2a: {  	p0 =	seq.s32 s5, $0x0;
	s5 =	sld [smem:$0x3FAF]  }
0x2b: {  	s6 =	sld [smem:$0x3FB0]  }
0x2c: {  	s7 =	sld [smem:$0x3FB1]  }
0x2d: {  	s3 =	simm.s32 $0x108;
	s8 =	sld [smem:$0x3FB2]  }
0x2e: {  	s3 =	simm.s32 @!p0 $0x1082;
	s9 =	sld [smem:$0x3FB3]  }
0x2f: {  	lr =	sadd.s32 s0, s3;
	s0 =	sld [smem:$0x3FAA]  }
0x30: {  	s3 =	sld [smem:$0x3FAD]  }
0x31: {  	[smem:$0x3FB6] =	sst s10  }
0x32: {  	s10 =	sld [smem:$0x3FB4];
	_ =	sdelay $0x3  }
0x33: {  	p0 =	seq.s32 s10, $0x1;
	s10 =	sld [smem:$0x3FB6];
	_ =	sdelay $0x3  }
0x34: {  	[smem:$0x3FB6] =	sst s10  }
0x35: {  	s10 =	sld [smem:$0x3FB5];
	_ =	sdelay $0x3  }
0x36: {  	p1 =	seq.s32 s10, $0x1;
	s10 =	sld [smem:$0x3FB6];
	_ =	sdelay $0x3  }
0x37: {  	[smem:$0x3FB6] =	sst s10  }
0x38: {  	s10 =	sld [smem:$0x3FB7]  }
0x39: {  	_ = 	snop;
	(pc) =	sbr.ind lr, $3  }
0x3a: {  	_ = 	snop  }
0x3b: {  	_ = 	snop  }
0x3c: {  	p2 =	seq.s32 s10, $0x1;
	s10 =	sld [smem:$0x3FB6]  }
0x3d: {  	_ =	shalt  }
0x3e: {  	_ =	shalt  }
0x3f: {  	_ =	shalt  }
0x40: {  	_ =	shalt  }
0x41: {  	_ =	shalt  }
0x42: {  	_ =	shalt  }
0x43: {  	_ =	shalt  }
0x44: {  	_ =	shalt  }
0x45: {  	_ =	shalt  }
0x46: {  	_ =	shalt  }
0x47: {  	_ =	shalt  }
0x48: {  	_ =	shalt  }
0x49: {  	_ =	shalt  }
0x4a: {  	_ =	shalt  }
0x4b: {  	_ =	shalt  }
0x4c: {  	_ =	shalt  }
0x4d: {  	_ =	shalt  }
0x4e: {  	_ =	shalt  }
0x4f: {  	_ =	shalt  }
0x50: {  	_ =	shalt  }
0x51: {  	_ =	shalt  }
0x52: {  	_ =	shalt  }
0x53: {  	_ =	shalt  }
0x54: {  	_ =	shalt  }
0x55: {  	_ =	shalt  }
0x56: {  	_ =	shalt  }
0x57: {  	_ =	shalt  }
0x58: {  	_ =	shalt  }
0x59: {  	_ =	shalt  }
0x5a: {  	_ =	shalt  }
0x5b: {  	_ =	shalt  }
0x5c: {  	_ =	shalt  }
0x5d: {  	_ =	shalt  }
0x5e: {  	_ =	shalt  }
0x5f: {  	_ =	shalt  }
0x60: {  	_ =	shalt  }
0x61: {  	_ =	shalt  }
0x62: {  	_ =	shalt  }
0x63: {  	_ =	shalt  }
0x64: {  	_ =	shalt  }
0x65: {  	_ =	shalt  }
0x66: {  	_ =	shalt  }
0x67: {  	_ =	shalt  }
0x68: {  	_ =	shalt  }
0x69: {  	_ =	shalt  }
0x6a: {  	_ =	shalt  }
0x6b: {  	_ =	shalt  }
0x6c: {  	_ =	shalt  }
0x6d: {  	_ =	shalt  }
0x6e: {  	_ =	shalt  }
0x6f: {  	_ =	shalt  }
0x70: {  	_ =	shalt  }
0x71: {  	_ =	shalt  }
0x72: {  	_ =	shalt  }
0x73: {  	_ =	shalt  }
0x74: {  	_ =	shalt  }
0x75: {  	_ =	shalt  }
0x76: {  	_ =	shalt  }
0x77: {  	_ =	shalt  }
0x78: {  	_ =	shalt  }
0x79: {  	_ =	shalt  }
0x7a: {  	_ =	shalt  }
0x7b: {  	_ =	shalt  }
0x7c: {  	_ =	shalt  }
0x7d: {  	_ =	shalt  }
0x7e: {  	_ =	shalt  }
0x7f: {  	_ =	shalt  }
0x80: {  	_ =	shalt  }
0x81: {  	_ =	shalt  }
0x82: {  	_ =	shalt  }
0x83: {  	_ =	shalt  }
0x84: {  	_ =	shalt  }
0x85: {  	_ =	shalt  }
0x86: {  	_ =	shalt  }
0x87: {  	_ =	shalt  }
.Lfunc_end0:
.L_simem_size_0:
called_computation.1_lowered:
.L_overlay_start_0:
0x88: {  	s2 =	sld [smem:$0x3FD9]  }
0x89: {  	s3 =	sld [smem:$0x3FFE];
	_ =	sdelay $0x1  }
0x8a: {  	s1 =	srdreg.scid  }
0x8b: {  	s0 =	sand.u32 $0x1, s1  }
0x8c: {  	s16 =	sshll.u32 s0, $0xA;
	s2 =	sadd.s32 s3, s2  }
0x8d: {  	s2 =	sadd.s32 s2, s16  }
0x8e: {  	[smem:$0x3FC2] =	sst s2  }
0x8f: {  	_ = 	snop  }
0x90: {  	(tm) =	ssettm $0x1  }
0x91: {  	s17 =	sld [smem:$0x3FFB];
	_ =	sdelay $0x3  }
0x92: {  	_ =	strace s17  }
0x93: {  	s2 =	sld [smem:$0x3FFC];
	_ =	sdelay $0x3  }
0x94: {  	_ =	strace s2  }
0x95: {  	s2 =	sld [smem:$0x3FFD];
	_ =	sdelay $0x3  }
0x96: {  	_ =	strace s2  }
0x97: {  	_ =	strace $0x8FFFFFFF  }
0x98: {  	s18 =	sld [smem:$0x3FDB];
	_ =	sdelay $0x1  }
0x99: {  	s19 =	simm.s32 $_scs_section_size  }
0x9a: {  	s4 =	simm.s32 $_size__tile_overlayer_lowered;
	s5 =	simm.s32 $_tile_overlayer_lowered  }
0x9b: {  	s22 =	simm.s32 $0x1BFF;
	s21 =	sshll.u32 s5, $0x1;
	s2 =	sadd.s32 s19, s18  }
0x9c: {  	s6 =	simm.s32 $0x0;
	s20 =	sshll.u32 s4, $0x1;
	s4 =	sadd.s32 s21, s2  }
0x9d: {  	[timem:s6], [sflag:s22] =	dma.local [hbm:s4], s20  }
0x9e: {  	_ =	swait.ge [sflag:s22], s20  }
0x9f: {  	s3 =	ssub.s32 $0x0, s20;
	[sflag:s22] =	ssyncset.done $0x0  }
0xa0: {  	[sflag:s22] =	ssyncadd.s32 s3;
	_ =	sdelay $0x1  }
0xa1: {  	s23 =	simm.s32 $0x1B8B  }
0xa2: {  	_ =	swait.ge [sflag:s23], $0x1  }
0xa3: {  	[sflag:s23] =	ssyncset.done $0x0  }
0xa4: {  	s25 =	simm.s32 $0x1B8E;
	s24 =	sld [smem:$0x3FFE];
	[sflag:s23] =	ssyncadd.s32 $0xFFFFFFFF  }
0xa5: {  	s26 =	simm.s32 $execute0_lowered;
	[smem:$0x3FD2] =	sst s25  }
0xa6: {  	s4 =	sshll.u32 s26, $0x1;
	_ =	strace $0x80000049;
	[dreg:$0x1] =	wrdreg $0xFFFFFFFF  }
0xa7: {  	s28 =	simm.s32 $_size_execute0_lowered;
	s2 =	sadd.s32 s2, s4;
	[dreg:$0x0] =	wrdreg $0x0  }
0xa8: {  	s4 =	sshll.u32 s28, $0x1;
	[dreg:$0x2] =	wrdreg s2  }
0xa9: {  	[dreg:$0x3] =	wrdreg s4  }
0xaa: {  	[dreg:$0x4] =	wrdreg $0xC0  }
0xab: {  	_ =	task [dreg:s6], $0x5FFFF  }
0xac: {  	[dreg:$0x1] =	wrdreg $0xFFFFFFFF  }
0xad: {  	[dreg:$0x0] =	wrdreg $0x60  }
0xae: {  	[dreg:$0x2] =	wrdreg s24  }
0xaf: {  	[dreg:$0x3] =	wrdreg $0x88000  }
0xb0: {  	[dreg:$0x4] =	wrdreg $0x9  }
0xb1: {  	_ =	task.clear_ibuf [dreg:s6], $0x5FFFF;
	_ =	strace $0x90000049  }
0xb2: {  	s29 =	simm.s32 $0x9;
	_ =	strace $0x8000004B  }
0xb3: {  	_ =	swait.ge [sflag:s29], $0x1  }
0xb4: {  	[sflag:s29] =	ssyncadd.s32 $0xFFFFFFFF  }
0xb5: {  	_ =	strace $0x9000004B  }
0xb6: {  	_ =	sfence  }
0xb7: {  	s30 =	sld [smem:$0x0];
	_ =	sdelay $0x2  }
0xb8: {  	s31 =	sshll.u32 s1, $0xD;
	s1 =	sshrl.u32 s1, $0x2  }
0xb9: {  	s3 =	sand.u32 $0x4000, s31;
	s1 =	sadd.s32 s1, s30  }
0xba: {  	s0 =	sor.u32 s3, s0;
	s1 =	sshll.u32 s1, $0x11  }
0xbb: {  	s0 =	sor.u32 s1, s0  }
0xbc: {  	s0 =	sadd.s32 $0x8F2B, s0  }
0xbd: {  	[sflag:s0] =	ssyncadd.remote.s32 $0x1  }
0xbe: {  	_ =	sfence.sel $0xFFFF  }
0xbf: {  	[dreg:$0x0] =	wrdreg $0xFFFFFFFF;
	(pc) =	sbr.abs _section_cstart, $3  }
0xc0: {  	[dreg:$0x1] =	wrdreg $0xFFFFFFFF  }
0xc1: {  	_ =	task.clear_ibuf [dreg:s6], $0x2FFFF;
	_ =	strace $0x9FFFFFFF  }
0xc2: {  	(tm) =	ssettm $0x7FFFFFFF  }
0xc3: {  	_ =	shalt  }
tec
execute0_lowered:
.L_overlay_start_1:
0x0: {  	(tag) =	ssettag $0x1  }
0x1: {  	s0 =	rddreg [dreg:$0x0]  }
0x2: {  	s2 =	rddreg [dreg:$0x1]  }
0x3: {  	s1 =	srdreg.scid;
	s9 =	stileid.u32  }
0x4: {  	s13 =	simm.s32 $0x3;
	s14 =	simm.s32 $0x400;
	s15 =	simm.s32 $0x80  }
0x5: {  	s16 =	simm.s32 $0x800;
	s17 =	simm.s32 $0x1;
	s18 =	simm.s32 $0x4800  }
0x6: {  	s19 =	simm.s32 $0x2;
	s20 =	simm.s32 $0x100;
	s28 =	simm.s32 $0x600  }
0x7: {  	s29 =	simm.s32 $0x300;
	s30 =	simm.s32 $0x680;
	s4 =	smul.u32 $0x90, s9  }
0x8: {  	s31 =	simm.s32 $0x380;
	s1 =	sand.u32 $0x1, s1;
	s6 =	smul.u32 $0x14000, s9  }
0x9: {  	s3 =	sshll.u32 s9, $0x4;
	s21 =	smul.u32 $0x50000, s9;
	s23 =	sshll.u32 s9, $0x6  }
0xa: {  	p0 =	seq.s32 s1, $0x0;
	s5 =	sor.u32 $0x900, s3;
	s3 =	simm.s32 $0x0  }
0xb: {  	s7 =	smul.u32 $0x140000, s1;
	s1 =	ssub.s32 $0x2, s1;
	s11 =	sor.u32 $0x1C03, s23  }
0xc: {  	s23 =	simm.s32 $0x500;
	s5 =	smov.u32 @p0 s4;
	[smem:$0x7FF] =	sst s3  }
0xd: {  	s4 =	sadd.s32 $0x8E000, s0;
	s8 =	sshrl.u32 s6, $0x3;
	s22 =	sshrl.u32 s1, $0x1  }
0xe: {  	s5 =	sshll.u32 s5, $0x4;
	_ =	strace $0x8000004A;
	s6 =	sadd.s32 s6, s7  }
0xf: {  	s8 =	sadd.s32 s8, s0;
	s7 =	sshrl.u32 s21, $0x2;
	s1 =	ssub.s32 s1, s22  }
0x10: {  	s21 =	simm.s32 $0x480;
	s22 =	simm.s32 $0x180;
	s5 =	sadd.s32 s5, s0  }
0x11: {  	s6 =	sshrl.u32 s6, $0x3;
	s10 =	sadd.s32 s7, s2;
	s24 =	sadd.s32 $0x16000, s8  }
0x12: {  	s7 =	simm.s32 $0x12;
	s25 =	smax.u32 s1, $0x1;
	s1 =	simm.s32 $0x700  }
0x13: {  	s0 =	sadd.s32 s6, s0;
	[dreg:$0x3] =	wrdreg s24;
	s7 =	simm.s32 @!p0 $0x2  }
0x14: {  	[dreg:$0x5] =	wrdreg s25;
	s26 =	sadd.s32 $0xC000, s5;
	s6 =	sadd.s32 $0x2000, s5  }
0x15: {  	s10 =	sshrl.u32 s10, $0x3;
	s24 =	simm.s32 $0x200;
	s25 =	simm.s32 $0x580  }
0x16: {  	s5 =	simm.s32 $0x0;
	s0 =	sadd.s32 $0xB6000, s0;
	[dreg:$0x6] =	wrdreg s26  }
0x17: {  	s26 =	simm.s32 $0x280;
	[dreg:$0x4] =	wrdreg s0;
	s0 =	simm.s32 $0x780  }
.LBB2_1:
0x18: {  	s8 =	rddreg [dreg:$0x3]  }
0x19: {  	[spmem:s10], [sflag:s11] =	dma.local [hbm:s8], $0x2800  }
0x1a: {  	_ =	swait.ge [sflag:s13], $0x2800  }
0x1b: {  	[sflag:s13] =	ssyncset.done $0x0  }
0x1c: {  	[sflag:s13] =	ssyncadd.s32 $0xFFFFD800  }
0x1d: {  	[bflag:$0x0] =	sbarrier.arrive $0xFFFF  }
0x1e: {  	[tilespmem:s3], [sflag:$0x3] =	stream.linear.gather [hbm4b:s6+s3], $0x400, $0x38;
	[tilespmem:$0x1C800] =	vst v63  }
0x1f: {  	_ =	swait.ge [sflag:s13], $0x400  }
0x20: {  	[sflag:s13] =	ssyncset.done $0x0  }
0x21: {  	s9 =	smov.u32 s10;
	s10 =	rddreg [dreg:$0x6];
	[sflag:s13] =	ssyncadd.s32 $0xFFFFFC00  }
0x22: {  	[tilespmem:s14], [sflag:$0x3] =	stream.linear.gather [hbm4b:s10+s3], $0x400, $0x38;
	[tilespmem:$0x1C800] =	vst v63  }
0x23: {  	_ =	swait.ge [sflag:s13], $0x400  }
0x24: {  	[sflag:s13] =	ssyncset.done $0x0  }
0x25: {  	[sflag:s13] =	ssyncadd.s32 $0xFFFFFC00  }
0x26: {  	[tilespmem:s16], [sflag:$0x1] =	stream.indirect.gather [hbm4b:s4+s15], $0x80, s3, s15, $0xb8;
	[tilespmem:$0x1C800] =	vst v63  }
0x27: {  	_ =	swait.ge [sflag:s17], $0x4000  }
0x28: {  	[sflag:s17] =	ssyncset.done $0x0  }
0x29: {  	[sflag:s17] =	ssyncadd.s32 $0xFFFFC000  }
0x2a: {  	[tilespmem:s18], [sflag:$0x2] =	stream.indirect.gather [hbm4b:s4+s15], $0x80, s15, s15, $0xb8;
	[tilespmem:$0x1C800] =	vst v63  }
0x2b: {  	_ = 	snop  }
0x2c: {  	[spmem:s2] =	stream.indirect.scatter.add.f32 [tilespmem:s16], [sflag:$0x3], $0x80, s14, s15, $0xb8;
	[tilespmem:$0x1C800] =	vst v63  }
0x2d: {  	_ =	swait.ge [sflag:s13], $0x4000  }
0x2e: {  	[sflag:s13] =	ssyncset.done $0x0  }
0x2f: {  	[sflag:s13] =	ssyncadd.s32 $0xFFFFC000  }
0x30: {  	_ =	swait.ge [sflag:s19], $0x4000  }
0x31: {  	[sflag:s19] =	ssyncset.done $0x0  }
0x32: {  	[sflag:s19] =	ssyncadd.s32 $0xFFFFC000  }
0x33: {  	[tilespmem:s16], [sflag:$0x1] =	stream.indirect.gather [hbm4b:s4+s15], $0x80, s20, s15, $0xb8;
	[tilespmem:$0x1C800] =	vst v63  }
0x34: {  	_ = 	snop  }
0x35: {  	[spmem:s2] =	stream.indirect.scatter.add.f32 [tilespmem:s18], [sflag:$0x3], $0x80, s21, s15, $0xb8;
	[tilespmem:$0x1C800] =	vst v63  }
0x36: {  	_ =	swait.ge [sflag:s13], $0x4000  }
0x37: {  	[sflag:s13] =	ssyncset.done $0x0  }
0x38: {  	[sflag:s13] =	ssyncadd.s32 $0xFFFFC000  }
0x39: {  	_ =	swait.ge [sflag:s17], $0x4000  }
0x3a: {  	[sflag:s17] =	ssyncset.done $0x0  }
0x3b: {  	[sflag:s17] =	ssyncadd.s32 $0xFFFFC000  }
0x3c: {  	[tilespmem:s18], [sflag:$0x2] =	stream.indirect.gather [hbm4b:s4+s15], $0x80, s22, s15, $0xb8;
	[tilespmem:$0x1C800] =	vst v63  }
0x3d: {  	_ = 	snop  }
0x3e: {  	[spmem:s2] =	stream.indirect.scatter.add.f32 [tilespmem:s16], [sflag:$0x3], $0x80, s23, s15, $0xb8;
	[tilespmem:$0x1C800] =	vst v63  }
0x3f: {  	_ =	swait.ge [sflag:s13], $0x4000  }
0x40: {  	[sflag:s13] =	ssyncset.done $0x0  }
0x41: {  	[sflag:s13] =	ssyncadd.s32 $0xFFFFC000  }
0x42: {  	_ =	swait.ge [sflag:s19], $0x4000  }
0x43: {  	[sflag:s19] =	ssyncset.done $0x0  }
0x44: {  	[sflag:s19] =	ssyncadd.s32 $0xFFFFC000  }
0x45: {  	[tilespmem:s16], [sflag:$0x1] =	stream.indirect.gather [hbm4b:s4+s15], $0x80, s24, s15, $0xb8;
	[tilespmem:$0x1C800] =	vst v63  }
0x46: {  	_ = 	snop  }
0x47: {  	[spmem:s2] =	stream.indirect.scatter.add.f32 [tilespmem:s18], [sflag:$0x3], $0x80, s25, s15, $0xb8;
	[tilespmem:$0x1C800] =	vst v63  }
0x48: {  	_ =	swait.ge [sflag:s13], $0x4000  }
0x49: {  	[sflag:s13] =	ssyncset.done $0x0  }
0x4a: {  	[sflag:s13] =	ssyncadd.s32 $0xFFFFC000  }
0x4b: {  	_ =	swait.ge [sflag:s17], $0x4000  }
0x4c: {  	[sflag:s17] =	ssyncset.done $0x0  }
0x4d: {  	[sflag:s17] =	ssyncadd.s32 $0xFFFFC000  }
0x4e: {  	[tilespmem:s18], [sflag:$0x2] =	stream.indirect.gather [hbm4b:s4+s15], $0x80, s26, s15, $0xb8;
	[tilespmem:$0x1C800] =	vst v63  }
0x4f: {  	_ = 	snop  }
0x50: {  	[spmem:s2] =	stream.indirect.scatter.add.f32 [tilespmem:s16], [sflag:$0x3], $0x80, s28, s15, $0xb8;
	[tilespmem:$0x1C800] =	vst v63  }
0x51: {  	_ =	swait.ge [sflag:s13], $0x4000  }
0x52: {  	[sflag:s13] =	ssyncset.done $0x0  }
0x53: {  	[sflag:s13] =	ssyncadd.s32 $0xFFFFC000  }
0x54: {  	_ =	swait.ge [sflag:s19], $0x4000  }
0x55: {  	[sflag:s19] =	ssyncset.done $0x0  }
0x56: {  	[sflag:s19] =	ssyncadd.s32 $0xFFFFC000  }
0x57: {  	[tilespmem:s16], [sflag:$0x1] =	stream.indirect.gather [hbm4b:s4+s15], $0x80, s29, s15, $0xb8;
	[tilespmem:$0x1C800] =	vst v63  }
0x58: {  	_ = 	snop  }
0x59: {  	[spmem:s2] =	stream.indirect.scatter.add.f32 [tilespmem:s18], [sflag:$0x3], $0x80, s30, s15, $0xb8;
	[tilespmem:$0x1C800] =	vst v63  }
0x5a: {  	_ =	swait.ge [sflag:s13], $0x4000  }
0x5b: {  	[sflag:s13] =	ssyncset.done $0x0  }
0x5c: {  	[sflag:s13] =	ssyncadd.s32 $0xFFFFC000  }
0x5d: {  	_ =	swait.ge [sflag:s17], $0x4000  }
0x5e: {  	[sflag:s17] =	ssyncset.done $0x0  }
0x5f: {  	[sflag:s17] =	ssyncadd.s32 $0xFFFFC000  }
0x60: {  	[tilespmem:s18], [sflag:$0x2] =	stream.indirect.gather [hbm4b:s4+s15], $0x80, s31, s15, $0xb8;
	[tilespmem:$0x1C800] =	vst v63  }
0x61: {  	_ = 	snop  }
0x62: {  	[spmem:s2] =	stream.indirect.scatter.add.f32 [tilespmem:s16], [sflag:$0x3], $0x80, s1, s15, $0xb8;
	[tilespmem:$0x1C800] =	vst v63  }
0x63: {  	_ =	swait.ge [sflag:s13], $0x4000  }
0x64: {  	[sflag:s13] =	ssyncset.done $0x0  }
0x65: {  	[sflag:s13] =	ssyncadd.s32 $0xFFFFC000  }
0x66: {  	p0 =	sne.s32 s7, $0x1;
	_ =	swait.ge [sflag:s19], $0x4000  }
.Ltmp0:
0x67: {  	[sflag:s19] =	ssyncset.done $0x0;
	(pc) =	sbr.rel @!p0 .LBB2_3-.Ltmp0, $4  }
0x68: {  	[sflag:s19] =	ssyncadd.s32 $0xFFFFC000  }
0x69: {  	[spmem:s2] =	stream.indirect.scatter.add.f32 [tilespmem:s18], [sflag:$0x3], $0x80, s0, s15, $0xb8;
	[tilespmem:$0x1C800] =	vst v63  }
0x6a: {  	s12 =	smov.u32 s11;
	_ =	swait.ge [sflag:s13], $0x4000  }
0x6b: {  	s8 =	sadd.s32 $0xFFFFFFFF, s7;
	s11 =	smov.u32 s6;
	[sflag:s13] =	ssyncset.done $0x0  }
.LBB2_2:
0x6c: {  	[sflag:s13] =	ssyncadd.s32 $0xFFFFC000;
	s10 =	sadd.s32 $0x80, s10;
	s11 =	sadd.s32 $0x80, s11  }
0x6d: {  	[tilespmem:s3], [sflag:$0x3] =	stream.linear.gather [hbm4b:s11+s3], $0x400, $0x38;
	[tilespmem:$0x1C800] =	vst v63  }
0x6e: {  	p0 =	sne.s32 s8, $0x1;
	s8 =	sadd.s32 $0xFFFFFFFF, s8;
	_ =	swait.ge [sflag:s13], $0x400  }
0x6f: {  	[sflag:s13] =	ssyncset.done $0x0  }
0x70: {  	[sflag:s13] =	ssyncadd.s32 $0xFFFFFC00  }
0x71: {  	[tilespmem:s14], [sflag:$0x3] =	stream.linear.gather [hbm4b:s10+s3], $0x400, $0x38;
	[tilespmem:$0x1C800] =	vst v63  }
0x72: {  	_ =	swait.ge [sflag:s13], $0x400  }
0x73: {  	[sflag:s13] =	ssyncset.done $0x0  }
0x74: {  	[sflag:s13] =	ssyncadd.s32 $0xFFFFFC00  }
0x75: {  	[tilespmem:s16], [sflag:$0x1] =	stream.indirect.gather [hbm4b:s4+s15], $0x80, s3, s15, $0xb8;
	[tilespmem:$0x1C800] =	vst v63  }
0x76: {  	_ =	swait.ge [sflag:s17], $0x4000  }
0x77: {  	[sflag:s17] =	ssyncset.done $0x0  }
0x78: {  	[sflag:s17] =	ssyncadd.s32 $0xFFFFC000  }
0x79: {  	[tilespmem:s18], [sflag:$0x2] =	stream.indirect.gather [hbm4b:s4+s15], $0x80, s15, s15, $0xb8;
	[tilespmem:$0x1C800] =	vst v63  }
0x7a: {  	_ = 	snop  }
0x7b: {  	[spmem:s2] =	stream.indirect.scatter.add.f32 [tilespmem:s16], [sflag:$0x3], $0x80, s14, s15, $0xb8;
	[tilespmem:$0x1C800] =	vst v63  }
0x7c: {  	_ =	swait.ge [sflag:s13], $0x4000  }
0x7d: {  	[sflag:s13] =	ssyncset.done $0x0  }
0x7e: {  	[sflag:s13] =	ssyncadd.s32 $0xFFFFC000  }
0x7f: {  	_ =	swait.ge [sflag:s19], $0x4000  }
0x80: {  	[sflag:s19] =	ssyncset.done $0x0  }
0x81: {  	[sflag:s19] =	ssyncadd.s32 $0xFFFFC000  }
0x82: {  	[tilespmem:s16], [sflag:$0x1] =	stream.indirect.gather [hbm4b:s4+s15], $0x80, s20, s15, $0xb8;
	[tilespmem:$0x1C800] =	vst v63  }
0x83: {  	_ = 	snop  }
0x84: {  	[spmem:s2] =	stream.indirect.scatter.add.f32 [tilespmem:s18], [sflag:$0x3], $0x80, s21, s15, $0xb8;
	[tilespmem:$0x1C800] =	vst v63  }
0x85: {  	_ =	swait.ge [sflag:s13], $0x4000  }
0x86: {  	[sflag:s13] =	ssyncset.done $0x0  }
0x87: {  	[sflag:s13] =	ssyncadd.s32 $0xFFFFC000  }
0x88: {  	_ =	swait.ge [sflag:s17], $0x4000  }
0x89: {  	[sflag:s17] =	ssyncset.done $0x0  }
0x8a: {  	[sflag:s17] =	ssyncadd.s32 $0xFFFFC000  }
0x8b: {  	[tilespmem:s18], [sflag:$0x2] =	stream.indirect.gather [hbm4b:s4+s15], $0x80, s22, s15, $0xb8;
	[tilespmem:$0x1C800] =	vst v63  }
0x8c: {  	_ = 	snop  }
0x8d: {  	[spmem:s2] =	stream.indirect.scatter.add.f32 [tilespmem:s16], [sflag:$0x3], $0x80, s23, s15, $0xb8;
	[tilespmem:$0x1C800] =	vst v63  }
0x8e: {  	_ =	swait.ge [sflag:s13], $0x4000  }
0x8f: {  	[sflag:s13] =	ssyncset.done $0x0  }
0x90: {  	[sflag:s13] =	ssyncadd.s32 $0xFFFFC000  }
0x91: {  	_ =	swait.ge [sflag:s19], $0x4000  }
0x92: {  	[sflag:s19] =	ssyncset.done $0x0  }
0x93: {  	[sflag:s19] =	ssyncadd.s32 $0xFFFFC000  }
0x94: {  	[tilespmem:s16], [sflag:$0x1] =	stream.indirect.gather [hbm4b:s4+s15], $0x80, s24, s15, $0xb8;
	[tilespmem:$0x1C800] =	vst v63  }
0x95: {  	_ = 	snop  }
0x96: {  	[spmem:s2] =	stream.indirect.scatter.add.f32 [tilespmem:s18], [sflag:$0x3], $0x80, s25, s15, $0xb8;
	[tilespmem:$0x1C800] =	vst v63  }
0x97: {  	_ =	swait.ge [sflag:s13], $0x4000  }
0x98: {  	[sflag:s13] =	ssyncset.done $0x0  }
0x99: {  	[sflag:s13] =	ssyncadd.s32 $0xFFFFC000  }
0x9a: {  	_ =	swait.ge [sflag:s17], $0x4000  }
0x9b: {  	[sflag:s17] =	ssyncset.done $0x0  }
0x9c: {  	[sflag:s17] =	ssyncadd.s32 $0xFFFFC000  }
0x9d: {  	[tilespmem:s18], [sflag:$0x2] =	stream.indirect.gather [hbm4b:s4+s15], $0x80, s26, s15, $0xb8;
	[tilespmem:$0x1C800] =	vst v63  }
0x9e: {  	_ = 	snop  }
0x9f: {  	[spmem:s2] =	stream.indirect.scatter.add.f32 [tilespmem:s16], [sflag:$0x3], $0x80, s28, s15, $0xb8;
	[tilespmem:$0x1C800] =	vst v63  }
0xa0: {  	_ =	swait.ge [sflag:s13], $0x4000  }
0xa1: {  	[sflag:s13] =	ssyncset.done $0x0  }
0xa2: {  	[sflag:s13] =	ssyncadd.s32 $0xFFFFC000  }
0xa3: {  	_ =	swait.ge [sflag:s19], $0x4000  }
0xa4: {  	[sflag:s19] =	ssyncset.done $0x0  }
0xa5: {  	[sflag:s19] =	ssyncadd.s32 $0xFFFFC000  }
0xa6: {  	[tilespmem:s16], [sflag:$0x1] =	stream.indirect.gather [hbm4b:s4+s15], $0x80, s29, s15, $0xb8;
	[tilespmem:$0x1C800] =	vst v63  }
0xa7: {  	_ = 	snop  }
0xa8: {  	[spmem:s2] =	stream.indirect.scatter.add.f32 [tilespmem:s18], [sflag:$0x3], $0x80, s30, s15, $0xb8;
	[tilespmem:$0x1C800] =	vst v63  }
0xa9: {  	_ =	swait.ge [sflag:s13], $0x4000  }
0xaa: {  	[sflag:s13] =	ssyncset.done $0x0  }
0xab: {  	[sflag:s13] =	ssyncadd.s32 $0xFFFFC000  }
0xac: {  	_ =	swait.ge [sflag:s17], $0x4000  }
0xad: {  	[sflag:s17] =	ssyncset.done $0x0  }
0xae: {  	[sflag:s17] =	ssyncadd.s32 $0xFFFFC000  }
0xaf: {  	[tilespmem:s18], [sflag:$0x2] =	stream.indirect.gather [hbm4b:s4+s15], $0x80, s31, s15, $0xb8;
	[tilespmem:$0x1C800] =	vst v63  }
0xb0: {  	_ = 	snop  }
0xb1: {  	[spmem:s2] =	stream.indirect.scatter.add.f32 [tilespmem:s16], [sflag:$0x3], $0x80, s1, s15, $0xb8;
	[tilespmem:$0x1C800] =	vst v63  }
0xb2: {  	_ =	swait.ge [sflag:s13], $0x4000  }
0xb3: {  	[sflag:s13] =	ssyncset.done $0x0  }
0xb4: {  	[sflag:s13] =	ssyncadd.s32 $0xFFFFC000  }
0xb5: {  	_ =	swait.ge [sflag:s19], $0x4000  }
.Ltmp1:
0xb6: {  	[sflag:s19] =	ssyncset.done $0x0;
	(pc) =	sbr.rel @p0 .LBB2_2-.Ltmp1, $4  }
0xb7: {  	[sflag:s19] =	ssyncadd.s32 $0xFFFFC000  }
0xb8: {  	[spmem:s2] =	stream.indirect.scatter.add.f32 [tilespmem:s18], [sflag:$0x3], $0x80, s0, s15, $0xb8;
	[tilespmem:$0x1C800] =	vst v63  }
0xb9: {  	_ =	swait.ge [sflag:s13], $0x4000  }
0xba: {  	[sflag:s13] =	ssyncset.done $0x0  }
.LBB2_3:
0xbb: {  	[sflag:s13] =	ssyncadd.s32 $0xFFFFC000  }
0xbc: {  	[bflag:$0x0] =	sbarrier.arrive $0xFFFF  }
0xbd: {  	s8 =	rddreg [dreg:$0x4]  }
0xbe: {  	[hbm:s8], [sflag:s12] =	dma.local [spmem:s9], $0x2800  }
0xbf: {  	_ =	swait.ge [sflag:s13], $0x2800  }
0xc0: {  	s11 =	smov.u32 s12;
	s5 =	sadd.s32 $0x1, s5;
	s12 =	rddreg [dreg:$0x5]  }
0xc1: {  	p0 =	sne.s32 s5, s12  }
.Ltmp2:
0xc2: {  	_ = 	snop;
	(pc) =	sbr.rel @p0 .LBB2_1-.Ltmp2, $3  }
0xc3: {  	_ =	sdelay $0x1  }
0xc4: {  	[sflag:s13] =	ssyncset.done $0x0  }
0xc5: {  	s10 =	smov.u32 s9;
	[sflag:s13] =	ssyncadd.s32 $0xFFFFD800  }
0xc6: {  	_ =	sfence.sel $0x180000  }
0xc7: {  	[bflag:$0x0] =	sbarrier.arrive $0xFFFF  }
0xc8: {  	_ =	strace $0x9000004A  }
0xc9: {  	s0 =	stileid.u32;
	[bflag:$0x2] =	sbarrier.arrive $0xFFFF  }
0xca: {  	p0 =	sne.s32 s0, $0x0;
	s0 =	rddreg [dreg:$0x2]  }
0xcb: {  	s0 =	sadd.s32 @!p0 $0x100000, s0  }
0xcc: {  	[sflag:s0] =	ssyncadd.tile.s32 @!p0 $0x1;
	_ =	shalt  }
.Lfunc_end2:
_tile_overlayer_lowered:
.L_overlay_start_2:
0xcd: {  	(tag) =	ssettag $0x2  }
0xce: {  	s0 =	rddreg [dreg:$0x0];
	s2 =	stileid.u32  }
0xcf: {  	s1 =	rddreg [dreg:$0x1];
	p0 =	sne.s32 s2, $0x0  }
0xd0: {  	s3 =	rddreg [dreg:$0x2];
	[bflag:$0x3] =	sbarrier.arrive $0xFFFF;
	s2 =	simm.s32 @!p0 $0x1C03  }
0xd1: {  	[timem:s3], [sflag:s2] =	dma.local @!p0 [hbm:s0], s1  }
0xd2: {  	s0 =	simm.s32 @!p0 $0x3  }
0xd3: {  	_ =	swait.ge @!p0 [sflag:s0], s1  }
0xd4: {  	s1 =	ssub.s32 @!p0 $0x0, s1;
	[sflag:s0] =	ssyncset.done @!p0 $0x0  }
0xd5: {  	[sflag:s0] =	ssyncadd.s32 @!p0 s1  }
0xd6: {  	[bflag:$0x3] =	sbarrier.arrive $0xFFFF  }
0xd7: {  	_ =	shalt  }

// kernel: kernel.14.cloned.1.call-start
scs
__scs_entry_jumppad:
0x0: {  	(pc) =	sbr.rel $0x88, $3  }
0x1: {  	(tag) =	ssettag $0x0;
	lr =	simm.s32 $0x1  }
0x2: {  	[smem:$0x3F9B] =	sst lr;
	_ =	strace $0xD0000000  }
0x3: {  	_ = 	snop  }
0x4: {  	_ = 	snop  }
0x5: {  	_ = 	snop  }
0x6: {  	_ = 	snop  }
0x7: {  	_ = 	snop  }
__scs_overlays_trampoline_lowered:
0x8: {  	[smem:$0x3FAA] =	sst s0  }
0x9: {  	[smem:$0x3FAB] =	sst s1  }
0xa: {  	[smem:$0x3FAC] =	sst s2  }
0xb: {  	[smem:$0x3FAD] =	sst s3  }
0xc: {  	[smem:$0x3FAE] =	sst s4  }
0xd: {  	[smem:$0x3FAF] =	sst s5  }
0xe: {  	[smem:$0x3FB0] =	sst s6  }
0xf: {  	[smem:$0x3FB1] =	sst s7  }
0x10: {  	[smem:$0x3FB2] =	sst s8  }
0x11: {  	[smem:$0x3FB3] =	sst s9;
	s0 =	simm.s32 @!p0 $0x0  }
0x12: {  	s1 =	sld [smem:$0x3F99];
	s0 =	simm.s32 @p0 $0x1  }
0x13: {  	[smem:$0x3FB4] =	sst s0;
	s0 =	simm.s32 @!p1 $0x0  }
0x14: {  	s2 =	sld [smem:$0x3F98];
	s0 =	simm.s32 @p1 $0x1  }
0x15: {  	[smem:$0x3FB5] =	sst s0;
	s0 =	simm.s32 @!p2 $0x0  }
0x16: {  	s3 =	sld [smem:$0x3FDB];
	s0 =	simm.s32 @p2 $0x1  }
0x17: {  	s4 =	simm.s32 $0x1BF5;
	[smem:$0x3FB7] =	sst s0  }
0x18: {  	s0 =	sld [smem:$0x3F9A];
	_ =	swait.ge [sflag:s4], $0x0  }
0x19: {  	s7 =	sld [smem:$0x3F9B]  }
0x1a: {  	s8 =	sadd.s32 $0xFFFFE003, lr  }
0x1b: {  	s9 =	sadd.s32 $0xFFFFFEF7, lr;
	s5 =	simm.s32 $0xFFFFFFFF;
	p2 =	slt.u32 s8, $0xFFFFF086  }
0x1c: {  	p1 =	slt.u32 s9, $0xF7A;
	s5 =	simm.s32 @!p2 $0x0  }
0x1d: {  	s5 =	simm.s32 @p1 $0x1;
	p0 =	seq.s32 s7, s2  }
0x1e: {  	s7 =	smul.u32 @!p0 $0xF7A, s2;
	p2 =	seq.s32 @!p0 s5, $0x0  }
0x1f: {  	s9 =	smul.u32 $0xF7A, s1;
	s8 =	simm.s32 @!p0 $0x1BF5;
	p2 =	por !p2, p0  }
0x20: {  	[sflag:s8] =	ssyncset.s32 @!p0 $0xFFFFF086;
	s6 =	sadd.s32 @!p0 s3, s7;
	s7 =	simm.s32 @!p0 $0x108  }
0x21: {  	s3 =	sadd.s32 s3, s9;
	s6 =	sadd.s32 @!p0 $0x88, s6;
	s7 =	simm.s32 @p2 $0x1082  }
0x22: {  	[simem:s7], [sflag:s8] =	dma.local @!p0 [hbm:s6], $0xF7A  }
0x23: {  	s9 =	sor.u32 $0xD0000000, s2;
	s6 =	simm.s32 $0x108;
	_ =	swait.ge @!p0 [sflag:s8], $0x0  }
0x24: {  	s3 =	sadd.s32 $0x88, s3;
	s6 =	simm.s32 @!p1 $0x1082;
	[sflag:s4] =	ssyncset.s32 $0xFFFFF086  }
0x25: {  	[simem:s6], [sflag:s4] =	dma.local [hbm:s3], $0xF7A  }
0x26: {  	[smem:$0x3F9B] =	sst s1;
	(tag) =	ssettag s2;
	_ =	strace s9  }
0x27: {  	s1 =	sld [smem:$0x3FAB]  }
0x28: {  	s2 =	sld [smem:$0x3FAC]  }
0x29: {  	s4 =	sld [smem:$0x3FAE]  }
0x2a: {  	p0 =	seq.s32 s5, $0x0;
	s5 =	sld [smem:$0x3FAF]  }
0x2b: {  	s6 =	sld [smem:$0x3FB0]  }
0x2c: {  	s7 =	sld [smem:$0x3FB1]  }
0x2d: {  	s3 =	simm.s32 $0x108;
	s8 =	sld [smem:$0x3FB2]  }
0x2e: {  	s3 =	simm.s32 @!p0 $0x1082;
	s9 =	sld [smem:$0x3FB3]  }
0x2f: {  	lr =	sadd.s32 s0, s3;
	s0 =	sld [smem:$0x3FAA]  }
0x30: {  	s3 =	sld [smem:$0x3FAD]  }
0x31: {  	[smem:$0x3FB6] =	sst s10  }
0x32: {  	s10 =	sld [smem:$0x3FB4];
	_ =	sdelay $0x3  }
0x33: {  	p0 =	seq.s32 s10, $0x1;
	s10 =	sld [smem:$0x3FB6];
	_ =	sdelay $0x3  }
0x34: {  	[smem:$0x3FB6] =	sst s10  }
0x35: {  	s10 =	sld [smem:$0x3FB5];
	_ =	sdelay $0x3  }
0x36: {  	p1 =	seq.s32 s10, $0x1;
	s10 =	sld [smem:$0x3FB6];
	_ =	sdelay $0x3  }
0x37: {  	[smem:$0x3FB6] =	sst s10  }
0x38: {  	s10 =	sld [smem:$0x3FB7]  }
0x39: {  	_ = 	snop;
	(pc) =	sbr.ind lr, $3  }
0x3a: {  	_ = 	snop  }
0x3b: {  	_ = 	snop  }
0x3c: {  	p2 =	seq.s32 s10, $0x1;
	s10 =	sld [smem:$0x3FB6]  }
0x3d: {  	_ =	shalt  }
0x3e: {  	_ =	shalt  }
0x3f: {  	_ =	shalt  }
0x40: {  	_ =	shalt  }
0x41: {  	_ =	shalt  }
0x42: {  	_ =	shalt  }
0x43: {  	_ =	shalt  }
0x44: {  	_ =	shalt  }
0x45: {  	_ =	shalt  }
0x46: {  	_ =	shalt  }
0x47: {  	_ =	shalt  }
0x48: {  	_ =	shalt  }
0x49: {  	_ =	shalt  }
0x4a: {  	_ =	shalt  }
0x4b: {  	_ =	shalt  }
0x4c: {  	_ =	shalt  }
0x4d: {  	_ =	shalt  }
0x4e: {  	_ =	shalt  }
0x4f: {  	_ =	shalt  }
0x50: {  	_ =	shalt  }
0x51: {  	_ =	shalt  }
0x52: {  	_ =	shalt  }
0x53: {  	_ =	shalt  }
0x54: {  	_ =	shalt  }
0x55: {  	_ =	shalt  }
0x56: {  	_ =	shalt  }
0x57: {  	_ =	shalt  }
0x58: {  	_ =	shalt  }
0x59: {  	_ =	shalt  }
0x5a: {  	_ =	shalt  }
0x5b: {  	_ =	shalt  }
0x5c: {  	_ =	shalt  }
0x5d: {  	_ =	shalt  }
0x5e: {  	_ =	shalt  }
0x5f: {  	_ =	shalt  }
0x60: {  	_ =	shalt  }
0x61: {  	_ =	shalt  }
0x62: {  	_ =	shalt  }
0x63: {  	_ =	shalt  }
0x64: {  	_ =	shalt  }
0x65: {  	_ =	shalt  }
0x66: {  	_ =	shalt  }
0x67: {  	_ =	shalt  }
0x68: {  	_ =	shalt  }
0x69: {  	_ =	shalt  }
0x6a: {  	_ =	shalt  }
0x6b: {  	_ =	shalt  }
0x6c: {  	_ =	shalt  }
0x6d: {  	_ =	shalt  }
0x6e: {  	_ =	shalt  }
0x6f: {  	_ =	shalt  }
0x70: {  	_ =	shalt  }
0x71: {  	_ =	shalt  }
0x72: {  	_ =	shalt  }
0x73: {  	_ =	shalt  }
0x74: {  	_ =	shalt  }
0x75: {  	_ =	shalt  }
0x76: {  	_ =	shalt  }
0x77: {  	_ =	shalt  }
0x78: {  	_ =	shalt  }
0x79: {  	_ =	shalt  }
0x7a: {  	_ =	shalt  }
0x7b: {  	_ =	shalt  }
0x7c: {  	_ =	shalt  }
0x7d: {  	_ =	shalt  }
0x7e: {  	_ =	shalt  }
0x7f: {  	_ =	shalt  }
0x80: {  	_ =	shalt  }
0x81: {  	_ =	shalt  }
0x82: {  	_ =	shalt  }
0x83: {  	_ =	shalt  }
0x84: {  	_ =	shalt  }
0x85: {  	_ =	shalt  }
0x86: {  	_ =	shalt  }
0x87: {  	_ =	shalt  }
.Lfunc_end0:
.L_simem_size_0:
called_computation.2_lowered:
.L_overlay_start_0:
0x88: {  	s2 =	sld [smem:$0x3FD9]  }
0x89: {  	s3 =	sld [smem:$0x3FFE];
	_ =	sdelay $0x1  }
0x8a: {  	s1 =	srdreg.scid  }
0x8b: {  	s0 =	sand.u32 $0x1, s1  }
0x8c: {  	s16 =	sshll.u32 s0, $0xA;
	s2 =	sadd.s32 s3, s2  }
0x8d: {  	s2 =	sadd.s32 s2, s16  }
0x8e: {  	[smem:$0x3FC2] =	sst s2  }
0x8f: {  	_ = 	snop  }
0x90: {  	(tm) =	ssettm $0x1  }
0x91: {  	s17 =	sld [smem:$0x3FFB];
	_ =	sdelay $0x3  }
0x92: {  	_ =	strace s17  }
0x93: {  	s2 =	sld [smem:$0x3FFC];
	_ =	sdelay $0x3  }
0x94: {  	_ =	strace s2  }
0x95: {  	s2 =	sld [smem:$0x3FFD];
	_ =	sdelay $0x3  }
0x96: {  	_ =	strace s2  }
0x97: {  	_ =	strace $0x8FFFFFFF  }
0x98: {  	s18 =	sld [smem:$0x3FDB];
	_ =	sdelay $0x1  }
0x99: {  	s19 =	simm.s32 $_scs_section_size  }
0x9a: {  	s4 =	simm.s32 $_size__tile_overlayer_lowered;
	s5 =	simm.s32 $_tile_overlayer_lowered  }
0x9b: {  	s22 =	simm.s32 $0x1BFF;
	s21 =	sshll.u32 s5, $0x1;
	s2 =	sadd.s32 s19, s18  }
0x9c: {  	s6 =	simm.s32 $0x0;
	s20 =	sshll.u32 s4, $0x1;
	s4 =	sadd.s32 s21, s2  }
0x9d: {  	[timem:s6], [sflag:s22] =	dma.local [hbm:s4], s20  }
0x9e: {  	_ =	swait.ge [sflag:s22], s20  }
0x9f: {  	s3 =	ssub.s32 $0x0, s20;
	[sflag:s22] =	ssyncset.done $0x0  }
0xa0: {  	[sflag:s22] =	ssyncadd.s32 s3;
	_ =	sdelay $0x1  }
0xa1: {  	s23 =	simm.s32 $0x1B8B  }
0xa2: {  	_ =	swait.ge [sflag:s23], $0x1  }
0xa3: {  	[sflag:s23] =	ssyncset.done $0x0  }
0xa4: {  	s25 =	simm.s32 $0x1B8E;
	s24 =	sld [smem:$0x3FFE];
	[sflag:s23] =	ssyncadd.s32 $0xFFFFFFFF  }
0xa5: {  	s26 =	simm.s32 $execute0_lowered;
	[smem:$0x3FD2] =	sst s25  }
0xa6: {  	s4 =	sshll.u32 s26, $0x1;
	_ =	strace $0x8000004C;
	[dreg:$0x1] =	wrdreg $0xFFFFFFFF  }
0xa7: {  	s28 =	simm.s32 $_size_execute0_lowered;
	s2 =	sadd.s32 s2, s4;
	[dreg:$0x0] =	wrdreg $0x0  }
0xa8: {  	s4 =	sshll.u32 s28, $0x1;
	[dreg:$0x2] =	wrdreg s2  }
0xa9: {  	[dreg:$0x3] =	wrdreg s4  }
0xaa: {  	[dreg:$0x4] =	wrdreg $0xC0  }
0xab: {  	_ =	task [dreg:s6], $0x5FFFF  }
0xac: {  	[dreg:$0x1] =	wrdreg $0xFFFFFFFF  }
0xad: {  	[dreg:$0x0] =	wrdreg $0x60  }
0xae: {  	[dreg:$0x2] =	wrdreg s24  }
0xaf: {  	[dreg:$0x3] =	wrdreg $0x88000  }
0xb0: {  	[dreg:$0x4] =	wrdreg $0x9  }
0xb1: {  	_ =	task.clear_ibuf [dreg:s6], $0x5FFFF;
	_ =	strace $0x9000004C  }
0xb2: {  	s29 =	simm.s32 $0x9;
	_ =	strace $0x8000004E  }
0xb3: {  	_ =	swait.ge [sflag:s29], $0x1  }
0xb4: {  	[sflag:s29] =	ssyncadd.s32 $0xFFFFFFFF  }
0xb5: {  	_ =	strace $0x9000004E  }
0xb6: {  	_ =	sfence  }
0xb7: {  	s30 =	sld [smem:$0x0];
	_ =	sdelay $0x2  }
0xb8: {  	s31 =	sshll.u32 s1, $0xD;
	s1 =	sshrl.u32 s1, $0x2  }
0xb9: {  	s3 =	sand.u32 $0x4000, s31;
	s1 =	sadd.s32 s1, s30  }
0xba: {  	s0 =	sor.u32 s3, s0;
	s1 =	sshll.u32 s1, $0x11  }
0xbb: {  	s0 =	sor.u32 s1, s0  }
0xbc: {  	s0 =	sadd.s32 $0x8F2B, s0  }
0xbd: {  	[sflag:s0] =	ssyncadd.remote.s32 $0x1  }
0xbe: {  	_ =	sfence.sel $0xFFFF  }
0xbf: {  	[dreg:$0x0] =	wrdreg $0xFFFFFFFF;
	(pc) =	sbr.abs _section_cstart, $3  }
0xc0: {  	[dreg:$0x1] =	wrdreg $0xFFFFFFFF  }
0xc1: {  	_ =	task.clear_ibuf [dreg:s6], $0x2FFFF;
	_ =	strace $0x9FFFFFFF  }
0xc2: {  	(tm) =	ssettm $0x7FFFFFFF  }
0xc3: {  	_ =	shalt  }
tec
execute0_lowered:
.L_overlay_start_1:
0x0: {  	(tag) =	ssettag $0x1  }
0x1: {  	s0 =	rddreg [dreg:$0x0]  }
0x2: {  	s2 =	rddreg [dreg:$0x1]  }
0x3: {  	s1 =	srdreg.scid;
	s9 =	stileid.u32  }
0x4: {  	s13 =	simm.s32 $0x3;
	s14 =	simm.s32 $0x400;
	s15 =	simm.s32 $0x80  }
0x5: {  	s16 =	simm.s32 $0x800;
	s17 =	simm.s32 $0x1;
	s18 =	simm.s32 $0x4800  }
0x6: {  	s19 =	simm.s32 $0x2;
	s20 =	simm.s32 $0x100;
	s28 =	simm.s32 $0x600  }
0x7: {  	s29 =	simm.s32 $0x300;
	s30 =	simm.s32 $0x680;
	s4 =	smul.u32 $0x90, s9  }
0x8: {  	s31 =	simm.s32 $0x380;
	s1 =	sand.u32 $0x1, s1;
	s6 =	smul.u32 $0x14000, s9  }
0x9: {  	s3 =	sshll.u32 s9, $0x4;
	s21 =	smul.u32 $0x50000, s9;
	s23 =	sshll.u32 s9, $0x6  }
0xa: {  	p0 =	seq.s32 s1, $0x0;
	s5 =	sor.u32 $0x900, s3;
	s3 =	simm.s32 $0x0  }
0xb: {  	s7 =	smul.u32 $0x140000, s1;
	s1 =	ssub.s32 $0x2, s1;
	s11 =	sor.u32 $0x1C03, s23  }
0xc: {  	s23 =	simm.s32 $0x500;
	s5 =	smov.u32 @p0 s4;
	[smem:$0x7FF] =	sst s3  }
0xd: {  	s4 =	sadd.s32 $0x8E000, s0;
	s8 =	sshrl.u32 s6, $0x3;
	s22 =	sshrl.u32 s1, $0x1  }
0xe: {  	s5 =	sshll.u32 s5, $0x4;
	_ =	strace $0x8000004D;
	s6 =	sadd.s32 s6, s7  }
0xf: {  	s8 =	sadd.s32 s8, s0;
	s7 =	sshrl.u32 s21, $0x2;
	s1 =	ssub.s32 s1, s22  }
0x10: {  	s21 =	simm.s32 $0x480;
	s22 =	simm.s32 $0x180;
	s5 =	sadd.s32 s5, s0  }
0x11: {  	s6 =	sshrl.u32 s6, $0x3;
	s10 =	sadd.s32 s7, s2;
	s24 =	sadd.s32 $0x16000, s8  }
0x12: {  	s7 =	simm.s32 $0x12;
	s25 =	smax.u32 s1, $0x1;
	s1 =	simm.s32 $0x700  }
0x13: {  	s0 =	sadd.s32 s6, s0;
	[dreg:$0x3] =	wrdreg s24;
	s7 =	simm.s32 @!p0 $0x2  }
0x14: {  	[dreg:$0x5] =	wrdreg s25;
	s26 =	sadd.s32 $0xC000, s5;
	s6 =	sadd.s32 $0x2000, s5  }
0x15: {  	s10 =	sshrl.u32 s10, $0x3;
	s24 =	simm.s32 $0x200;
	s25 =	simm.s32 $0x580  }
0x16: {  	s5 =	simm.s32 $0x0;
	s0 =	sadd.s32 $0xB6000, s0;
	[dreg:$0x6] =	wrdreg s26  }
0x17: {  	s26 =	simm.s32 $0x280;
	[dreg:$0x4] =	wrdreg s0;
	s0 =	simm.s32 $0x780  }
.LBB2_1:
0x18: {  	s8 =	rddreg [dreg:$0x3]  }
0x19: {  	[spmem:s10], [sflag:s11] =	dma.local [hbm:s8], $0x2800  }
0x1a: {  	_ =	swait.ge [sflag:s13], $0x2800  }
0x1b: {  	[sflag:s13] =	ssyncset.done $0x0  }
0x1c: {  	[sflag:s13] =	ssyncadd.s32 $0xFFFFD800  }
0x1d: {  	[bflag:$0x0] =	sbarrier.arrive $0xFFFF  }
0x1e: {  	[tilespmem:s3], [sflag:$0x3] =	stream.linear.gather [hbm4b:s6+s3], $0x400, $0x38;
	[tilespmem:$0x1C800] =	vst v63  }
0x1f: {  	_ =	swait.ge [sflag:s13], $0x400  }
0x20: {  	[sflag:s13] =	ssyncset.done $0x0  }
0x21: {  	s9 =	smov.u32 s10;
	s10 =	rddreg [dreg:$0x6];
	[sflag:s13] =	ssyncadd.s32 $0xFFFFFC00  }
0x22: {  	[tilespmem:s14], [sflag:$0x3] =	stream.linear.gather [hbm4b:s10+s3], $0x400, $0x38;
	[tilespmem:$0x1C800] =	vst v63  }
0x23: {  	_ =	swait.ge [sflag:s13], $0x400  }
0x24: {  	[sflag:s13] =	ssyncset.done $0x0  }
0x25: {  	[sflag:s13] =	ssyncadd.s32 $0xFFFFFC00  }
0x26: {  	[tilespmem:s16], [sflag:$0x1] =	stream.indirect.gather [hbm4b:s4+s15], $0x80, s3, s15, $0xb8;
	[tilespmem:$0x1C800] =	vst v63  }
0x27: {  	_ =	swait.ge [sflag:s17], $0x4000  }
0x28: {  	[sflag:s17] =	ssyncset.done $0x0  }
0x29: {  	[sflag:s17] =	ssyncadd.s32 $0xFFFFC000  }
0x2a: {  	[tilespmem:s18], [sflag:$0x2] =	stream.indirect.gather [hbm4b:s4+s15], $0x80, s15, s15, $0xb8;
	[tilespmem:$0x1C800] =	vst v63  }
0x2b: {  	_ = 	snop  }
0x2c: {  	[spmem:s2] =	stream.indirect.scatter.add.f32 [tilespmem:s16], [sflag:$0x3], $0x80, s14, s15, $0xb8;
	[tilespmem:$0x1C800] =	vst v63  }
0x2d: {  	_ =	swait.ge [sflag:s13], $0x4000  }
0x2e: {  	[sflag:s13] =	ssyncset.done $0x0  }
0x2f: {  	[sflag:s13] =	ssyncadd.s32 $0xFFFFC000  }
0x30: {  	_ =	swait.ge [sflag:s19], $0x4000  }
0x31: {  	[sflag:s19] =	ssyncset.done $0x0  }
0x32: {  	[sflag:s19] =	ssyncadd.s32 $0xFFFFC000  }
0x33: {  	[tilespmem:s16], [sflag:$0x1] =	stream.indirect.gather [hbm4b:s4+s15], $0x80, s20, s15, $0xb8;
	[tilespmem:$0x1C800] =	vst v63  }
0x34: {  	_ = 	snop  }
0x35: {  	[spmem:s2] =	stream.indirect.scatter.add.f32 [tilespmem:s18], [sflag:$0x3], $0x80, s21, s15, $0xb8;
	[tilespmem:$0x1C800] =	vst v63  }
0x36: {  	_ =	swait.ge [sflag:s13], $0x4000  }
0x37: {  	[sflag:s13] =	ssyncset.done $0x0  }
0x38: {  	[sflag:s13] =	ssyncadd.s32 $0xFFFFC000  }
0x39: {  	_ =	swait.ge [sflag:s17], $0x4000  }
0x3a: {  	[sflag:s17] =	ssyncset.done $0x0  }
0x3b: {  	[sflag:s17] =	ssyncadd.s32 $0xFFFFC000  }
0x3c: {  	[tilespmem:s18], [sflag:$0x2] =	stream.indirect.gather [hbm4b:s4+s15], $0x80, s22, s15, $0xb8;
	[tilespmem:$0x1C800] =	vst v63  }
0x3d: {  	_ = 	snop  }
0x3e: {  	[spmem:s2] =	stream.indirect.scatter.add.f32 [tilespmem:s16], [sflag:$0x3], $0x80, s23, s15, $0xb8;
	[tilespmem:$0x1C800] =	vst v63  }
0x3f: {  	_ =	swait.ge [sflag:s13], $0x4000  }
0x40: {  	[sflag:s13] =	ssyncset.done $0x0  }
0x41: {  	[sflag:s13] =	ssyncadd.s32 $0xFFFFC000  }
0x42: {  	_ =	swait.ge [sflag:s19], $0x4000  }
0x43: {  	[sflag:s19] =	ssyncset.done $0x0  }
0x44: {  	[sflag:s19] =	ssyncadd.s32 $0xFFFFC000  }
0x45: {  	[tilespmem:s16], [sflag:$0x1] =	stream.indirect.gather [hbm4b:s4+s15], $0x80, s24, s15, $0xb8;
	[tilespmem:$0x1C800] =	vst v63  }
0x46: {  	_ = 	snop  }
0x47: {  	[spmem:s2] =	stream.indirect.scatter.add.f32 [tilespmem:s18], [sflag:$0x3], $0x80, s25, s15, $0xb8;
	[tilespmem:$0x1C800] =	vst v63  }
0x48: {  	_ =	swait.ge [sflag:s13], $0x4000  }
0x49: {  	[sflag:s13] =	ssyncset.done $0x0  }
0x4a: {  	[sflag:s13] =	ssyncadd.s32 $0xFFFFC000  }
0x4b: {  	_ =	swait.ge [sflag:s17], $0x4000  }
0x4c: {  	[sflag:s17] =	ssyncset.done $0x0  }
0x4d: {  	[sflag:s17] =	ssyncadd.s32 $0xFFFFC000  }
0x4e: {  	[tilespmem:s18], [sflag:$0x2] =	stream.indirect.gather [hbm4b:s4+s15], $0x80, s26, s15, $0xb8;
	[tilespmem:$0x1C800] =	vst v63  }
0x4f: {  	_ = 	snop  }
0x50: {  	[spmem:s2] =	stream.indirect.scatter.add.f32 [tilespmem:s16], [sflag:$0x3], $0x80, s28, s15, $0xb8;
	[tilespmem:$0x1C800] =	vst v63  }
0x51: {  	_ =	swait.ge [sflag:s13], $0x4000  }
0x52: {  	[sflag:s13] =	ssyncset.done $0x0  }
0x53: {  	[sflag:s13] =	ssyncadd.s32 $0xFFFFC000  }
0x54: {  	_ =	swait.ge [sflag:s19], $0x4000  }
0x55: {  	[sflag:s19] =	ssyncset.done $0x0  }
0x56: {  	[sflag:s19] =	ssyncadd.s32 $0xFFFFC000  }
0x57: {  	[tilespmem:s16], [sflag:$0x1] =	stream.indirect.gather [hbm4b:s4+s15], $0x80, s29, s15, $0xb8;
	[tilespmem:$0x1C800] =	vst v63  }
0x58: {  	_ = 	snop  }
0x59: {  	[spmem:s2] =	stream.indirect.scatter.add.f32 [tilespmem:s18], [sflag:$0x3], $0x80, s30, s15, $0xb8;
	[tilespmem:$0x1C800] =	vst v63  }
0x5a: {  	_ =	swait.ge [sflag:s13], $0x4000  }
0x5b: {  	[sflag:s13] =	ssyncset.done $0x0  }
0x5c: {  	[sflag:s13] =	ssyncadd.s32 $0xFFFFC000  }
0x5d: {  	_ =	swait.ge [sflag:s17], $0x4000  }
0x5e: {  	[sflag:s17] =	ssyncset.done $0x0  }
0x5f: {  	[sflag:s17] =	ssyncadd.s32 $0xFFFFC000  }
0x60: {  	[tilespmem:s18], [sflag:$0x2] =	stream.indirect.gather [hbm4b:s4+s15], $0x80, s31, s15, $0xb8;
	[tilespmem:$0x1C800] =	vst v63  }
0x61: {  	_ = 	snop  }
0x62: {  	[spmem:s2] =	stream.indirect.scatter.add.f32 [tilespmem:s16], [sflag:$0x3], $0x80, s1, s15, $0xb8;
	[tilespmem:$0x1C800] =	vst v63  }
0x63: {  	_ =	swait.ge [sflag:s13], $0x4000  }
0x64: {  	[sflag:s13] =	ssyncset.done $0x0  }
0x65: {  	[sflag:s13] =	ssyncadd.s32 $0xFFFFC000  }
0x66: {  	p0 =	sne.s32 s7, $0x1;
	_ =	swait.ge [sflag:s19], $0x4000  }
.Ltmp0:
0x67: {  	[sflag:s19] =	ssyncset.done $0x0;
	(pc) =	sbr.rel @!p0 .LBB2_3-.Ltmp0, $4  }
0x68: {  	[sflag:s19] =	ssyncadd.s32 $0xFFFFC000  }
0x69: {  	[spmem:s2] =	stream.indirect.scatter.add.f32 [tilespmem:s18], [sflag:$0x3], $0x80, s0, s15, $0xb8;
	[tilespmem:$0x1C800] =	vst v63  }
0x6a: {  	s12 =	smov.u32 s11;
	_ =	swait.ge [sflag:s13], $0x4000  }
0x6b: {  	s8 =	sadd.s32 $0xFFFFFFFF, s7;
	s11 =	smov.u32 s6;
	[sflag:s13] =	ssyncset.done $0x0  }
.LBB2_2:
0x6c: {  	[sflag:s13] =	ssyncadd.s32 $0xFFFFC000;
	s10 =	sadd.s32 $0x80, s10;
	s11 =	sadd.s32 $0x80, s11  }
0x6d: {  	[tilespmem:s3], [sflag:$0x3] =	stream.linear.gather [hbm4b:s11+s3], $0x400, $0x38;
	[tilespmem:$0x1C800] =	vst v63  }
0x6e: {  	p0 =	sne.s32 s8, $0x1;
	s8 =	sadd.s32 $0xFFFFFFFF, s8;
	_ =	swait.ge [sflag:s13], $0x400  }
0x6f: {  	[sflag:s13] =	ssyncset.done $0x0  }
0x70: {  	[sflag:s13] =	ssyncadd.s32 $0xFFFFFC00  }
0x71: {  	[tilespmem:s14], [sflag:$0x3] =	stream.linear.gather [hbm4b:s10+s3], $0x400, $0x38;
	[tilespmem:$0x1C800] =	vst v63  }
0x72: {  	_ =	swait.ge [sflag:s13], $0x400  }
0x73: {  	[sflag:s13] =	ssyncset.done $0x0  }
0x74: {  	[sflag:s13] =	ssyncadd.s32 $0xFFFFFC00  }
0x75: {  	[tilespmem:s16], [sflag:$0x1] =	stream.indirect.gather [hbm4b:s4+s15], $0x80, s3, s15, $0xb8;
	[tilespmem:$0x1C800] =	vst v63  }
0x76: {  	_ =	swait.ge [sflag:s17], $0x4000  }
0x77: {  	[sflag:s17] =	ssyncset.done $0x0  }
0x78: {  	[sflag:s17] =	ssyncadd.s32 $0xFFFFC000  }
0x79: {  	[tilespmem:s18], [sflag:$0x2] =	stream.indirect.gather [hbm4b:s4+s15], $0x80, s15, s15, $0xb8;
	[tilespmem:$0x1C800] =	vst v63  }
0x7a: {  	_ = 	snop  }
0x7b: {  	[spmem:s2] =	stream.indirect.scatter.add.f32 [tilespmem:s16], [sflag:$0x3], $0x80, s14, s15, $0xb8;
	[tilespmem:$0x1C800] =	vst v63  }
0x7c: {  	_ =	swait.ge [sflag:s13], $0x4000  }
0x7d: {  	[sflag:s13] =	ssyncset.done $0x0  }
0x7e: {  	[sflag:s13] =	ssyncadd.s32 $0xFFFFC000  }
0x7f: {  	_ =	swait.ge [sflag:s19], $0x4000  }
0x80: {  	[sflag:s19] =	ssyncset.done $0x0  }
0x81: {  	[sflag:s19] =	ssyncadd.s32 $0xFFFFC000  }
0x82: {  	[tilespmem:s16], [sflag:$0x1] =	stream.indirect.gather [hbm4b:s4+s15], $0x80, s20, s15, $0xb8;
	[tilespmem:$0x1C800] =	vst v63  }
0x83: {  	_ = 	snop  }
0x84: {  	[spmem:s2] =	stream.indirect.scatter.add.f32 [tilespmem:s18], [sflag:$0x3], $0x80, s21, s15, $0xb8;
	[tilespmem:$0x1C800] =	vst v63  }
0x85: {  	_ =	swait.ge [sflag:s13], $0x4000  }
0x86: {  	[sflag:s13] =	ssyncset.done $0x0  }
0x87: {  	[sflag:s13] =	ssyncadd.s32 $0xFFFFC000  }
0x88: {  	_ =	swait.ge [sflag:s17], $0x4000  }
0x89: {  	[sflag:s17] =	ssyncset.done $0x0  }
0x8a: {  	[sflag:s17] =	ssyncadd.s32 $0xFFFFC000  }
0x8b: {  	[tilespmem:s18], [sflag:$0x2] =	stream.indirect.gather [hbm4b:s4+s15], $0x80, s22, s15, $0xb8;
	[tilespmem:$0x1C800] =	vst v63  }
0x8c: {  	_ = 	snop  }
0x8d: {  	[spmem:s2] =	stream.indirect.scatter.add.f32 [tilespmem:s16], [sflag:$0x3], $0x80, s23, s15, $0xb8;
	[tilespmem:$0x1C800] =	vst v63  }
0x8e: {  	_ =	swait.ge [sflag:s13], $0x4000  }
0x8f: {  	[sflag:s13] =	ssyncset.done $0x0  }
0x90: {  	[sflag:s13] =	ssyncadd.s32 $0xFFFFC000  }
0x91: {  	_ =	swait.ge [sflag:s19], $0x4000  }
0x92: {  	[sflag:s19] =	ssyncset.done $0x0  }
0x93: {  	[sflag:s19] =	ssyncadd.s32 $0xFFFFC000  }
0x94: {  	[tilespmem:s16], [sflag:$0x1] =	stream.indirect.gather [hbm4b:s4+s15], $0x80, s24, s15, $0xb8;
	[tilespmem:$0x1C800] =	vst v63  }
0x95: {  	_ = 	snop  }
0x96: {  	[spmem:s2] =	stream.indirect.scatter.add.f32 [tilespmem:s18], [sflag:$0x3], $0x80, s25, s15, $0xb8;
	[tilespmem:$0x1C800] =	vst v63  }
0x97: {  	_ =	swait.ge [sflag:s13], $0x4000  }
0x98: {  	[sflag:s13] =	ssyncset.done $0x0  }
0x99: {  	[sflag:s13] =	ssyncadd.s32 $0xFFFFC000  }
0x9a: {  	_ =	swait.ge [sflag:s17], $0x4000  }
0x9b: {  	[sflag:s17] =	ssyncset.done $0x0  }
0x9c: {  	[sflag:s17] =	ssyncadd.s32 $0xFFFFC000  }
0x9d: {  	[tilespmem:s18], [sflag:$0x2] =	stream.indirect.gather [hbm4b:s4+s15], $0x80, s26, s15, $0xb8;
	[tilespmem:$0x1C800] =	vst v63  }
0x9e: {  	_ = 	snop  }
0x9f: {  	[spmem:s2] =	stream.indirect.scatter.add.f32 [tilespmem:s16], [sflag:$0x3], $0x80, s28, s15, $0xb8;
	[tilespmem:$0x1C800] =	vst v63  }
0xa0: {  	_ =	swait.ge [sflag:s13], $0x4000  }
0xa1: {  	[sflag:s13] =	ssyncset.done $0x0  }
0xa2: {  	[sflag:s13] =	ssyncadd.s32 $0xFFFFC000  }
0xa3: {  	_ =	swait.ge [sflag:s19], $0x4000  }
0xa4: {  	[sflag:s19] =	ssyncset.done $0x0  }
0xa5: {  	[sflag:s19] =	ssyncadd.s32 $0xFFFFC000  }
0xa6: {  	[tilespmem:s16], [sflag:$0x1] =	stream.indirect.gather [hbm4b:s4+s15], $0x80, s29, s15, $0xb8;
	[tilespmem:$0x1C800] =	vst v63  }
0xa7: {  	_ = 	snop  }
0xa8: {  	[spmem:s2] =	stream.indirect.scatter.add.f32 [tilespmem:s18], [sflag:$0x3], $0x80, s30, s15, $0xb8;
	[tilespmem:$0x1C800] =	vst v63  }
0xa9: {  	_ =	swait.ge [sflag:s13], $0x4000  }
0xaa: {  	[sflag:s13] =	ssyncset.done $0x0  }
0xab: {  	[sflag:s13] =	ssyncadd.s32 $0xFFFFC000  }
0xac: {  	_ =	swait.ge [sflag:s17], $0x4000  }
0xad: {  	[sflag:s17] =	ssyncset.done $0x0  }
0xae: {  	[sflag:s17] =	ssyncadd.s32 $0xFFFFC000  }
0xaf: {  	[tilespmem:s18], [sflag:$0x2] =	stream.indirect.gather [hbm4b:s4+s15], $0x80, s31, s15, $0xb8;
	[tilespmem:$0x1C800] =	vst v63  }
0xb0: {  	_ = 	snop  }
0xb1: {  	[spmem:s2] =	stream.indirect.scatter.add.f32 [tilespmem:s16], [sflag:$0x3], $0x80, s1, s15, $0xb8;
	[tilespmem:$0x1C800] =	vst v63  }
0xb2: {  	_ =	swait.ge [sflag:s13], $0x4000  }
0xb3: {  	[sflag:s13] =	ssyncset.done $0x0  }
0xb4: {  	[sflag:s13] =	ssyncadd.s32 $0xFFFFC000  }
0xb5: {  	_ =	swait.ge [sflag:s19], $0x4000  }
.Ltmp1:
0xb6: {  	[sflag:s19] =	ssyncset.done $0x0;
	(pc) =	sbr.rel @p0 .LBB2_2-.Ltmp1, $4  }
0xb7: {  	[sflag:s19] =	ssyncadd.s32 $0xFFFFC000  }
0xb8: {  	[spmem:s2] =	stream.indirect.scatter.add.f32 [tilespmem:s18], [sflag:$0x3], $0x80, s0, s15, $0xb8;
	[tilespmem:$0x1C800] =	vst v63  }
0xb9: {  	_ =	swait.ge [sflag:s13], $0x4000  }
0xba: {  	[sflag:s13] =	ssyncset.done $0x0  }
.LBB2_3:
0xbb: {  	[sflag:s13] =	ssyncadd.s32 $0xFFFFC000  }
0xbc: {  	[bflag:$0x0] =	sbarrier.arrive $0xFFFF  }
0xbd: {  	s8 =	rddreg [dreg:$0x4]  }
0xbe: {  	[hbm:s8], [sflag:s12] =	dma.local [spmem:s9], $0x2800  }
0xbf: {  	_ =	swait.ge [sflag:s13], $0x2800  }
0xc0: {  	s11 =	smov.u32 s12;
	s5 =	sadd.s32 $0x1, s5;
	s12 =	rddreg [dreg:$0x5]  }
0xc1: {  	p0 =	sne.s32 s5, s12  }
.Ltmp2:
0xc2: {  	_ = 	snop;
	(pc) =	sbr.rel @p0 .LBB2_1-.Ltmp2, $3  }
0xc3: {  	_ =	sdelay $0x1  }
0xc4: {  	[sflag:s13] =	ssyncset.done $0x0  }
0xc5: {  	s10 =	smov.u32 s9;
	[sflag:s13] =	ssyncadd.s32 $0xFFFFD800  }
0xc6: {  	_ =	sfence.sel $0x180000  }
0xc7: {  	[bflag:$0x0] =	sbarrier.arrive $0xFFFF  }
0xc8: {  	_ =	strace $0x9000004D  }
0xc9: {  	s0 =	stileid.u32;
	[bflag:$0x2] =	sbarrier.arrive $0xFFFF  }
0xca: {  	p0 =	sne.s32 s0, $0x0;
	s0 =	rddreg [dreg:$0x2]  }
0xcb: {  	s0 =	sadd.s32 @!p0 $0x100000, s0  }
0xcc: {  	[sflag:s0] =	ssyncadd.tile.s32 @!p0 $0x1;
	_ =	shalt  }
.Lfunc_end2:
_tile_overlayer_lowered:
.L_overlay_start_2:
0xcd: {  	(tag) =	ssettag $0x2  }
0xce: {  	s0 =	rddreg [dreg:$0x0];
	s2 =	stileid.u32  }
0xcf: {  	s1 =	rddreg [dreg:$0x1];
	p0 =	sne.s32 s2, $0x0  }
0xd0: {  	s3 =	rddreg [dreg:$0x2];
	[bflag:$0x3] =	sbarrier.arrive $0xFFFF;
	s2 =	simm.s32 @!p0 $0x1C03  }
0xd1: {  	[timem:s3], [sflag:s2] =	dma.local @!p0 [hbm:s0], s1  }
0xd2: {  	s0 =	simm.s32 @!p0 $0x3  }
0xd3: {  	_ =	swait.ge @!p0 [sflag:s0], s1  }
0xd4: {  	s1 =	ssub.s32 @!p0 $0x0, s1;
	[sflag:s0] =	ssyncset.done @!p0 $0x0  }
0xd5: {  	[sflag:s0] =	ssyncadd.s32 @!p0 s1  }
0xd6: {  	[bflag:$0x3] =	sbarrier.arrive $0xFFFF  }
0xd7: {  	_ =	shalt  }

// kernel: kernel.8.cloned.1.call-start
scs
__scs_entry_jumppad:
0x0: {  	(pc) =	sbr.rel $0x88, $3  }
0x1: {  	(tag) =	ssettag $0x0;
	lr =	simm.s32 $0x1  }
0x2: {  	[smem:$0x3F9B] =	sst lr;
	_ =	strace $0xD0000000  }
0x3: {  	_ = 	snop  }
0x4: {  	_ = 	snop  }
0x5: {  	_ = 	snop  }
0x6: {  	_ = 	snop  }
0x7: {  	_ = 	snop  }
__scs_overlays_trampoline_lowered:
0x8: {  	[smem:$0x3FAA] =	sst s0  }
0x9: {  	[smem:$0x3FAB] =	sst s1  }
0xa: {  	[smem:$0x3FAC] =	sst s2  }
0xb: {  	[smem:$0x3FAD] =	sst s3  }
0xc: {  	[smem:$0x3FAE] =	sst s4  }
0xd: {  	[smem:$0x3FAF] =	sst s5  }
0xe: {  	[smem:$0x3FB0] =	sst s6  }
0xf: {  	[smem:$0x3FB1] =	sst s7  }
0x10: {  	[smem:$0x3FB2] =	sst s8  }
0x11: {  	[smem:$0x3FB3] =	sst s9;
	s0 =	simm.s32 @!p0 $0x0  }
0x12: {  	s1 =	sld [smem:$0x3F99];
	s0 =	simm.s32 @p0 $0x1  }
0x13: {  	[smem:$0x3FB4] =	sst s0;
	s0 =	simm.s32 @!p1 $0x0  }
0x14: {  	s2 =	sld [smem:$0x3F98];
	s0 =	simm.s32 @p1 $0x1  }
0x15: {  	[smem:$0x3FB5] =	sst s0;
	s0 =	simm.s32 @!p2 $0x0  }
0x16: {  	s3 =	sld [smem:$0x3FDB];
	s0 =	simm.s32 @p2 $0x1  }
0x17: {  	s4 =	simm.s32 $0x1BF5;
	[smem:$0x3FB7] =	sst s0  }
0x18: {  	s0 =	sld [smem:$0x3F9A];
	_ =	swait.ge [sflag:s4], $0x0  }
0x19: {  	s7 =	sld [smem:$0x3F9B]  }
0x1a: {  	s8 =	sadd.s32 $0xFFFFE003, lr  }
0x1b: {  	s9 =	sadd.s32 $0xFFFFFEF7, lr;
	s5 =	simm.s32 $0xFFFFFFFF;
	p2 =	slt.u32 s8, $0xFFFFF086  }
0x1c: {  	p1 =	slt.u32 s9, $0xF7A;
	s5 =	simm.s32 @!p2 $0x0  }
0x1d: {  	s5 =	simm.s32 @p1 $0x1;
	p0 =	seq.s32 s7, s2  }
0x1e: {  	s7 =	smul.u32 @!p0 $0xF7A, s2;
	p2 =	seq.s32 @!p0 s5, $0x0  }
0x1f: {  	s9 =	smul.u32 $0xF7A, s1;
	s8 =	simm.s32 @!p0 $0x1BF5;
	p2 =	por !p2, p0  }
0x20: {  	[sflag:s8] =	ssyncset.s32 @!p0 $0xFFFFF086;
	s6 =	sadd.s32 @!p0 s3, s7;
	s7 =	simm.s32 @!p0 $0x108  }
0x21: {  	s3 =	sadd.s32 s3, s9;
	s6 =	sadd.s32 @!p0 $0x88, s6;
	s7 =	simm.s32 @p2 $0x1082  }
0x22: {  	[simem:s7], [sflag:s8] =	dma.local @!p0 [hbm:s6], $0xF7A  }
0x23: {  	s9 =	sor.u32 $0xD0000000, s2;
	s6 =	simm.s32 $0x108;
	_ =	swait.ge @!p0 [sflag:s8], $0x0  }
0x24: {  	s3 =	sadd.s32 $0x88, s3;
	s6 =	simm.s32 @!p1 $0x1082;
	[sflag:s4] =	ssyncset.s32 $0xFFFFF086  }
0x25: {  	[simem:s6], [sflag:s4] =	dma.local [hbm:s3], $0xF7A  }
0x26: {  	[smem:$0x3F9B] =	sst s1;
	(tag) =	ssettag s2;
	_ =	strace s9  }
0x27: {  	s1 =	sld [smem:$0x3FAB]  }
0x28: {  	s2 =	sld [smem:$0x3FAC]  }
0x29: {  	s4 =	sld [smem:$0x3FAE]  }
0x2a: {  	p0 =	seq.s32 s5, $0x0;
	s5 =	sld [smem:$0x3FAF]  }
0x2b: {  	s6 =	sld [smem:$0x3FB0]  }
0x2c: {  	s7 =	sld [smem:$0x3FB1]  }
0x2d: {  	s3 =	simm.s32 $0x108;
	s8 =	sld [smem:$0x3FB2]  }
0x2e: {  	s3 =	simm.s32 @!p0 $0x1082;
	s9 =	sld [smem:$0x3FB3]  }
0x2f: {  	lr =	sadd.s32 s0, s3;
	s0 =	sld [smem:$0x3FAA]  }
0x30: {  	s3 =	sld [smem:$0x3FAD]  }
0x31: {  	[smem:$0x3FB6] =	sst s10  }
0x32: {  	s10 =	sld [smem:$0x3FB4];
	_ =	sdelay $0x3  }
0x33: {  	p0 =	seq.s32 s10, $0x1;
	s10 =	sld [smem:$0x3FB6];
	_ =	sdelay $0x3  }
0x34: {  	[smem:$0x3FB6] =	sst s10  }
0x35: {  	s10 =	sld [smem:$0x3FB5];
	_ =	sdelay $0x3  }
0x36: {  	p1 =	seq.s32 s10, $0x1;
	s10 =	sld [smem:$0x3FB6];
	_ =	sdelay $0x3  }
0x37: {  	[smem:$0x3FB6] =	sst s10  }
0x38: {  	s10 =	sld [smem:$0x3FB7]  }
0x39: {  	_ = 	snop;
	(pc) =	sbr.ind lr, $3  }
0x3a: {  	_ = 	snop  }
0x3b: {  	_ = 	snop  }
0x3c: {  	p2 =	seq.s32 s10, $0x1;
	s10 =	sld [smem:$0x3FB6]  }
0x3d: {  	_ =	shalt  }
0x3e: {  	_ =	shalt  }
0x3f: {  	_ =	shalt  }
0x40: {  	_ =	shalt  }
0x41: {  	_ =	shalt  }
0x42: {  	_ =	shalt  }
0x43: {  	_ =	shalt  }
0x44: {  	_ =	shalt  }
0x45: {  	_ =	shalt  }
0x46: {  	_ =	shalt  }
0x47: {  	_ =	shalt  }
0x48: {  	_ =	shalt  }
0x49: {  	_ =	shalt  }
0x4a: {  	_ =	shalt  }
0x4b: {  	_ =	shalt  }
0x4c: {  	_ =	shalt  }
0x4d: {  	_ =	shalt  }
0x4e: {  	_ =	shalt  }
0x4f: {  	_ =	shalt  }
0x50: {  	_ =	shalt  }
0x51: {  	_ =	shalt  }
0x52: {  	_ =	shalt  }
0x53: {  	_ =	shalt  }
0x54: {  	_ =	shalt  }
0x55: {  	_ =	shalt  }
0x56: {  	_ =	shalt  }
0x57: {  	_ =	shalt  }
0x58: {  	_ =	shalt  }
0x59: {  	_ =	shalt  }
0x5a: {  	_ =	shalt  }
0x5b: {  	_ =	shalt  }
0x5c: {  	_ =	shalt  }
0x5d: {  	_ =	shalt  }
0x5e: {  	_ =	shalt  }
0x5f: {  	_ =	shalt  }
0x60: {  	_ =	shalt  }
0x61: {  	_ =	shalt  }
0x62: {  	_ =	shalt  }
0x63: {  	_ =	shalt  }
0x64: {  	_ =	shalt  }
0x65: {  	_ =	shalt  }
0x66: {  	_ =	shalt  }
0x67: {  	_ =	shalt  }
0x68: {  	_ =	shalt  }
0x69: {  	_ =	shalt  }
0x6a: {  	_ =	shalt  }
0x6b: {  	_ =	shalt  }
0x6c: {  	_ =	shalt  }
0x6d: {  	_ =	shalt  }
0x6e: {  	_ =	shalt  }
0x6f: {  	_ =	shalt  }
0x70: {  	_ =	shalt  }
0x71: {  	_ =	shalt  }
0x72: {  	_ =	shalt  }
0x73: {  	_ =	shalt  }
0x74: {  	_ =	shalt  }
0x75: {  	_ =	shalt  }
0x76: {  	_ =	shalt  }
0x77: {  	_ =	shalt  }
0x78: {  	_ =	shalt  }
0x79: {  	_ =	shalt  }
0x7a: {  	_ =	shalt  }
0x7b: {  	_ =	shalt  }
0x7c: {  	_ =	shalt  }
0x7d: {  	_ =	shalt  }
0x7e: {  	_ =	shalt  }
0x7f: {  	_ =	shalt  }
0x80: {  	_ =	shalt  }
0x81: {  	_ =	shalt  }
0x82: {  	_ =	shalt  }
0x83: {  	_ =	shalt  }
0x84: {  	_ =	shalt  }
0x85: {  	_ =	shalt  }
0x86: {  	_ =	shalt  }
0x87: {  	_ =	shalt  }
.Lfunc_end0:
.L_simem_size_0:
called_computation_lowered:
.L_overlay_start_0:
0x88: {  	s2 =	sld [smem:$0x3FD9]  }
0x89: {  	s3 =	sld [smem:$0x3FFE];
	_ =	sdelay $0x1  }
0x8a: {  	s1 =	srdreg.scid  }
0x8b: {  	s0 =	sand.u32 $0x1, s1  }
0x8c: {  	s17 =	sshll.u32 s0, $0xA;
	s2 =	sadd.s32 s3, s2  }
0x8d: {  	s2 =	sadd.s32 s2, s17  }
0x8e: {  	[smem:$0x3FC2] =	sst s2  }
0x8f: {  	_ = 	snop  }
0x90: {  	s2 =	sld [smem:$0x3FD0];
	(tm) =	ssettm $0x1  }
0x91: {  	s18 =	sld [smem:$0x3FFB];
	_ =	sdelay $0x3  }
0x92: {  	_ =	strace s18  }
0x93: {  	s3 =	sld [smem:$0x3FFC];
	_ =	sdelay $0x3  }
0x94: {  	_ =	strace s3  }
0x95: {  	s3 =	sld [smem:$0x3FFD];
	_ =	sdelay $0x3  }
0x96: {  	_ =	strace s3  }
0x97: {  	_ =	strace $0x8FFFFFFF  }
0x98: {  	s19 =	sld [smem:$0x3FDB];
	_ =	sdelay $0x1  }
0x99: {  	s4 =	simm.s32 $_scs_section_size  }
0x9a: {  	s5 =	simm.s32 $_size__tile_overlayer_lowered;
	s6 =	simm.s32 $_tile_overlayer_lowered  }
0x9b: {  	s22 =	simm.s32 $0x1BFF;
	s21 =	sshll.u32 s6, $0x1;
	s3 =	sadd.s32 s4, s19  }
0x9c: {  	s7 =	simm.s32 $0x0;
	s20 =	sshll.u32 s5, $0x1;
	s5 =	sadd.s32 s21, s3  }
0x9d: {  	[timem:s7], [sflag:s22] =	dma.local [hbm:s5], s20  }
0x9e: {  	_ =	swait.ge [sflag:s22], s20  }
0x9f: {  	s4 =	ssub.s32 $0x0, s20;
	[sflag:s22] =	ssyncset.done $0x0  }
0xa0: {  	[sflag:s22] =	ssyncadd.s32 s4;
	_ =	sdelay $0x1  }
0xa1: {  	s23 =	simm.s32 $0x1B8B  }
0xa2: {  	_ =	swait.ge [sflag:s23], $0x1  }
0xa3: {  	[sflag:s23] =	ssyncset.done $0x0  }
0xa4: {  	s25 =	simm.s32 $0x1B8E;
	s24 =	sld [smem:$0x3FFE];
	[sflag:s23] =	ssyncadd.s32 $0xFFFFFFFF  }
0xa5: {  	s26 =	simm.s32 $execute0_lowered;
	[smem:$0x3FD2] =	sst s25  }
0xa6: {  	s5 =	sshll.u32 s26, $0x1;
	_ =	strace $0x80000046;
	[dreg:$0x1] =	wrdreg $0xFFFFFFFF  }
0xa7: {  	s28 =	simm.s32 $_size_execute0_lowered;
	s3 =	sadd.s32 s3, s5;
	[dreg:$0x0] =	wrdreg $0x0  }
0xa8: {  	s5 =	sshll.u32 s28, $0x1;
	[dreg:$0x2] =	wrdreg s3  }
0xa9: {  	[dreg:$0x3] =	wrdreg s5  }
0xaa: {  	[dreg:$0x4] =	wrdreg $0xC0  }
0xab: {  	_ =	task [dreg:s7], $0x5FFFF  }
0xac: {  	[dreg:$0x1] =	wrdreg $0xFFFFFFFF  }
0xad: {  	[dreg:$0x0] =	wrdreg $0x60  }
0xae: {  	[dreg:$0x2] =	wrdreg s24  }
0xaf: {  	[dreg:$0x3] =	wrdreg s2  }
0xb0: {  	[dreg:$0x4] =	wrdreg $0x44000  }
0xb1: {  	[dreg:$0x5] =	wrdreg $0x9  }
0xb2: {  	_ =	task.clear_ibuf [dreg:s7], $0x6FFFF;
	_ =	strace $0x90000046  }
0xb3: {  	s29 =	simm.s32 $0x9;
	_ =	strace $0x80000048  }
0xb4: {  	_ =	swait.ge [sflag:s29], $0x1  }
0xb5: {  	[sflag:s29] =	ssyncadd.s32 $0xFFFFFFFF  }
0xb6: {  	_ =	strace $0x90000048  }
0xb7: {  	_ =	sfence  }
0xb8: {  	s30 =	sld [smem:$0x0];
	_ =	sdelay $0x2  }
0xb9: {  	s31 =	sshll.u32 s1, $0xD;
	s1 =	sshrl.u32 s1, $0x2  }
0xba: {  	s3 =	sand.u32 $0x4000, s31;
	s1 =	sadd.s32 s1, s30  }
0xbb: {  	s0 =	sor.u32 s3, s0;
	s1 =	sshll.u32 s1, $0x11  }
0xbc: {  	s0 =	sor.u32 s1, s0  }
0xbd: {  	s0 =	sadd.s32 $0x8F2B, s0  }
0xbe: {  	[sflag:s0] =	ssyncadd.remote.s32 $0x1  }
0xbf: {  	_ =	sfence.sel $0xFFFF  }
0xc0: {  	[dreg:$0x0] =	wrdreg $0xFFFFFFFF;
	(pc) =	sbr.abs _section_cstart, $3  }
0xc1: {  	[dreg:$0x1] =	wrdreg $0xFFFFFFFF  }
0xc2: {  	_ =	task.clear_ibuf [dreg:s7], $0x2FFFF;
	_ =	strace $0x9FFFFFFF  }
0xc3: {  	(tm) =	ssettm $0x7FFFFFFF  }
tec
execute0_lowered:
.L_overlay_start_1:
0x0: {  	(tag) =	ssettag $0x1  }
0x1: {  	s5 =	rddreg [dreg:$0x0]  }
0x2: {  	s2 =	rddreg [dreg:$0x1]  }
0x3: {  	s3 =	rddreg [dreg:$0x2]  }
0x4: {  	s0 =	srdreg.scid;
	s1 =	rddreg [dreg:$0x3];
	s4 =	simm.s32 $0x0  }
0x5: {  	s13 =	simm.s32 $0x80;
	s14 =	simm.s32 $0x100;
	s15 =	simm.s32 $0x180  }
0x6: {  	s16 =	simm.s32 $0x200;
	s17 =	simm.s32 $0x280;
	s6 =	sand.u32 $0x1, s0  }
0x7: {  	s18 =	simm.s32 $0x300;
	s0 =	stileid.u32;
	s7 =	smul.u32 $0x5000, s6  }
0x8: {  	s19 =	simm.s32 $0x380;
	s20 =	simm.s32 $0x1;
	s8 =	smul.u32 $0x14000, s0  }
0x9: {  	s21 =	simm.s32 $0x0;
	[smem:$0x7FF] =	sst s4;
	s9 =	smul.u32 $0x140000, s6  }
0xa: {  	_ =	strace $0x80000047;
	s10 =	smul.u32 $0x50000, s0;
	s30 =	ssub.s32 $0x2, s6  }
0xb: {  	s11 =	smul.u32 $0x500, s0;
	s31 =	sshll.u32 s0, $0x6;
	s6 =	sshrl.u32 s30, $0x1  }
0xc: {  	s7 =	sadd.s32 s7, s5;
	s9 =	sadd.s32 s8, s9;
	s8 =	sshrl.u32 s8, $0x3  }
0xd: {  	s10 =	sshrl.u32 s10, $0x2;
	s12 =	ssub.s32 s30, s6;
	s6 =	sor.u32 $0x1C02, s31  }
0xe: {  	s9 =	sshrl.u32 s9, $0x3;
	s8 =	sadd.s32 s8, s5;
	s10 =	sadd.s32 s10, s3  }
0xf: {  	s11 =	sadd.s32 s11, s7;
	s9 =	sadd.s32 s9, s5;
	s5 =	sadd.s32 $0x16000, s8  }
0x10: {  	s8 =	smax.u32 s12, $0x1;
	s10 =	sshrl.u32 s10, $0x3;
	s12 =	simm.s32 $0x400  }
0x11: {  	s7 =	sadd.s32 $0x3E000, s9;
	s9 =	sadd.s32 $0xC000, s11;
	s11 =	simm.s32 $0x2  }
.LBB2_1:
0x12: {  	[spmem:s10], [sflag:s6] =	dma.local [hbm:s5], $0x2800  }
0x13: {  	_ =	swait.ge [sflag:s11], $0x2800  }
0x14: {  	[sflag:s11] =	ssyncset.done $0x0  }
0x15: {  	[sflag:s11] =	ssyncadd.s32 $0xFFFFD800  }
0x16: {  	[tilespmem:s12], [sflag:$0x2] =	stream.linear.gather [hbm4b:s2+s4], $0x4000, $0x38;
	[tilespmem:$0x18400] =	vst v63  }
0x17: {  	_ =	swait.ge [sflag:s11], $0x4000  }
0x18: {  	[sflag:s11] =	ssyncset.done $0x0  }
0x19: {  	[sflag:s11] =	ssyncadd.s32 $0xFFFFC000  }
0x1a: {  	s22 =	sadd.s32 $0x0, s9;
	[bflag:$0x0] =	sbarrier.arrive $0xFFFF  }
0x1b: {  	[tilespmem:s4], [sflag:$0x2] =	stream.linear.gather [hbm4b:s22+s4], $0x400, $0x38;
	[tilespmem:$0x18400] =	vst v63  }
0x1c: {  	_ =	swait.ge [sflag:s11], $0x400  }
0x1d: {  	[sflag:s11] =	ssyncset.done $0x0  }
0x1e: {  	[sflag:s11] =	ssyncadd.s32 $0xFFFFFC00  }
0x1f: {  	[spmem:s3] =	stream.indirect.scatter.add.f32 [tilespmem:s12], [sflag:$0x1], $0x80, s4, s13, $0xb8;
	[tilespmem:$0x18400] =	vst v63  }
0x20: {  	_ = 	snop  }
0x21: {  	[spmem:s3] =	stream.indirect.scatter.add.f32 [tilespmem:s12], [sflag:$0x1], $0x80, s13, s13, $0xb8;
	[tilespmem:$0x18400] =	vst v63  }
0x22: {  	_ = 	snop  }
0x23: {  	[spmem:s3] =	stream.indirect.scatter.add.f32 [tilespmem:s12], [sflag:$0x1], $0x80, s14, s13, $0xb8;
	[tilespmem:$0x18400] =	vst v63  }
0x24: {  	_ = 	snop  }
0x25: {  	[spmem:s3] =	stream.indirect.scatter.add.f32 [tilespmem:s12], [sflag:$0x1], $0x80, s15, s13, $0xb8;
	[tilespmem:$0x18400] =	vst v63  }
0x26: {  	_ = 	snop  }
0x27: {  	[spmem:s3] =	stream.indirect.scatter.add.f32 [tilespmem:s12], [sflag:$0x1], $0x80, s16, s13, $0xb8;
	[tilespmem:$0x18400] =	vst v63  }
0x28: {  	_ = 	snop  }
0x29: {  	[spmem:s3] =	stream.indirect.scatter.add.f32 [tilespmem:s12], [sflag:$0x1], $0x80, s17, s13, $0xb8;
	[tilespmem:$0x18400] =	vst v63  }
0x2a: {  	_ = 	snop  }
0x2b: {  	[spmem:s3] =	stream.indirect.scatter.add.f32 [tilespmem:s12], [sflag:$0x1], $0x80, s18, s13, $0xb8;
	[tilespmem:$0x18400] =	vst v63  }
0x2c: {  	_ = 	snop  }
0x2d: {  	[spmem:s3] =	stream.indirect.scatter.add.f32 [tilespmem:s12], [sflag:$0x1], $0x80, s19, s13, $0xb8;
	[tilespmem:$0x18400] =	vst v63  }
0x2e: {  	_ =	swait.ge [sflag:s20], $0x4000  }
0x2f: {  	[sflag:s20] =	ssyncset.done $0x0  }
0x30: {  	[sflag:s20] =	ssyncadd.s32 $0xFFFFC000  }
0x31: {  	_ =	swait.ge [sflag:s20], $0x4000  }
0x32: {  	[sflag:s20] =	ssyncset.done $0x0  }
0x33: {  	[sflag:s20] =	ssyncadd.s32 $0xFFFFC000  }
0x34: {  	_ =	swait.ge [sflag:s20], $0x4000  }
0x35: {  	[sflag:s20] =	ssyncset.done $0x0  }
0x36: {  	[sflag:s20] =	ssyncadd.s32 $0xFFFFC000  }
0x37: {  	_ =	swait.ge [sflag:s20], $0x4000  }
0x38: {  	[sflag:s20] =	ssyncset.done $0x0  }
0x39: {  	[sflag:s20] =	ssyncadd.s32 $0xFFFFC000  }
0x3a: {  	_ =	swait.ge [sflag:s20], $0x4000  }
0x3b: {  	[sflag:s20] =	ssyncset.done $0x0  }
0x3c: {  	[sflag:s20] =	ssyncadd.s32 $0xFFFFC000  }
0x3d: {  	_ =	swait.ge [sflag:s20], $0x4000  }
0x3e: {  	[sflag:s20] =	ssyncset.done $0x0  }
0x3f: {  	[sflag:s20] =	ssyncadd.s32 $0xFFFFC000  }
0x40: {  	_ =	swait.ge [sflag:s20], $0x4000  }
0x41: {  	[sflag:s20] =	ssyncset.done $0x0  }
0x42: {  	[sflag:s20] =	ssyncadd.s32 $0xFFFFC000  }
0x43: {  	_ =	swait.ge [sflag:s20], $0x4000  }
0x44: {  	s24 =	simm.s32 $0x100;
	s22 =	simm.s32 $0x80;
	[sflag:s20] =	ssyncset.done $0x0  }
.LBB2_2:
0x45: {  	s25 =	sadd.s32 s22, s9  }
0x46: {  	[sflag:s20] =	ssyncadd.s32 $0xFFFFC000;
	s22 =	smov.u32 s24;
	s23 =	sadd.s32 $0x80, s24  }
0x47: {  	[tilespmem:s4], [sflag:$0x2] =	stream.linear.gather [hbm4b:s25+s4], $0x400, $0x38;
	[tilespmem:$0x18400] =	vst v63  }
0x48: {  	p0 =	sne.s32 s24, $0x480;
	_ =	swait.ge [sflag:s11], $0x400  }
0x49: {  	[sflag:s11] =	ssyncset.done $0x0  }
0x4a: {  	[sflag:s11] =	ssyncadd.s32 $0xFFFFFC00  }
0x4b: {  	[spmem:s3] =	stream.indirect.scatter.add.f32 [tilespmem:s12], [sflag:$0x1], $0x80, s4, s13, $0xb8;
	[tilespmem:$0x18400] =	vst v63  }
0x4c: {  	_ = 	snop  }
0x4d: {  	[spmem:s3] =	stream.indirect.scatter.add.f32 [tilespmem:s12], [sflag:$0x1], $0x80, s13, s13, $0xb8;
	[tilespmem:$0x18400] =	vst v63  }
0x4e: {  	_ = 	snop  }
0x4f: {  	[spmem:s3] =	stream.indirect.scatter.add.f32 [tilespmem:s12], [sflag:$0x1], $0x80, s14, s13, $0xb8;
	[tilespmem:$0x18400] =	vst v63  }
0x50: {  	_ = 	snop  }
0x51: {  	[spmem:s3] =	stream.indirect.scatter.add.f32 [tilespmem:s12], [sflag:$0x1], $0x80, s15, s13, $0xb8;
	[tilespmem:$0x18400] =	vst v63  }
0x52: {  	_ = 	snop  }
0x53: {  	[spmem:s3] =	stream.indirect.scatter.add.f32 [tilespmem:s12], [sflag:$0x1], $0x80, s16, s13, $0xb8;
	[tilespmem:$0x18400] =	vst v63  }
0x54: {  	_ = 	snop  }
0x55: {  	[spmem:s3] =	stream.indirect.scatter.add.f32 [tilespmem:s12], [sflag:$0x1], $0x80, s17, s13, $0xb8;
	[tilespmem:$0x18400] =	vst v63  }
0x56: {  	_ = 	snop  }
0x57: {  	[spmem:s3] =	stream.indirect.scatter.add.f32 [tilespmem:s12], [sflag:$0x1], $0x80, s18, s13, $0xb8;
	[tilespmem:$0x18400] =	vst v63  }
0x58: {  	_ = 	snop  }
0x59: {  	[spmem:s3] =	stream.indirect.scatter.add.f32 [tilespmem:s12], [sflag:$0x1], $0x80, s19, s13, $0xb8;
	[tilespmem:$0x18400] =	vst v63  }
0x5a: {  	_ =	swait.ge [sflag:s20], $0x4000  }
0x5b: {  	[sflag:s20] =	ssyncset.done $0x0  }
0x5c: {  	[sflag:s20] =	ssyncadd.s32 $0xFFFFC000  }
0x5d: {  	_ =	swait.ge [sflag:s20], $0x4000  }
0x5e: {  	[sflag:s20] =	ssyncset.done $0x0  }
0x5f: {  	[sflag:s20] =	ssyncadd.s32 $0xFFFFC000  }
0x60: {  	_ =	swait.ge [sflag:s20], $0x4000  }
0x61: {  	[sflag:s20] =	ssyncset.done $0x0  }
0x62: {  	[sflag:s20] =	ssyncadd.s32 $0xFFFFC000  }
0x63: {  	_ =	swait.ge [sflag:s20], $0x4000  }
0x64: {  	[sflag:s20] =	ssyncset.done $0x0  }
0x65: {  	[sflag:s20] =	ssyncadd.s32 $0xFFFFC000  }
0x66: {  	_ =	swait.ge [sflag:s20], $0x4000  }
0x67: {  	[sflag:s20] =	ssyncset.done $0x0  }
0x68: {  	[sflag:s20] =	ssyncadd.s32 $0xFFFFC000  }
0x69: {  	_ =	swait.ge [sflag:s20], $0x4000  }
0x6a: {  	[sflag:s20] =	ssyncset.done $0x0  }
0x6b: {  	[sflag:s20] =	ssyncadd.s32 $0xFFFFC000  }
.Ltmp0:
0x6c: {  	_ =	swait.ge [sflag:s20], $0x4000;
	(pc) =	sbr.rel @p0 .LBB2_2-.Ltmp0, $4  }
0x6d: {  	[sflag:s20] =	ssyncset.done $0x0  }
0x6e: {  	[sflag:s20] =	ssyncadd.s32 $0xFFFFC000  }
0x6f: {  	_ =	swait.ge [sflag:s20], $0x4000  }
0x70: {  	s24 =	smov.u32 s23;
	[sflag:s20] =	ssyncset.done $0x0  }
0x71: {  	s22 =	sadd.s32 s22, s9;
	[sflag:s20] =	ssyncadd.s32 $0xFFFFC000  }
0x72: {  	[tilespmem:s4], [sflag:$0x2] =	stream.linear.gather [hbm4b:s22+s4], $0x400, $0x38;
	[tilespmem:$0x18400] =	vst v63  }
0x73: {  	_ =	swait.ge [sflag:s11], $0x400  }
0x74: {  	[sflag:s11] =	ssyncset.done $0x0  }
0x75: {  	[sflag:s11] =	ssyncadd.s32 $0xFFFFFC00  }
0x76: {  	[spmem:s3] =	stream.indirect.scatter.add.f32 [tilespmem:s12], [sflag:$0x1], $0x80, s4, s13, $0xb8;
	[tilespmem:$0x18400] =	vst v63  }
0x77: {  	_ = 	snop  }
0x78: {  	[spmem:s3] =	stream.indirect.scatter.add.f32 [tilespmem:s12], [sflag:$0x1], $0x80, s13, s13, $0xb8;
	[tilespmem:$0x18400] =	vst v63  }
0x79: {  	_ = 	snop  }
0x7a: {  	[spmem:s3] =	stream.indirect.scatter.add.f32 [tilespmem:s12], [sflag:$0x1], $0x80, s14, s13, $0xb8;
	[tilespmem:$0x18400] =	vst v63  }
0x7b: {  	_ = 	snop  }
0x7c: {  	[spmem:s3] =	stream.indirect.scatter.add.f32 [tilespmem:s12], [sflag:$0x1], $0x80, s15, s13, $0xb8;
	[tilespmem:$0x18400] =	vst v63  }
0x7d: {  	_ = 	snop  }
0x7e: {  	[spmem:s3] =	stream.indirect.scatter.add.f32 [tilespmem:s12], [sflag:$0x1], $0x80, s16, s13, $0xb8;
	[tilespmem:$0x18400] =	vst v63  }
0x7f: {  	_ = 	snop  }
0x80: {  	[spmem:s3] =	stream.indirect.scatter.add.f32 [tilespmem:s12], [sflag:$0x1], $0x80, s17, s13, $0xb8;
	[tilespmem:$0x18400] =	vst v63  }
0x81: {  	_ = 	snop  }
0x82: {  	[spmem:s3] =	stream.indirect.scatter.add.f32 [tilespmem:s12], [sflag:$0x1], $0x80, s18, s13, $0xb8;
	[tilespmem:$0x18400] =	vst v63  }
0x83: {  	_ = 	snop  }
0x84: {  	[spmem:s3] =	stream.indirect.scatter.add.f32 [tilespmem:s12], [sflag:$0x1], $0x80, s19, s13, $0xb8;
	[tilespmem:$0x18400] =	vst v63  }
0x85: {  	_ =	swait.ge [sflag:s20], $0x4000  }
0x86: {  	[sflag:s20] =	ssyncset.done $0x0  }
0x87: {  	[sflag:s20] =	ssyncadd.s32 $0xFFFFC000  }
0x88: {  	_ =	swait.ge [sflag:s20], $0x4000  }
0x89: {  	[sflag:s20] =	ssyncset.done $0x0  }
0x8a: {  	[sflag:s20] =	ssyncadd.s32 $0xFFFFC000  }
0x8b: {  	_ =	swait.ge [sflag:s20], $0x4000  }
0x8c: {  	[sflag:s20] =	ssyncset.done $0x0  }
0x8d: {  	[sflag:s20] =	ssyncadd.s32 $0xFFFFC000  }
0x8e: {  	_ =	swait.ge [sflag:s20], $0x4000  }
0x8f: {  	[sflag:s20] =	ssyncset.done $0x0  }
0x90: {  	[sflag:s20] =	ssyncadd.s32 $0xFFFFC000  }
0x91: {  	_ =	swait.ge [sflag:s20], $0x4000  }
0x92: {  	[sflag:s20] =	ssyncset.done $0x0  }
0x93: {  	[sflag:s20] =	ssyncadd.s32 $0xFFFFC000  }
0x94: {  	_ =	swait.ge [sflag:s20], $0x4000  }
0x95: {  	[sflag:s20] =	ssyncset.done $0x0  }
0x96: {  	[sflag:s20] =	ssyncadd.s32 $0xFFFFC000  }
0x97: {  	_ =	swait.ge [sflag:s20], $0x4000  }
0x98: {  	[sflag:s20] =	ssyncset.done $0x0  }
0x99: {  	[sflag:s20] =	ssyncadd.s32 $0xFFFFC000  }
0x9a: {  	_ =	swait.ge [sflag:s20], $0x4000  }
0x9b: {  	s21 =	sadd.s32 $0x1, s21;
	[sflag:s20] =	ssyncset.done $0x0  }
0x9c: {  	p0 =	sne.s32 s21, s8;
	[sflag:s20] =	ssyncadd.s32 $0xFFFFC000  }
.Ltmp1:
0x9d: {  	[bflag:$0x0] =	sbarrier.arrive $0xFFFF;
	(pc) =	sbr.rel @p0 .LBB2_1-.Ltmp1, $4  }
0x9e: {  	[hbm:s7], [sflag:s6] =	dma.local [spmem:s10], $0x2800  }
0x9f: {  	_ =	swait.ge [sflag:s11], $0x2800  }
0xa0: {  	[sflag:s11] =	ssyncset.done $0x0  }
0xa1: {  	[sflag:s11] =	ssyncadd.s32 $0xFFFFD800  }
0xa2: {  	_ =	sfence.sel $0x180000  }
0xa3: {  	[bflag:$0x0] =	sbarrier.arrive $0xFFFF  }
0xa4: {  	p0 =	sne.s32 s0, $0x0;
	_ =	strace $0x90000047  }
0xa5: {  	s0 =	sadd.s32 @!p0 $0x100000, s1;
	[bflag:$0x2] =	sbarrier.arrive $0xFFFF  }
0xa6: {  	[sflag:s0] =	ssyncadd.tile.s32 @!p0 $0x1;
	_ =	shalt  }
.Lfunc_end2:
_tile_overlayer_lowered:
.L_overlay_start_2:
0xa7: {  	(tag) =	ssettag $0x2  }
0xa8: {  	s0 =	rddreg [dreg:$0x0];
	s2 =	stileid.u32  }
0xa9: {  	s1 =	rddreg [dreg:$0x1];
	p0 =	sne.s32 s2, $0x0  }
0xaa: {  	s3 =	rddreg [dreg:$0x2];
	[bflag:$0x3] =	sbarrier.arrive $0xFFFF;
	s2 =	simm.s32 @!p0 $0x1C02  }
0xab: {  	[timem:s3], [sflag:s2] =	dma.local @!p0 [hbm:s0], s1  }
0xac: {  	s0 =	simm.s32 @!p0 $0x2  }
0xad: {  	_ =	swait.ge @!p0 [sflag:s0], s1  }
0xae: {  	s1 =	ssub.s32 @!p0 $0x0, s1;
	[sflag:s0] =	ssyncset.done @!p0 $0x0  }
0xaf: {  	[sflag:s0] =	ssyncadd.s32 @!p0 s1  }
0xb0: {  	[bflag:$0x3] =	sbarrier.arrive $0xFFFF  }
0xb1: {  	_ =	shalt  }

</sc_bundles>
